<compile_context>
chip_gen: v7x
topology: tpu7x:2x2x1
jax: 0.10.2.dev20260603
libtpu: 0.0.44.dev20260713+nightly
codegen_flags: <defaults>
</compile_context>

<pallas_src>
import functools
import jax
import jax.numpy as jnp
from jax import lax
from jax.experimental import pallas as pl
from jax.experimental.pallas import tpu as pltpu
from jax.experimental.pallas import tpu_sc as plsc

BATCH = 32
P_TOTAL = 4096
D = 1100
D_SC = 1024
D_TAIL = D - D_SC
NUM_LEVELS = 256
NW = 32
P_SC = 768
P_W = P_SC // NW
NDV = D_SC // 16
P_TC = P_TOTAL - P_SC
P_BLK = 256
N_STEPS = P_TC // P_BLK


def _prep_kernel(x_ref, vw_ref, idx_ref, t_ref):
    xf = x_ref[...].astype(jnp.float32)
    idx = jnp.round(xf / 256.0 * 255.0)
    idx = jnp.clip(idx, 0, NUM_LEVELS - 1).astype(jnp.int32)
    idx_ref[...] = idx.T
    t = jnp.sum((vw_ref[...] < 0).astype(jnp.int32), axis=0, keepdims=True)
    t_ref[...] = t


def _replicate_lane(row, b):
    idxv = jnp.full((16,), b, jnp.int32)
    return row.at[idxv].get(mode="promise_in_bounds")


def _sc_body(idxt_hbm, pos_hbm, t_hbm, part_hbm, tot_hbm,
             idxt_v, pos_v, t_v, acc_v, tot_v):
    wid = lax.axis_index("s") * 2 + lax.axis_index("c")
    p0 = wid * P_W

    pltpu.sync_copy(idxt_hbm.at[pl.ds(p0 * BATCH, P_W * BATCH)], idxt_v)
    pltpu.sync_copy(t_hbm.at[0], t_v)
    pltpu.sync_copy(pos_hbm.at[pl.ds(p0, P_W), pl.ds(0, D_SC)], pos_v)

    def dv_body(dv, _):
        sl = pl.ds(dv * 16, 16)
        tv = t_v[sl]
        zero = jnp.zeros((16,), jnp.float32)
        accs = [zero for _ in range(BATCH)]
        totv = zero

        def p_body(p, carry):
            accs, totv = carry
            pv = pos_v[p, sl]
            totv = totv + pv
            base = p * BATCH
            row0 = idxt_v[pl.ds(base, 16)]
            row1 = idxt_v[pl.ds(base + 16, 16)]
            new = []
            for b in range(BATCH):
                iv = _replicate_lane(row0 if b < 16 else row1, b % 16)
                m = iv >= tv
                new.append(accs[b] + jnp.where(m, pv, zero))
            return new, totv

        accs, totv = lax.fori_loop(0, P_W, p_body, (accs, totv))
        for b in range(BATCH):
            acc_v[b, sl] = accs[b]
        tot_v[sl] = totv
        return 0

    lax.fori_loop(0, NDV, dv_body, 0)

    pltpu.sync_copy(acc_v, part_hbm.at[wid])
    pltpu.sync_copy(tot_v, tot_hbm.at[wid])


def _tc_kernel(x_ref, pos_ref, vw_ref, hv_ref, acc_ref, tot_ref, t_ref):
    i = pl.program_id(0)

    @pl.when(i == 0)
    def _init():
        acc_ref[...] = jnp.zeros_like(acc_ref)
        tot_ref[...] = jnp.zeros_like(tot_ref)
        t_ref[...] = jnp.sum((vw_ref[...] < 0).astype(jnp.int32), axis=0,
                             keepdims=True)

    pos = pos_ref[...]
    t = t_ref[0, :]

    xf = x_ref[...].astype(jnp.float32)
    idx = jnp.round(xf / 256.0 * 255.0)
    idx = jnp.clip(idx, 0, NUM_LEVELS - 1).astype(jnp.int32)

    tot_ref[...] += jnp.sum(pos, axis=0, keepdims=True)

    rows = []
    for b in range(BATCH):
        mask = idx[b, :, None] >= t[None, :]
        masked = jnp.where(mask, pos, 0.0)
        rows.append(jnp.sum(masked, axis=0))
    acc_ref[...] += jnp.stack(rows, axis=0)

    @pl.when(i == N_STEPS - 1)
    def _fin():
        hv_ref[...] = 2.0 * acc_ref[...] - tot_ref[...]


def _combine_kernel(part_ref, tot_ref, hv_ref, x_ref, post_ref, vwt_ref,
                    out_ref):
    hv_tc = hv_ref[...]
    s = jnp.sum(part_ref[...], axis=0)
    tot = jnp.sum(tot_ref[...], axis=0)
    hv_main = 2.0 * s - tot + hv_tc[:, :D_SC]
    out_ref[:, :D_SC] = jnp.where(hv_main > 0, 1.0, -1.0)

    xf = x_ref[...].astype(jnp.float32)
    idx = jnp.round(xf / 256.0 * 255.0)
    idx = jnp.clip(idx, 0, NUM_LEVELS - 1).astype(jnp.int32)
    t_tail = jnp.sum((vwt_ref[...] < 0).astype(jnp.int32), axis=0)
    post = post_ref[...]
    rows = []
    for b in range(BATCH):
        mask = idx[b, :, None] >= t_tail[None, :]
        masked = jnp.where(mask, post, 0.0)
        rows.append(jnp.sum(masked, axis=0))
    s_tail = jnp.stack(rows, axis=0)
    tot_tail = jnp.sum(post, axis=0)
    hv_tail = 2.0 * s_tail - tot_tail + hv_tc[:, D_SC:]
    out_ref[:, D_SC:] = jnp.where(hv_tail > 0, 1.0, -1.0)


def kernel(x, position_weight, value_weight):
    B = x.shape[0]
    x_flat = x.reshape(B, -1)
    x_sc = x_flat[:, :P_SC]
    pos_tail = lax.slice(position_weight, (0, D_SC), (P_SC, D))
    vw_tail = lax.slice(value_weight, (0, D_SC), (NUM_LEVELS, D))

    idxt, t_sc = pl.pallas_call(
        _prep_kernel,
        out_shape=(
            jax.ShapeDtypeStruct((P_SC, B), jnp.int32),
            jax.ShapeDtypeStruct((1, D_SC), jnp.int32),
        ),
    )(x_sc, value_weight[:, :D_SC])
    idxt_flat = idxt.reshape(-1)

    mesh = plsc.VectorSubcoreMesh(core_axis_name="c", subcore_axis_name="s")
    sc = functools.partial(
        pl.kernel,
        mesh=mesh,
        out_type=(
            jax.ShapeDtypeStruct((NW, BATCH, D_SC), jnp.float32),
            jax.ShapeDtypeStruct((NW, D_SC), jnp.float32),
        ),
        scratch_types=[
            pltpu.VMEM((P_W * BATCH,), jnp.int32),
            pltpu.VMEM((P_W, D_SC), jnp.float32),
            pltpu.VMEM((D_SC,), jnp.int32),
            pltpu.VMEM((BATCH, D_SC), jnp.float32),
            pltpu.VMEM((D_SC,), jnp.float32),
        ],
    )(_sc_body)
    part, tot = sc(idxt_flat, position_weight, t_sc)

    hv_tc = pl.pallas_call(
        _tc_kernel,
        grid=(N_STEPS,),
        in_specs=[
            pl.BlockSpec((BATCH, P_BLK), lambda i: (0, i + P_SC // P_BLK)),
            pl.BlockSpec((P_BLK, D), lambda i: (i + P_SC // P_BLK, 0)),
            pl.BlockSpec((NUM_LEVELS, D), lambda i: (0, 0)),
        ],
        out_specs=pl.BlockSpec((BATCH, D), lambda i: (0, 0)),
        out_shape=jax.ShapeDtypeStruct((BATCH, D), jnp.float32),
        scratch_shapes=[
            pltpu.VMEM((BATCH, D), jnp.float32),
            pltpu.VMEM((1, D), jnp.float32),
            pltpu.VMEM((1, D), jnp.int32),
        ],
    )(x_flat, position_weight, value_weight)

    out = pl.pallas_call(
        _combine_kernel,
        out_shape=jax.ShapeDtypeStruct((BATCH, D), jnp.float32),
    )(part, tot, hv_tc, x_sc, pos_tail, vw_tail)
    return out

# --- scband reference (transcript-rebuilt; emitter-appended) ---
"""Pipeline reference for scband-encoder-25537875542226 (READ-ONLY COPY).

The authoritative reference and input builder live on the scoring server;
editing this copy changes nothing except your own understanding.
"""

import jax, jax.numpy as jnp
import numpy as np

DIMENSIONS = 1100
NUM_LEVELS = 256
SIZE = 64
BATCH = 32

_c = DIMENSIONS // NUM_LEVELS
_r = DIMENSIONS % NUM_LEVELS


def _build_level_weights():
    levels = []
    for number in range(NUM_LEVELS):
        if number == 0:
            my_list = [-1] * DIMENSIONS
        elif number == NUM_LEVELS - 1:
            my_list = [1] * DIMENSIONS
        else:
            mm = [-1] * (NUM_LEVELS - number) + [1] * number
            my_list = []
            for _ in range(_c):
                my_list = mm + my_list
            if _r != 0:
                my_list = mm[-_r:] + my_list
        levels.append(my_list)
    return jnp.asarray(np.array(levels, dtype=np.float32))


def setup_inputs(seed: int = 0) -> dict:
    key = jax.random.key(seed)
    k_x, k_pos = jax.random.split(key)
    # pixel values in [0, 256)
    x = jax.random.randint(k_x, (BATCH, SIZE, SIZE), 0, 256, dtype=jnp.int64 if jax.config.jax_enable_x64 else jnp.int32)
    # LFSR-generated bipolar position hypervectors -> emulate as random +/-1
    pos_raw = jax.random.normal(k_pos, (SIZE * SIZE, DIMENSIONS), dtype=jnp.float32)
    position_weight = jnp.where(pos_raw > 0, 1.0, -1.0).astype(jnp.float32)
    value_weight = _build_level_weights()  # [256, 1100], faithful thermometer levels
    return {"x": x, "position_weight": position_weight, "value_weight": value_weight}


def reference(x, position_weight, value_weight):
    B = x.shape[0]
    flat = x.reshape(B, -1)  # flatten -> [B, P]
    num = value_weight.shape[0]
    low, high = 0.0, 256.0
    # torchhd Level: map value in [low, high] to nearest level index
    idx = jnp.round((flat.astype(jnp.float32) - low) / (high - low) * (num - 1))
    idx = jnp.clip(idx, 0, num - 1).astype(jnp.int32)
    lvl = jnp.take(value_weight, idx, axis=0)  # [B, P, D] gather
    bound = position_weight[None, :, :] * lvl  # bind (MAP multiply)
    sample_hv = jnp.sum(bound, axis=1)  # multiset (bundle) -> [B, D]
    return jnp.where(sample_hv > 0, jnp.float32(1.0), jnp.float32(-1.0))

if __name__ == "__main__":
    import jax
    _d = setup_inputs()
    print(jax.jit(kernel)(*tuple(_d.values())))

</pallas_src>

<mosaic_0001>
#map = affine_map<(d0, d1) -> (0)>
#map1 = affine_map<(d0, d1) -> (0, 0)>
#map2 = affine_map<(d0, d1) -> (0, 0, 0)>
module attributes {stable_mosaic.version = 14 : i64} {
  func.func @_sc_body(%arg0: i32, %arg1: i32, %arg2: memref<24576xi32, #tpu.memory_space<hbm>>, %arg3: memref<4096x1100xf32, #tpu.memory_space<hbm>>, %arg4: memref<1x1024xi32, #tpu.memory_space<hbm>>, %arg5: memref<32x32x1024xf32, #tpu.memory_space<hbm>>, %arg6: memref<32x1024xf32, #tpu.memory_space<hbm>>, %arg7: memref<768xi32, #tpu.memory_space<vmem>>, %arg8: memref<24x1024xf32, #tpu.memory_space<vmem>>, %arg9: memref<1024xi32, #tpu.memory_space<vmem>>, %arg10: memref<32x1024xf32, #tpu.memory_space<vmem>>, %arg11: memref<1024xf32, #tpu.memory_space<vmem>>) attributes {dimension_semantics = [#tpu.dimension_semantics<core_parallel>, #tpu.dimension_semantics<subcore_parallel>], iteration_bounds = array<i64: 2, 16>, scalar_prefetch = 0 : i64, scratch_operands = 5 : i64, tpu.core_type = #tpu.core_type<sc_vector_subcore>, window_params = [{transform_indices = #map}, {transform_indices = #map1}, {transform_indices = #map1}, {transform_indices = #map2}, {transform_indices = #map1}]} {
    %mul3A = arith.constant 2 : i32
    %mul3A_0 = arith.muli %arg1, %mul3A : i32
    %add3A = arith.addi %mul3A_0, %arg0 : i32
    %mul3A_1 = arith.constant 24 : i32
    %mul3A_2 = arith.muli %add3A, %mul3A_1 : i32
    %mul3A_3 = arith.constant 32 : i32
    %mul3A_4 = arith.muli %mul3A_2, %mul3A_3 : i32
    "tpu.region"() ({
      %run_scoped3A_11 = tpu.sem_alloc : memref<!tpu.dma_semaphore, #tpu.memory_space<semaphore_mem>>
      %dma_start3A = tpu.memref_slice %arg2[%mul3A_4] : memref<24576xi32, #tpu.memory_space<hbm>> -> memref<768xi32, #tpu.memory_space<hbm>>
      %dma_start3A_12 = tpu.memref_slice %arg2[%mul3A_4] : memref<24576xi32, #tpu.memory_space<hbm>> -> memref<768xi32, #tpu.memory_space<hbm>>
      tpu.enqueue_dma source(%dma_start3A_12 : memref<768xi32, #tpu.memory_space<hbm>>) target(%arg7 : memref<768xi32, #tpu.memory_space<vmem>>) target_semaphore(%run_scoped3A_11 : memref<!tpu.dma_semaphore, #tpu.memory_space<semaphore_mem>>)
      %dma_wait3A = tpu.memref_slice %arg2[%mul3A_4] : memref<24576xi32, #tpu.memory_space<hbm>> -> memref<768xi32, #tpu.memory_space<hbm>>
      %dma_wait3A_13 = tpu.memref_slice %arg2[%mul3A_4] : memref<24576xi32, #tpu.memory_space<hbm>> -> memref<768xi32, #tpu.memory_space<hbm>>
      tpu.wait_dma2 semaphore(%run_scoped3A_11 : memref<!tpu.dma_semaphore, #tpu.memory_space<semaphore_mem>>) src(%dma_wait3A_13 : memref<768xi32, #tpu.memory_space<hbm>>) dst(%arg7 : memref<768xi32, #tpu.memory_space<vmem>>)
      tpu.yield
    }) : () -> ()
    %run_scoped3A = arith.constant 0 : i32
    "tpu.region"() ({
      %run_scoped3A_11 = tpu.sem_alloc : memref<!tpu.dma_semaphore, #tpu.memory_space<semaphore_mem>>
      %dma_start3A = arith.constant 0 : i32
      %dma_start3A_12 = tpu.memref_slice %arg4[%run_scoped3A, %dma_start3A] : memref<1x1024xi32, #tpu.memory_space<hbm>> -> memref<1x1024xi32, #tpu.memory_space<hbm>>
      %dma_start3A_13 = tpu.memref_squeeze %dma_start3A_12 : memref<1x1024xi32, #tpu.memory_space<hbm>> -> memref<1024xi32, #tpu.memory_space<hbm>>
      %dma_start3A_14 = arith.constant 0 : i32
      %dma_start3A_15 = tpu.memref_slice %arg4[%run_scoped3A, %dma_start3A_14] : memref<1x1024xi32, #tpu.memory_space<hbm>> -> memref<1x1024xi32, #tpu.memory_space<hbm>>
      %dma_start3A_16 = tpu.memref_squeeze %dma_start3A_15 : memref<1x1024xi32, #tpu.memory_space<hbm>> -> memref<1024xi32, #tpu.memory_space<hbm>>
      tpu.enqueue_dma source(%dma_start3A_16 : memref<1024xi32, #tpu.memory_space<hbm>>) target(%arg9 : memref<1024xi32, #tpu.memory_space<vmem>>) target_semaphore(%run_scoped3A_11 : memref<!tpu.dma_semaphore, #tpu.memory_space<semaphore_mem>>)
      %dma_wait3A = arith.constant 0 : i32
      %dma_wait3A_17 = tpu.memref_slice %arg4[%run_scoped3A, %dma_wait3A] : memref<1x1024xi32, #tpu.memory_space<hbm>> -> memref<1x1024xi32, #tpu.memory_space<hbm>>
      %dma_wait3A_18 = tpu.memref_squeeze %dma_wait3A_17 : memref<1x1024xi32, #tpu.memory_space<hbm>> -> memref<1024xi32, #tpu.memory_space<hbm>>
      %dma_wait3A_19 = arith.constant 0 : i32
      %dma_wait3A_20 = tpu.memref_slice %arg4[%run_scoped3A, %dma_wait3A_19] : memref<1x1024xi32, #tpu.memory_space<hbm>> -> memref<1x1024xi32, #tpu.memory_space<hbm>>
      %dma_wait3A_21 = tpu.memref_squeeze %dma_wait3A_20 : memref<1x1024xi32, #tpu.memory_space<hbm>> -> memref<1024xi32, #tpu.memory_space<hbm>>
      tpu.wait_dma2 semaphore(%run_scoped3A_11 : memref<!tpu.dma_semaphore, #tpu.memory_space<semaphore_mem>>) src(%dma_wait3A_21 : memref<1024xi32, #tpu.memory_space<hbm>>) dst(%arg9 : memref<1024xi32, #tpu.memory_space<vmem>>)
      tpu.yield
    }) : () -> ()
    "tpu.region"() ({
      %run_scoped3A_11 = tpu.sem_alloc : memref<!tpu.dma_semaphore, #tpu.memory_space<semaphore_mem>>
      %dma_start3A = arith.constant 0 : i32
      %dma_start3A_12 = tpu.memref_slice %arg3[%mul3A_2, %dma_start3A] : memref<4096x1100xf32, #tpu.memory_space<hbm>> -> memref<24x1024xf32, #tpu.memory_space<hbm>>
      %dma_start3A_13 = arith.constant 0 : i32
      %dma_start3A_14 = tpu.memref_slice %arg3[%mul3A_2, %dma_start3A_13] : memref<4096x1100xf32, #tpu.memory_space<hbm>> -> memref<24x1024xf32, #tpu.memory_space<hbm>>
      tpu.enqueue_dma source(%dma_start3A_14 : memref<24x1024xf32, #tpu.memory_space<hbm>>) target(%arg8 : memref<24x1024xf32, #tpu.memory_space<vmem>>) target_semaphore(%run_scoped3A_11 : memref<!tpu.dma_semaphore, #tpu.memory_space<semaphore_mem>>)
      %dma_wait3A = arith.constant 0 : i32
      %dma_wait3A_15 = tpu.memref_slice %arg3[%mul3A_2, %dma_wait3A] : memref<4096x1100xf32, #tpu.memory_space<hbm>> -> memref<24x1024xf32, #tpu.memory_space<hbm>>
      %dma_wait3A_16 = arith.constant 0 : i32
      %dma_wait3A_17 = tpu.memref_slice %arg3[%mul3A_2, %dma_wait3A_16] : memref<4096x1100xf32, #tpu.memory_space<hbm>> -> memref<24x1024xf32, #tpu.memory_space<hbm>>
      tpu.wait_dma2 semaphore(%run_scoped3A_11 : memref<!tpu.dma_semaphore, #tpu.memory_space<semaphore_mem>>) src(%dma_wait3A_17 : memref<24x1024xf32, #tpu.memory_space<hbm>>) dst(%arg8 : memref<24x1024xf32, #tpu.memory_space<vmem>>)
      tpu.yield
    }) : () -> ()
    %scan3A = arith.constant 0 : i32
    %scan3A_5 = arith.constant 0 : i32
    %scan3A_6 = arith.constant 64 : i32
    %scan3A_7 = arith.addi %scan3A_5, %scan3A_6 : i32
    %scan3A_8 = arith.constant 1 : i32
    %scan3A_9 = scf.for %scan3A_11 = %scan3A_5 to %scan3A_7 step %scan3A_8 iter_args(%scan3A_12 = %scan3A) -> (i32)  : i32 {
      %mul3A_13 = arith.constant 16 : i32
      %mul3A_14 = arith.muli %scan3A_11, %mul3A_13 : i32
      %get3A = arith.index_cast %mul3A_14 : i32 to index
      %get3A_15 = tpu.vector_load %arg9[%get3A] {strides = array<i32>} : memref<1024xi32, #tpu.memory_space<vmem>>, vector<16xi32>,
      %get3A_16 = vector.shape_cast %get3A_15 : vector<16xi32> to vector<16xi32>
      %broadcast_in_dim3A = arith.constant 0.000000e+00 : f32
      %broadcast_in_dim3A_17 = vector.broadcast %broadcast_in_dim3A : f32 to vector<16xf32>
      %scan3A_18 = arith.constant 0 : i32
      %scan3A_19 = arith.constant 24 : i32
      %scan3A_20 = arith.addi %scan3A_18, %scan3A_19 : i32
      %scan3A_21 = arith.constant 1 : i32
      %scan3A_22:33 = scf.for %scan3A_220 = %scan3A_18 to %scan3A_20 step %scan3A_21 iter_args(%scan3A_221 = %broadcast_in_dim3A_17, %scan3A_222 = %broadcast_in_dim3A_17, %scan3A_223 = %broadcast_in_dim3A_17, %scan3A_224 = %broadcast_in_dim3A_17, %scan3A_225 = %broadcast_in_dim3A_17, %scan3A_226 = %broadcast_in_dim3A_17, %scan3A_227 = %broadcast_in_dim3A_17, %scan3A_228 = %broadcast_in_dim3A_17, %scan3A_229 = %broadcast_in_dim3A_17, %scan3A_230 = %broadcast_in_dim3A_17, %scan3A_231 = %broadcast_in_dim3A_17, %scan3A_232 = %broadcast_in_dim3A_17, %scan3A_233 = %broadcast_in_dim3A_17, %scan3A_234 = %broadcast_in_dim3A_17, %scan3A_235 = %broadcast_in_dim3A_17, %scan3A_236 = %broadcast_in_dim3A_17, %scan3A_237 = %broadcast_in_dim3A_17, %scan3A_238 = %broadcast_in_dim3A_17, %scan3A_239 = %broadcast_in_dim3A_17, %scan3A_240 = %broadcast_in_dim3A_17, %scan3A_241 = %broadcast_in_dim3A_17, %scan3A_242 = %broadcast_in_dim3A_17, %scan3A_243 = %broadcast_in_dim3A_17, %scan3A_244 = %broadcast_in_dim3A_17, %scan3A_245 = %broadcast_in_dim3A_17, %scan3A_246 = %broadcast_in_dim3A_17, %scan3A_247 = %broadcast_in_dim3A_17, %scan3A_248 = %broadcast_in_dim3A_17, %scan3A_249 = %broadcast_in_dim3A_17, %scan3A_250 = %broadcast_in_dim3A_17, %scan3A_251 = %broadcast_in_dim3A_17, %scan3A_252 = %broadcast_in_dim3A_17, %scan3A_253 = %broadcast_in_dim3A_17) -> (vector<16xf32>, vector<16xf32>, vector<16xf32>, vector<16xf32>, vector<16xf32>, vector<16xf32>, vector<16xf32>, vector<16xf32>, vector<16xf32>, vector<16xf32>, vector<16xf32>, vector<16xf32>, vector<16xf32>, vector<16xf32>, vector<16xf32>, vector<16xf32>, vector<16xf32>, vector<16xf32>, vector<16xf32>, vector<16xf32>, vector<16xf32>, vector<16xf32>, vector<16xf32>, vector<16xf32>, vector<16xf32>, vector<16xf32>, vector<16xf32>, vector<16xf32>, vector<16xf32>, vector<16xf32>, vector<16xf32>, vector<16xf32>, vector<16xf32>)  : i32 {
        %get3A_254 = arith.index_cast %scan3A_220 : i32 to index
        %get3A_255 = arith.index_cast %mul3A_14 : i32 to index
        %get3A_256 = tpu.vector_load %arg8[%get3A_254, %get3A_255] {strides = array<i32>} : memref<24x1024xf32, #tpu.memory_space<vmem>>, vector<1x16xf32>,
        %get3A_257 = vector.shape_cast %get3A_256 : vector<1x16xf32> to vector<16xf32>
        %add3A_258 = arith.addf %scan3A_253, %get3A_257 : vector<16xf32>
        %mul3A_259 = arith.constant 32 : i32
        %mul3A_260 = arith.muli %scan3A_220, %mul3A_259 : i32
        %get3A_261 = arith.index_cast %mul3A_260 : i32 to index
        %get3A_262 = tpu.vector_load %arg7[%get3A_261] {strides = array<i32>} : memref<768xi32, #tpu.memory_space<vmem>>, vector<16xi32>,
        %get3A_263 = vector.shape_cast %get3A_262 : vector<16xi32> to vector<16xi32>
        %add3A_264 = arith.constant 16 : i32
        %add3A_265 = arith.addi %mul3A_260, %add3A_264 : i32
        %get3A_266 = arith.index_cast %add3A_265 : i32 to index
        %get3A_267 = tpu.vector_load %arg7[%get3A_266] {strides = array<i32>} : memref<768xi32, #tpu.memory_space<vmem>>, vector<16xi32>,
        %get3A_268 = vector.shape_cast %get3A_267 : vector<16xi32> to vector<16xi32>
        %broadcast_in_dim3A_269 = arith.constant 0 : i32
        %broadcast_in_dim3A_270 = vector.broadcast %broadcast_in_dim3A_269 : i32 to vector<16xi32>
        %lt3A = arith.constant 0 : i32
        %lt3A_271 = vector.broadcast %lt3A : i32 to vector<16xi32>
        %lt3A_272 = arith.cmpi slt, %broadcast_in_dim3A_270, %lt3A_271 : vector<16xi32>
        %add3A_273 = arith.constant 16 : i32
        %add3A_274 = vector.broadcast %add3A_273 : i32 to vector<16xi32>
        %add3A_275 = arith.addi %broadcast_in_dim3A_270, %add3A_274 : vector<16xi32>
        %select_n3A = arith.select %lt3A_272, %add3A_275, %broadcast_in_dim3A_270 : vector<16xi1>, vector<16xi32>
        %broadcast_in_dim3A_276 = vector.shape_cast %select_n3A : vector<16xi32> to vector<16x1xi32>
        %gather3A = vector.shape_cast %broadcast_in_dim3A_276 : vector<16x1xi32> to vector<16xi32>
        %gather3A_277 = tpu.dynamic_gather %get3A_263[%gather3A] in [0] : vector<16xi32>, vector<16xi32> -> vector<16xi32>
        %ge3A = arith.cmpi sge, %gather3A_277, %get3A_16 : vector<16xi32>
        %select_n3A_278 = arith.select %ge3A, %get3A_257, %broadcast_in_dim3A_17 : vector<16xi1>, vector<16xf32>
        %add3A_279 = arith.addf %scan3A_221, %select_n3A_278 : vector<16xf32>
        %broadcast_in_dim3A_280 = arith.constant 1 : i32
        %broadcast_in_dim3A_281 = vector.broadcast %broadcast_in_dim3A_280 : i32 to vector<16xi32>
        %lt3A_282 = arith.constant 0 : i32
        %lt3A_283 = vector.broadcast %lt3A_282 : i32 to vector<16xi32>
        %lt3A_284 = arith.cmpi slt, %broadcast_in_dim3A_281, %lt3A_283 : vector<16xi32>
        %add3A_285 = arith.constant 16 : i32
        %add3A_286 = vector.broadcast %add3A_285 : i32 to vector<16xi32>
        %add3A_287 = arith.addi %broadcast_in_dim3A_281, %add3A_286 : vector<16xi32>
        %select_n3A_288 = arith.select %lt3A_284, %add3A_287, %broadcast_in_dim3A_281 : vector<16xi1>, vector<16xi32>
        %broadcast_in_dim3A_289 = vector.shape_cast %select_n3A_288 : vector<16xi32> to vector<16x1xi32>
        %gather3A_290 = vector.shape_cast %broadcast_in_dim3A_289 : vector<16x1xi32> to vector<16xi32>
        %gather3A_291 = tpu.dynamic_gather %get3A_263[%gather3A_290] in [0] : vector<16xi32>, vector<16xi32> -> vector<16xi32>
        %ge3A_292 = arith.cmpi sge, %gather3A_291, %get3A_16 : vector<16xi32>
        %select_n3A_293 = arith.select %ge3A_292, %get3A_257, %broadcast_in_dim3A_17 : vector<16xi1>, vector<16xf32>
        %add3A_294 = arith.addf %scan3A_222, %select_n3A_293 : vector<16xf32>
        %broadcast_in_dim3A_295 = arith.constant 2 : i32
        %broadcast_in_dim3A_296 = vector.broadcast %broadcast_in_dim3A_295 : i32 to vector<16xi32>
        %lt3A_297 = arith.constant 0 : i32
        %lt3A_298 = vector.broadcast %lt3A_297 : i32 to vector<16xi32>
        %lt3A_299 = arith.cmpi slt, %broadcast_in_dim3A_296, %lt3A_298 : vector<16xi32>
        %add3A_300 = arith.constant 16 : i32
        %add3A_301 = vector.broadcast %add3A_300 : i32 to vector<16xi32>
        %add3A_302 = arith.addi %broadcast_in_dim3A_296, %add3A_301 : vector<16xi32>
        %select_n3A_303 = arith.select %lt3A_299, %add3A_302, %broadcast_in_dim3A_296 : vector<16xi1>, vector<16xi32>
        %broadcast_in_dim3A_304 = vector.shape_cast %select_n3A_303 : vector<16xi32> to vector<16x1xi32>
        %gather3A_305 = vector.shape_cast %broadcast_in_dim3A_304 : vector<16x1xi32> to vector<16xi32>
        %gather3A_306 = tpu.dynamic_gather %get3A_263[%gather3A_305] in [0] : vector<16xi32>, vector<16xi32> -> vector<16xi32>
        %ge3A_307 = arith.cmpi sge, %gather3A_306, %get3A_16 : vector<16xi32>
        %select_n3A_308 = arith.select %ge3A_307, %get3A_257, %broadcast_in_dim3A_17 : vector<16xi1>, vector<16xf32>
        %add3A_309 = arith.addf %scan3A_223, %select_n3A_308 : vector<16xf32>
        %broadcast_in_dim3A_310 = arith.constant 3 : i32
        %broadcast_in_dim3A_311 = vector.broadcast %broadcast_in_dim3A_310 : i32 to vector<16xi32>
        %lt3A_312 = arith.constant 0 : i32
        %lt3A_313 = vector.broadcast %lt3A_312 : i32 to vector<16xi32>
        %lt3A_314 = arith.cmpi slt, %broadcast_in_dim3A_311, %lt3A_313 : vector<16xi32>
        %add3A_315 = arith.constant 16 : i32
        %add3A_316 = vector.broadcast %add3A_315 : i32 to vector<16xi32>
        %add3A_317 = arith.addi %broadcast_in_dim3A_311, %add3A_316 : vector<16xi32>
        %select_n3A_318 = arith.select %lt3A_314, %add3A_317, %broadcast_in_dim3A_311 : vector<16xi1>, vector<16xi32>
        %broadcast_in_dim3A_319 = vector.shape_cast %select_n3A_318 : vector<16xi32> to vector<16x1xi32>
        %gather3A_320 = vector.shape_cast %broadcast_in_dim3A_319 : vector<16x1xi32> to vector<16xi32>
        %gather3A_321 = tpu.dynamic_gather %get3A_263[%gather3A_320] in [0] : vector<16xi32>, vector<16xi32> -> vector<16xi32>
        %ge3A_322 = arith.cmpi sge, %gather3A_321, %get3A_16 : vector<16xi32>
        %select_n3A_323 = arith.select %ge3A_322, %get3A_257, %broadcast_in_dim3A_17 : vector<16xi1>, vector<16xf32>
        %add3A_324 = arith.addf %scan3A_224, %select_n3A_323 : vector<16xf32>
        %broadcast_in_dim3A_325 = arith.constant 4 : i32
        %broadcast_in_dim3A_326 = vector.broadcast %broadcast_in_dim3A_325 : i32 to vector<16xi32>
        %lt3A_327 = arith.constant 0 : i32
        %lt3A_328 = vector.broadcast %lt3A_327 : i32 to vector<16xi32>
        %lt3A_329 = arith.cmpi slt, %broadcast_in_dim3A_326, %lt3A_328 : vector<16xi32>
        %add3A_330 = arith.constant 16 : i32
        %add3A_331 = vector.broadcast %add3A_330 : i32 to vector<16xi32>
        %add3A_332 = arith.addi %broadcast_in_dim3A_326, %add3A_331 : vector<16xi32>
        %select_n3A_333 = arith.select %lt3A_329, %add3A_332, %broadcast_in_dim3A_326 : vector<16xi1>, vector<16xi32>
        %broadcast_in_dim3A_334 = vector.shape_cast %select_n3A_333 : vector<16xi32> to vector<16x1xi32>
        %gather3A_335 = vector.shape_cast %broadcast_in_dim3A_334 : vector<16x1xi32> to vector<16xi32>
        %gather3A_336 = tpu.dynamic_gather %get3A_263[%gather3A_335] in [0] : vector<16xi32>, vector<16xi32> -> vector<16xi32>
        %ge3A_337 = arith.cmpi sge, %gather3A_336, %get3A_16 : vector<16xi32>
        %select_n3A_338 = arith.select %ge3A_337, %get3A_257, %broadcast_in_dim3A_17 : vector<16xi1>, vector<16xf32>
        %add3A_339 = arith.addf %scan3A_225, %select_n3A_338 : vector<16xf32>
        %broadcast_in_dim3A_340 = arith.constant 5 : i32
        %broadcast_in_dim3A_341 = vector.broadcast %broadcast_in_dim3A_340 : i32 to vector<16xi32>
        %lt3A_342 = arith.constant 0 : i32
        %lt3A_343 = vector.broadcast %lt3A_342 : i32 to vector<16xi32>
        %lt3A_344 = arith.cmpi slt, %broadcast_in_dim3A_341, %lt3A_343 : vector<16xi32>
        %add3A_345 = arith.constant 16 : i32
        %add3A_346 = vector.broadcast %add3A_345 : i32 to vector<16xi32>
        %add3A_347 = arith.addi %broadcast_in_dim3A_341, %add3A_346 : vector<16xi32>
        %select_n3A_348 = arith.select %lt3A_344, %add3A_347, %broadcast_in_dim3A_341 : vector<16xi1>, vector<16xi32>
        %broadcast_in_dim3A_349 = vector.shape_cast %select_n3A_348 : vector<16xi32> to vector<16x1xi32>
        %gather3A_350 = vector.shape_cast %broadcast_in_dim3A_349 : vector<16x1xi32> to vector<16xi32>
        %gather3A_351 = tpu.dynamic_gather %get3A_263[%gather3A_350] in [0] : vector<16xi32>, vector<16xi32> -> vector<16xi32>
        %ge3A_352 = arith.cmpi sge, %gather3A_351, %get3A_16 : vector<16xi32>
        %select_n3A_353 = arith.select %ge3A_352, %get3A_257, %broadcast_in_dim3A_17 : vector<16xi1>, vector<16xf32>
        %add3A_354 = arith.addf %scan3A_226, %select_n3A_353 : vector<16xf32>
        %broadcast_in_dim3A_355 = arith.constant 6 : i32
        %broadcast_in_dim3A_356 = vector.broadcast %broadcast_in_dim3A_355 : i32 to vector<16xi32>
        %lt3A_357 = arith.constant 0 : i32
        %lt3A_358 = vector.broadcast %lt3A_357 : i32 to vector<16xi32>
        %lt3A_359 = arith.cmpi slt, %broadcast_in_dim3A_356, %lt3A_358 : vector<16xi32>
        %add3A_360 = arith.constant 16 : i32
        %add3A_361 = vector.broadcast %add3A_360 : i32 to vector<16xi32>
        %add3A_362 = arith.addi %broadcast_in_dim3A_356, %add3A_361 : vector<16xi32>
        %select_n3A_363 = arith.select %lt3A_359, %add3A_362, %broadcast_in_dim3A_356 : vector<16xi1>, vector<16xi32>
        %broadcast_in_dim3A_364 = vector.shape_cast %select_n3A_363 : vector<16xi32> to vector<16x1xi32>
        %gather3A_365 = vector.shape_cast %broadcast_in_dim3A_364 : vector<16x1xi32> to vector<16xi32>
        %gather3A_366 = tpu.dynamic_gather %get3A_263[%gather3A_365] in [0] : vector<16xi32>, vector<16xi32> -> vector<16xi32>
        %ge3A_367 = arith.cmpi sge, %gather3A_366, %get3A_16 : vector<16xi32>
        %select_n3A_368 = arith.select %ge3A_367, %get3A_257, %broadcast_in_dim3A_17 : vector<16xi1>, vector<16xf32>
        %add3A_369 = arith.addf %scan3A_227, %select_n3A_368 : vector<16xf32>
        %broadcast_in_dim3A_370 = arith.constant 7 : i32
        %broadcast_in_dim3A_371 = vector.broadcast %broadcast_in_dim3A_370 : i32 to vector<16xi32>
        %lt3A_372 = arith.constant 0 : i32
        %lt3A_373 = vector.broadcast %lt3A_372 : i32 to vector<16xi32>
        %lt3A_374 = arith.cmpi slt, %broadcast_in_dim3A_371, %lt3A_373 : vector<16xi32>
        %add3A_375 = arith.constant 16 : i32
        %add3A_376 = vector.broadcast %add3A_375 : i32 to vector<16xi32>
        %add3A_377 = arith.addi %broadcast_in_dim3A_371, %add3A_376 : vector<16xi32>
        %select_n3A_378 = arith.select %lt3A_374, %add3A_377, %broadcast_in_dim3A_371 : vector<16xi1>, vector<16xi32>
        %broadcast_in_dim3A_379 = vector.shape_cast %select_n3A_378 : vector<16xi32> to vector<16x1xi32>
        %gather3A_380 = vector.shape_cast %broadcast_in_dim3A_379 : vector<16x1xi32> to vector<16xi32>
        %gather3A_381 = tpu.dynamic_gather %get3A_263[%gather3A_380] in [0] : vector<16xi32>, vector<16xi32> -> vector<16xi32>
        %ge3A_382 = arith.cmpi sge, %gather3A_381, %get3A_16 : vector<16xi32>
        %select_n3A_383 = arith.select %ge3A_382, %get3A_257, %broadcast_in_dim3A_17 : vector<16xi1>, vector<16xf32>
        %add3A_384 = arith.addf %scan3A_228, %select_n3A_383 : vector<16xf32>
        %broadcast_in_dim3A_385 = arith.constant 8 : i32
        %broadcast_in_dim3A_386 = vector.broadcast %broadcast_in_dim3A_385 : i32 to vector<16xi32>
        %lt3A_387 = arith.constant 0 : i32
        %lt3A_388 = vector.broadcast %lt3A_387 : i32 to vector<16xi32>
        %lt3A_389 = arith.cmpi slt, %broadcast_in_dim3A_386, %lt3A_388 : vector<16xi32>
        %add3A_390 = arith.constant 16 : i32
        %add3A_391 = vector.broadcast %add3A_390 : i32 to vector<16xi32>
        %add3A_392 = arith.addi %broadcast_in_dim3A_386, %add3A_391 : vector<16xi32>
        %select_n3A_393 = arith.select %lt3A_389, %add3A_392, %broadcast_in_dim3A_386 : vector<16xi1>, vector<16xi32>
        %broadcast_in_dim3A_394 = vector.shape_cast %select_n3A_393 : vector<16xi32> to vector<16x1xi32>
        %gather3A_395 = vector.shape_cast %broadcast_in_dim3A_394 : vector<16x1xi32> to vector<16xi32>
        %gather3A_396 = tpu.dynamic_gather %get3A_263[%gather3A_395] in [0] : vector<16xi32>, vector<16xi32> -> vector<16xi32>
        %ge3A_397 = arith.cmpi sge, %gather3A_396, %get3A_16 : vector<16xi32>
        %select_n3A_398 = arith.select %ge3A_397, %get3A_257, %broadcast_in_dim3A_17 : vector<16xi1>, vector<16xf32>
        %add3A_399 = arith.addf %scan3A_229, %select_n3A_398 : vector<16xf32>
        %broadcast_in_dim3A_400 = arith.constant 9 : i32
        %broadcast_in_dim3A_401 = vector.broadcast %broadcast_in_dim3A_400 : i32 to vector<16xi32>
        %lt3A_402 = arith.constant 0 : i32
        %lt3A_403 = vector.broadcast %lt3A_402 : i32 to vector<16xi32>
        %lt3A_404 = arith.cmpi slt, %broadcast_in_dim3A_401, %lt3A_403 : vector<16xi32>
        %add3A_405 = arith.constant 16 : i32
        %add3A_406 = vector.broadcast %add3A_405 : i32 to vector<16xi32>
        %add3A_407 = arith.addi %broadcast_in_dim3A_401, %add3A_406 : vector<16xi32>
        %select_n3A_408 = arith.select %lt3A_404, %add3A_407, %broadcast_in_dim3A_401 : vector<16xi1>, vector<16xi32>
        %broadcast_in_dim3A_409 = vector.shape_cast %select_n3A_408 : vector<16xi32> to vector<16x1xi32>
        %gather3A_410 = vector.shape_cast %broadcast_in_dim3A_409 : vector<16x1xi32> to vector<16xi32>
        %gather3A_411 = tpu.dynamic_gather %get3A_263[%gather3A_410] in [0] : vector<16xi32>, vector<16xi32> -> vector<16xi32>
        %ge3A_412 = arith.cmpi sge, %gather3A_411, %get3A_16 : vector<16xi32>
        %select_n3A_413 = arith.select %ge3A_412, %get3A_257, %broadcast_in_dim3A_17 : vector<16xi1>, vector<16xf32>
        %add3A_414 = arith.addf %scan3A_230, %select_n3A_413 : vector<16xf32>
        %broadcast_in_dim3A_415 = arith.constant 10 : i32
        %broadcast_in_dim3A_416 = vector.broadcast %broadcast_in_dim3A_415 : i32 to vector<16xi32>
        %lt3A_417 = arith.constant 0 : i32
        %lt3A_418 = vector.broadcast %lt3A_417 : i32 to vector<16xi32>
        %lt3A_419 = arith.cmpi slt, %broadcast_in_dim3A_416, %lt3A_418 : vector<16xi32>
        %add3A_420 = arith.constant 16 : i32
        %add3A_421 = vector.broadcast %add3A_420 : i32 to vector<16xi32>
        %add3A_422 = arith.addi %broadcast_in_dim3A_416, %add3A_421 : vector<16xi32>
        %select_n3A_423 = arith.select %lt3A_419, %add3A_422, %broadcast_in_dim3A_416 : vector<16xi1>, vector<16xi32>
        %broadcast_in_dim3A_424 = vector.shape_cast %select_n3A_423 : vector<16xi32> to vector<16x1xi32>
        %gather3A_425 = vector.shape_cast %broadcast_in_dim3A_424 : vector<16x1xi32> to vector<16xi32>
        %gather3A_426 = tpu.dynamic_gather %get3A_263[%gather3A_425] in [0] : vector<16xi32>, vector<16xi32> -> vector<16xi32>
        %ge3A_427 = arith.cmpi sge, %gather3A_426, %get3A_16 : vector<16xi32>
        %select_n3A_428 = arith.select %ge3A_427, %get3A_257, %broadcast_in_dim3A_17 : vector<16xi1>, vector<16xf32>
        %add3A_429 = arith.addf %scan3A_231, %select_n3A_428 : vector<16xf32>
        %broadcast_in_dim3A_430 = arith.constant 11 : i32
        %broadcast_in_dim3A_431 = vector.broadcast %broadcast_in_dim3A_430 : i32 to vector<16xi32>
        %lt3A_432 = arith.constant 0 : i32
        %lt3A_433 = vector.broadcast %lt3A_432 : i32 to vector<16xi32>
        %lt3A_434 = arith.cmpi slt, %broadcast_in_dim3A_431, %lt3A_433 : vector<16xi32>
        %add3A_435 = arith.constant 16 : i32
        %add3A_436 = vector.broadcast %add3A_435 : i32 to vector<16xi32>
        %add3A_437 = arith.addi %broadcast_in_dim3A_431, %add3A_436 : vector<16xi32>
        %select_n3A_438 = arith.select %lt3A_434, %add3A_437, %broadcast_in_dim3A_431 : vector<16xi1>, vector<16xi32>
        %broadcast_in_dim3A_439 = vector.shape_cast %select_n3A_438 : vector<16xi32> to vector<16x1xi32>
        %gather3A_440 = vector.shape_cast %broadcast_in_dim3A_439 : vector<16x1xi32> to vector<16xi32>
        %gather3A_441 = tpu.dynamic_gather %get3A_263[%gather3A_440] in [0] : vector<16xi32>, vector<16xi32> -> vector<16xi32>
        %ge3A_442 = arith.cmpi sge, %gather3A_441, %get3A_16 : vector<16xi32>
        %select_n3A_443 = arith.select %ge3A_442, %get3A_257, %broadcast_in_dim3A_17 : vector<16xi1>, vector<16xf32>
        %add3A_444 = arith.addf %scan3A_232, %select_n3A_443 : vector<16xf32>
        %broadcast_in_dim3A_445 = arith.constant 12 : i32
        %broadcast_in_dim3A_446 = vector.broadcast %broadcast_in_dim3A_445 : i32 to vector<16xi32>
        %lt3A_447 = arith.constant 0 : i32
        %lt3A_448 = vector.broadcast %lt3A_447 : i32 to vector<16xi32>
        %lt3A_449 = arith.cmpi slt, %broadcast_in_dim3A_446, %lt3A_448 : vector<16xi32>
        %add3A_450 = arith.constant 16 : i32
        %add3A_451 = vector.broadcast %add3A_450 : i32 to vector<16xi32>
        %add3A_452 = arith.addi %broadcast_in_dim3A_446, %add3A_451 : vector<16xi32>
        %select_n3A_453 = arith.select %lt3A_449, %add3A_452, %broadcast_in_dim3A_446 : vector<16xi1>, vector<16xi32>
        %broadcast_in_dim3A_454 = vector.shape_cast %select_n3A_453 : vector<16xi32> to vector<16x1xi32>
        %gather3A_455 = vector.shape_cast %broadcast_in_dim3A_454 : vector<16x1xi32> to vector<16xi32>
        %gather3A_456 = tpu.dynamic_gather %get3A_263[%gather3A_455] in [0] : vector<16xi32>, vector<16xi32> -> vector<16xi32>
        %ge3A_457 = arith.cmpi sge, %gather3A_456, %get3A_16 : vector<16xi32>
        %select_n3A_458 = arith.select %ge3A_457, %get3A_257, %broadcast_in_dim3A_17 : vector<16xi1>, vector<16xf32>
        %add3A_459 = arith.addf %scan3A_233, %select_n3A_458 : vector<16xf32>
        %broadcast_in_dim3A_460 = arith.constant 13 : i32
        %broadcast_in_dim3A_461 = vector.broadcast %broadcast_in_dim3A_460 : i32 to vector<16xi32>
        %lt3A_462 = arith.constant 0 : i32
        %lt3A_463 = vector.broadcast %lt3A_462 : i32 to vector<16xi32>
        %lt3A_464 = arith.cmpi slt, %broadcast_in_dim3A_461, %lt3A_463 : vector<16xi32>
        %add3A_465 = arith.constant 16 : i32
        %add3A_466 = vector.broadcast %add3A_465 : i32 to vector<16xi32>
        %add3A_467 = arith.addi %broadcast_in_dim3A_461, %add3A_466 : vector<16xi32>
        %select_n3A_468 = arith.select %lt3A_464, %add3A_467, %broadcast_in_dim3A_461 : vector<16xi1>, vector<16xi32>
        %broadcast_in_dim3A_469 = vector.shape_cast %select_n3A_468 : vector<16xi32> to vector<16x1xi32>
        %gather3A_470 = vector.shape_cast %broadcast_in_dim3A_469 : vector<16x1xi32> to vector<16xi32>
        %gather3A_471 = tpu.dynamic_gather %get3A_263[%gather3A_470] in [0] : vector<16xi32>, vector<16xi32> -> vector<16xi32>
        %ge3A_472 = arith.cmpi sge, %gather3A_471, %get3A_16 : vector<16xi32>
        %select_n3A_473 = arith.select %ge3A_472, %get3A_257, %broadcast_in_dim3A_17 : vector<16xi1>, vector<16xf32>
        %add3A_474 = arith.addf %scan3A_234, %select_n3A_473 : vector<16xf32>
        %broadcast_in_dim3A_475 = arith.constant 14 : i32
        %broadcast_in_dim3A_476 = vector.broadcast %broadcast_in_dim3A_475 : i32 to vector<16xi32>
        %lt3A_477 = arith.constant 0 : i32
        %lt3A_478 = vector.broadcast %lt3A_477 : i32 to vector<16xi32>
        %lt3A_479 = arith.cmpi slt, %broadcast_in_dim3A_476, %lt3A_478 : vector<16xi32>
        %add3A_480 = arith.constant 16 : i32
        %add3A_481 = vector.broadcast %add3A_480 : i32 to vector<16xi32>
        %add3A_482 = arith.addi %broadcast_in_dim3A_476, %add3A_481 : vector<16xi32>
        %select_n3A_483 = arith.select %lt3A_479, %add3A_482, %broadcast_in_dim3A_476 : vector<16xi1>, vector<16xi32>
        %broadcast_in_dim3A_484 = vector.shape_cast %select_n3A_483 : vector<16xi32> to vector<16x1xi32>
        %gather3A_485 = vector.shape_cast %broadcast_in_dim3A_484 : vector<16x1xi32> to vector<16xi32>
        %gather3A_486 = tpu.dynamic_gather %get3A_263[%gather3A_485] in [0] : vector<16xi32>, vector<16xi32> -> vector<16xi32>
        %ge3A_487 = arith.cmpi sge, %gather3A_486, %get3A_16 : vector<16xi32>
        %select_n3A_488 = arith.select %ge3A_487, %get3A_257, %broadcast_in_dim3A_17 : vector<16xi1>, vector<16xf32>
        %add3A_489 = arith.addf %scan3A_235, %select_n3A_488 : vector<16xf32>
        %broadcast_in_dim3A_490 = arith.constant 15 : i32
        %broadcast_in_dim3A_491 = vector.broadcast %broadcast_in_dim3A_490 : i32 to vector<16xi32>
        %lt3A_492 = arith.constant 0 : i32
        %lt3A_493 = vector.broadcast %lt3A_492 : i32 to vector<16xi32>
        %lt3A_494 = arith.cmpi slt, %broadcast_in_dim3A_491, %lt3A_493 : vector<16xi32>
        %add3A_495 = arith.constant 16 : i32
        %add3A_496 = vector.broadcast %add3A_495 : i32 to vector<16xi32>
        %add3A_497 = arith.addi %broadcast_in_dim3A_491, %add3A_496 : vector<16xi32>
        %select_n3A_498 = arith.select %lt3A_494, %add3A_497, %broadcast_in_dim3A_491 : vector<16xi1>, vector<16xi32>
        %broadcast_in_dim3A_499 = vector.shape_cast %select_n3A_498 : vector<16xi32> to vector<16x1xi32>
        %gather3A_500 = vector.shape_cast %broadcast_in_dim3A_499 : vector<16x1xi32> to vector<16xi32>
        %gather3A_501 = tpu.dynamic_gather %get3A_263[%gather3A_500] in [0] : vector<16xi32>, vector<16xi32> -> vector<16xi32>
        %ge3A_502 = arith.cmpi sge, %gather3A_501, %get3A_16 : vector<16xi32>
        %select_n3A_503 = arith.select %ge3A_502, %get3A_257, %broadcast_in_dim3A_17 : vector<16xi1>, vector<16xf32>
        %add3A_504 = arith.addf %scan3A_236, %select_n3A_503 : vector<16xf32>
        %broadcast_in_dim3A_505 = arith.constant 0 : i32
        %broadcast_in_dim3A_506 = vector.broadcast %broadcast_in_dim3A_505 : i32 to vector<16xi32>
        %lt3A_507 = arith.constant 0 : i32
        %lt3A_508 = vector.broadcast %lt3A_507 : i32 to vector<16xi32>
        %lt3A_509 = arith.cmpi slt, %broadcast_in_dim3A_506, %lt3A_508 : vector<16xi32>
        %add3A_510 = arith.constant 16 : i32
        %add3A_511 = vector.broadcast %add3A_510 : i32 to vector<16xi32>
        %add3A_512 = arith.addi %broadcast_in_dim3A_506, %add3A_511 : vector<16xi32>
        %select_n3A_513 = arith.select %lt3A_509, %add3A_512, %broadcast_in_dim3A_506 : vector<16xi1>, vector<16xi32>
        %broadcast_in_dim3A_514 = vector.shape_cast %select_n3A_513 : vector<16xi32> to vector<16x1xi32>
        %gather3A_515 = vector.shape_cast %broadcast_in_dim3A_514 : vector<16x1xi32> to vector<16xi32>
        %gather3A_516 = tpu.dynamic_gather %get3A_268[%gather3A_515] in [0] : vector<16xi32>, vector<16xi32> -> vector<16xi32>
        %ge3A_517 = arith.cmpi sge, %gather3A_516, %get3A_16 : vector<16xi32>
        %select_n3A_518 = arith.select %ge3A_517, %get3A_257, %broadcast_in_dim3A_17 : vector<16xi1>, vector<16xf32>
        %add3A_519 = arith.addf %scan3A_237, %select_n3A_518 : vector<16xf32>
        %broadcast_in_dim3A_520 = arith.constant 1 : i32
        %broadcast_in_dim3A_521 = vector.broadcast %broadcast_in_dim3A_520 : i32 to vector<16xi32>
        %lt3A_522 = arith.constant 0 : i32
        %lt3A_523 = vector.broadcast %lt3A_522 : i32 to vector<16xi32>
        %lt3A_524 = arith.cmpi slt, %broadcast_in_dim3A_521, %lt3A_523 : vector<16xi32>
        %add3A_525 = arith.constant 16 : i32
        %add3A_526 = vector.broadcast %add3A_525 : i32 to vector<16xi32>
        %add3A_527 = arith.addi %broadcast_in_dim3A_521, %add3A_526 : vector<16xi32>
        %select_n3A_528 = arith.select %lt3A_524, %add3A_527, %broadcast_in_dim3A_521 : vector<16xi1>, vector<16xi32>
        %broadcast_in_dim3A_529 = vector.shape_cast %select_n3A_528 : vector<16xi32> to vector<16x1xi32>
        %gather3A_530 = vector.shape_cast %broadcast_in_dim3A_529 : vector<16x1xi32> to vector<16xi32>
        %gather3A_531 = tpu.dynamic_gather %get3A_268[%gather3A_530] in [0] : vector<16xi32>, vector<16xi32> -> vector<16xi32>
        %ge3A_532 = arith.cmpi sge, %gather3A_531, %get3A_16 : vector<16xi32>
        %select_n3A_533 = arith.select %ge3A_532, %get3A_257, %broadcast_in_dim3A_17 : vector<16xi1>, vector<16xf32>
        %add3A_534 = arith.addf %scan3A_238, %select_n3A_533 : vector<16xf32>
        %broadcast_in_dim3A_535 = arith.constant 2 : i32
        %broadcast_in_dim3A_536 = vector.broadcast %broadcast_in_dim3A_535 : i32 to vector<16xi32>
        %lt3A_537 = arith.constant 0 : i32
        %lt3A_538 = vector.broadcast %lt3A_537 : i32 to vector<16xi32>
        %lt3A_539 = arith.cmpi slt, %broadcast_in_dim3A_536, %lt3A_538 : vector<16xi32>
        %add3A_540 = arith.constant 16 : i32
        %add3A_541 = vector.broadcast %add3A_540 : i32 to vector<16xi32>
        %add3A_542 = arith.addi %broadcast_in_dim3A_536, %add3A_541 : vector<16xi32>
        %select_n3A_543 = arith.select %lt3A_539, %add3A_542, %broadcast_in_dim3A_536 : vector<16xi1>, vector<16xi32>
        %broadcast_in_dim3A_544 = vector.shape_cast %select_n3A_543 : vector<16xi32> to vector<16x1xi32>
        %gather3A_545 = vector.shape_cast %broadcast_in_dim3A_544 : vector<16x1xi32> to vector<16xi32>
        %gather3A_546 = tpu.dynamic_gather %get3A_268[%gather3A_545] in [0] : vector<16xi32>, vector<16xi32> -> vector<16xi32>
        %ge3A_547 = arith.cmpi sge, %gather3A_546, %get3A_16 : vector<16xi32>
        %select_n3A_548 = arith.select %ge3A_547, %get3A_257, %broadcast_in_dim3A_17 : vector<16xi1>, vector<16xf32>
        %add3A_549 = arith.addf %scan3A_239, %select_n3A_548 : vector<16xf32>
        %broadcast_in_dim3A_550 = arith.constant 3 : i32
        %broadcast_in_dim3A_551 = vector.broadcast %broadcast_in_dim3A_550 : i32 to vector<16xi32>
        %lt3A_552 = arith.constant 0 : i32
        %lt3A_553 = vector.broadcast %lt3A_552 : i32 to vector<16xi32>
        %lt3A_554 = arith.cmpi slt, %broadcast_in_dim3A_551, %lt3A_553 : vector<16xi32>
        %add3A_555 = arith.constant 16 : i32
        %add3A_556 = vector.broadcast %add3A_555 : i32 to vector<16xi32>
        %add3A_557 = arith.addi %broadcast_in_dim3A_551, %add3A_556 : vector<16xi32>
        %select_n3A_558 = arith.select %lt3A_554, %add3A_557, %broadcast_in_dim3A_551 : vector<16xi1>, vector<16xi32>
        %broadcast_in_dim3A_559 = vector.shape_cast %select_n3A_558 : vector<16xi32> to vector<16x1xi32>
        %gather3A_560 = vector.shape_cast %broadcast_in_dim3A_559 : vector<16x1xi32> to vector<16xi32>
        %gather3A_561 = tpu.dynamic_gather %get3A_268[%gather3A_560] in [0] : vector<16xi32>, vector<16xi32> -> vector<16xi32>
        %ge3A_562 = arith.cmpi sge, %gather3A_561, %get3A_16 : vector<16xi32>
        %select_n3A_563 = arith.select %ge3A_562, %get3A_257, %broadcast_in_dim3A_17 : vector<16xi1>, vector<16xf32>
        %add3A_564 = arith.addf %scan3A_240, %select_n3A_563 : vector<16xf32>
        %broadcast_in_dim3A_565 = arith.constant 4 : i32
        %broadcast_in_dim3A_566 = vector.broadcast %broadcast_in_dim3A_565 : i32 to vector<16xi32>
        %lt3A_567 = arith.constant 0 : i32
        %lt3A_568 = vector.broadcast %lt3A_567 : i32 to vector<16xi32>
        %lt3A_569 = arith.cmpi slt, %broadcast_in_dim3A_566, %lt3A_568 : vector<16xi32>
        %add3A_570 = arith.constant 16 : i32
        %add3A_571 = vector.broadcast %add3A_570 : i32 to vector<16xi32>
        %add3A_572 = arith.addi %broadcast_in_dim3A_566, %add3A_571 : vector<16xi32>
        %select_n3A_573 = arith.select %lt3A_569, %add3A_572, %broadcast_in_dim3A_566 : vector<16xi1>, vector<16xi32>
        %broadcast_in_dim3A_574 = vector.shape_cast %select_n3A_573 : vector<16xi32> to vector<16x1xi32>
        %gather3A_575 = vector.shape_cast %broadcast_in_dim3A_574 : vector<16x1xi32> to vector<16xi32>
        %gather3A_576 = tpu.dynamic_gather %get3A_268[%gather3A_575] in [0] : vector<16xi32>, vector<16xi32> -> vector<16xi32>
        %ge3A_577 = arith.cmpi sge, %gather3A_576, %get3A_16 : vector<16xi32>
        %select_n3A_578 = arith.select %ge3A_577, %get3A_257, %broadcast_in_dim3A_17 : vector<16xi1>, vector<16xf32>
        %add3A_579 = arith.addf %scan3A_241, %select_n3A_578 : vector<16xf32>
        %broadcast_in_dim3A_580 = arith.constant 5 : i32
        %broadcast_in_dim3A_581 = vector.broadcast %broadcast_in_dim3A_580 : i32 to vector<16xi32>
        %lt3A_582 = arith.constant 0 : i32
        %lt3A_583 = vector.broadcast %lt3A_582 : i32 to vector<16xi32>
        %lt3A_584 = arith.cmpi slt, %broadcast_in_dim3A_581, %lt3A_583 : vector<16xi32>
        %add3A_585 = arith.constant 16 : i32
        %add3A_586 = vector.broadcast %add3A_585 : i32 to vector<16xi32>
        %add3A_587 = arith.addi %broadcast_in_dim3A_581, %add3A_586 : vector<16xi32>
        %select_n3A_588 = arith.select %lt3A_584, %add3A_587, %broadcast_in_dim3A_581 : vector<16xi1>, vector<16xi32>
        %broadcast_in_dim3A_589 = vector.shape_cast %select_n3A_588 : vector<16xi32> to vector<16x1xi32>
        %gather3A_590 = vector.shape_cast %broadcast_in_dim3A_589 : vector<16x1xi32> to vector<16xi32>
        %gather3A_591 = tpu.dynamic_gather %get3A_268[%gather3A_590] in [0] : vector<16xi32>, vector<16xi32> -> vector<16xi32>
        %ge3A_592 = arith.cmpi sge, %gather3A_591, %get3A_16 : vector<16xi32>
        %select_n3A_593 = arith.select %ge3A_592, %get3A_257, %broadcast_in_dim3A_17 : vector<16xi1>, vector<16xf32>
        %add3A_594 = arith.addf %scan3A_242, %select_n3A_593 : vector<16xf32>
        %broadcast_in_dim3A_595 = arith.constant 6 : i32
        %broadcast_in_dim3A_596 = vector.broadcast %broadcast_in_dim3A_595 : i32 to vector<16xi32>
        %lt3A_597 = arith.constant 0 : i32
        %lt3A_598 = vector.broadcast %lt3A_597 : i32 to vector<16xi32>
        %lt3A_599 = arith.cmpi slt, %broadcast_in_dim3A_596, %lt3A_598 : vector<16xi32>
        %add3A_600 = arith.constant 16 : i32
        %add3A_601 = vector.broadcast %add3A_600 : i32 to vector<16xi32>
        %add3A_602 = arith.addi %broadcast_in_dim3A_596, %add3A_601 : vector<16xi32>
        %select_n3A_603 = arith.select %lt3A_599, %add3A_602, %broadcast_in_dim3A_596 : vector<16xi1>, vector<16xi32>
        %broadcast_in_dim3A_604 = vector.shape_cast %select_n3A_603 : vector<16xi32> to vector<16x1xi32>
        %gather3A_605 = vector.shape_cast %broadcast_in_dim3A_604 : vector<16x1xi32> to vector<16xi32>
        %gather3A_606 = tpu.dynamic_gather %get3A_268[%gather3A_605] in [0] : vector<16xi32>, vector<16xi32> -> vector<16xi32>
        %ge3A_607 = arith.cmpi sge, %gather3A_606, %get3A_16 : vector<16xi32>
        %select_n3A_608 = arith.select %ge3A_607, %get3A_257, %broadcast_in_dim3A_17 : vector<16xi1>, vector<16xf32>
        %add3A_609 = arith.addf %scan3A_243, %select_n3A_608 : vector<16xf32>
        %broadcast_in_dim3A_610 = arith.constant 7 : i32
        %broadcast_in_dim3A_611 = vector.broadcast %broadcast_in_dim3A_610 : i32 to vector<16xi32>
        %lt3A_612 = arith.constant 0 : i32
        %lt3A_613 = vector.broadcast %lt3A_612 : i32 to vector<16xi32>
        %lt3A_614 = arith.cmpi slt, %broadcast_in_dim3A_611, %lt3A_613 : vector<16xi32>
        %add3A_615 = arith.constant 16 : i32
        %add3A_616 = vector.broadcast %add3A_615 : i32 to vector<16xi32>
        %add3A_617 = arith.addi %broadcast_in_dim3A_611, %add3A_616 : vector<16xi32>
        %select_n3A_618 = arith.select %lt3A_614, %add3A_617, %broadcast_in_dim3A_611 : vector<16xi1>, vector<16xi32>
        %broadcast_in_dim3A_619 = vector.shape_cast %select_n3A_618 : vector<16xi32> to vector<16x1xi32>
        %gather3A_620 = vector.shape_cast %broadcast_in_dim3A_619 : vector<16x1xi32> to vector<16xi32>
        %gather3A_621 = tpu.dynamic_gather %get3A_268[%gather3A_620] in [0] : vector<16xi32>, vector<16xi32> -> vector<16xi32>
        %ge3A_622 = arith.cmpi sge, %gather3A_621, %get3A_16 : vector<16xi32>
        %select_n3A_623 = arith.select %ge3A_622, %get3A_257, %broadcast_in_dim3A_17 : vector<16xi1>, vector<16xf32>
        %add3A_624 = arith.addf %scan3A_244, %select_n3A_623 : vector<16xf32>
        %broadcast_in_dim3A_625 = arith.constant 8 : i32
        %broadcast_in_dim3A_626 = vector.broadcast %broadcast_in_dim3A_625 : i32 to vector<16xi32>
        %lt3A_627 = arith.constant 0 : i32
        %lt3A_628 = vector.broadcast %lt3A_627 : i32 to vector<16xi32>
        %lt3A_629 = arith.cmpi slt, %broadcast_in_dim3A_626, %lt3A_628 : vector<16xi32>
        %add3A_630 = arith.constant 16 : i32
        %add3A_631 = vector.broadcast %add3A_630 : i32 to vector<16xi32>
        %add3A_632 = arith.addi %broadcast_in_dim3A_626, %add3A_631 : vector<16xi32>
        %select_n3A_633 = arith.select %lt3A_629, %add3A_632, %broadcast_in_dim3A_626 : vector<16xi1>, vector<16xi32>
        %broadcast_in_dim3A_634 = vector.shape_cast %select_n3A_633 : vector<16xi32> to vector<16x1xi32>
        %gather3A_635 = vector.shape_cast %broadcast_in_dim3A_634 : vector<16x1xi32> to vector<16xi32>
        %gather3A_636 = tpu.dynamic_gather %get3A_268[%gather3A_635] in [0] : vector<16xi32>, vector<16xi32> -> vector<16xi32>
        %ge3A_637 = arith.cmpi sge, %gather3A_636, %get3A_16 : vector<16xi32>
        %select_n3A_638 = arith.select %ge3A_637, %get3A_257, %broadcast_in_dim3A_17 : vector<16xi1>, vector<16xf32>
        %add3A_639 = arith.addf %scan3A_245, %select_n3A_638 : vector<16xf32>
        %broadcast_in_dim3A_640 = arith.constant 9 : i32
        %broadcast_in_dim3A_641 = vector.broadcast %broadcast_in_dim3A_640 : i32 to vector<16xi32>
        %lt3A_642 = arith.constant 0 : i32
        %lt3A_643 = vector.broadcast %lt3A_642 : i32 to vector<16xi32>
        %lt3A_644 = arith.cmpi slt, %broadcast_in_dim3A_641, %lt3A_643 : vector<16xi32>
        %add3A_645 = arith.constant 16 : i32
        %add3A_646 = vector.broadcast %add3A_645 : i32 to vector<16xi32>
        %add3A_647 = arith.addi %broadcast_in_dim3A_641, %add3A_646 : vector<16xi32>
        %select_n3A_648 = arith.select %lt3A_644, %add3A_647, %broadcast_in_dim3A_641 : vector<16xi1>, vector<16xi32>
        %broadcast_in_dim3A_649 = vector.shape_cast %select_n3A_648 : vector<16xi32> to vector<16x1xi32>
        %gather3A_650 = vector.shape_cast %broadcast_in_dim3A_649 : vector<16x1xi32> to vector<16xi32>
        %gather3A_651 = tpu.dynamic_gather %get3A_268[%gather3A_650] in [0] : vector<16xi32>, vector<16xi32> -> vector<16xi32>
        %ge3A_652 = arith.cmpi sge, %gather3A_651, %get3A_16 : vector<16xi32>
        %select_n3A_653 = arith.select %ge3A_652, %get3A_257, %broadcast_in_dim3A_17 : vector<16xi1>, vector<16xf32>
        %add3A_654 = arith.addf %scan3A_246, %select_n3A_653 : vector<16xf32>
        %broadcast_in_dim3A_655 = arith.constant 10 : i32
        %broadcast_in_dim3A_656 = vector.broadcast %broadcast_in_dim3A_655 : i32 to vector<16xi32>
        %lt3A_657 = arith.constant 0 : i32
        %lt3A_658 = vector.broadcast %lt3A_657 : i32 to vector<16xi32>
        %lt3A_659 = arith.cmpi slt, %broadcast_in_dim3A_656, %lt3A_658 : vector<16xi32>
        %add3A_660 = arith.constant 16 : i32
        %add3A_661 = vector.broadcast %add3A_660 : i32 to vector<16xi32>
        %add3A_662 = arith.addi %broadcast_in_dim3A_656, %add3A_661 : vector<16xi32>
        %select_n3A_663 = arith.select %lt3A_659, %add3A_662, %broadcast_in_dim3A_656 : vector<16xi1>, vector<16xi32>
        %broadcast_in_dim3A_664 = vector.shape_cast %select_n3A_663 : vector<16xi32> to vector<16x1xi32>
        %gather3A_665 = vector.shape_cast %broadcast_in_dim3A_664 : vector<16x1xi32> to vector<16xi32>
        %gather3A_666 = tpu.dynamic_gather %get3A_268[%gather3A_665] in [0] : vector<16xi32>, vector<16xi32> -> vector<16xi32>
        %ge3A_667 = arith.cmpi sge, %gather3A_666, %get3A_16 : vector<16xi32>
        %select_n3A_668 = arith.select %ge3A_667, %get3A_257, %broadcast_in_dim3A_17 : vector<16xi1>, vector<16xf32>
        %add3A_669 = arith.addf %scan3A_247, %select_n3A_668 : vector<16xf32>
        %broadcast_in_dim3A_670 = arith.constant 11 : i32
        %broadcast_in_dim3A_671 = vector.broadcast %broadcast_in_dim3A_670 : i32 to vector<16xi32>
        %lt3A_672 = arith.constant 0 : i32
        %lt3A_673 = vector.broadcast %lt3A_672 : i32 to vector<16xi32>
        %lt3A_674 = arith.cmpi slt, %broadcast_in_dim3A_671, %lt3A_673 : vector<16xi32>
        %add3A_675 = arith.constant 16 : i32
        %add3A_676 = vector.broadcast %add3A_675 : i32 to vector<16xi32>
        %add3A_677 = arith.addi %broadcast_in_dim3A_671, %add3A_676 : vector<16xi32>
        %select_n3A_678 = arith.select %lt3A_674, %add3A_677, %broadcast_in_dim3A_671 : vector<16xi1>, vector<16xi32>
        %broadcast_in_dim3A_679 = vector.shape_cast %select_n3A_678 : vector<16xi32> to vector<16x1xi32>
        %gather3A_680 = vector.shape_cast %broadcast_in_dim3A_679 : vector<16x1xi32> to vector<16xi32>
        %gather3A_681 = tpu.dynamic_gather %get3A_268[%gather3A_680] in [0] : vector<16xi32>, vector<16xi32> -> vector<16xi32>
        %ge3A_682 = arith.cmpi sge, %gather3A_681, %get3A_16 : vector<16xi32>
        %select_n3A_683 = arith.select %ge3A_682, %get3A_257, %broadcast_in_dim3A_17 : vector<16xi1>, vector<16xf32>
        %add3A_684 = arith.addf %scan3A_248, %select_n3A_683 : vector<16xf32>
        %broadcast_in_dim3A_685 = arith.constant 12 : i32
        %broadcast_in_dim3A_686 = vector.broadcast %broadcast_in_dim3A_685 : i32 to vector<16xi32>
        %lt3A_687 = arith.constant 0 : i32
        %lt3A_688 = vector.broadcast %lt3A_687 : i32 to vector<16xi32>
        %lt3A_689 = arith.cmpi slt, %broadcast_in_dim3A_686, %lt3A_688 : vector<16xi32>
        %add3A_690 = arith.constant 16 : i32
        %add3A_691 = vector.broadcast %add3A_690 : i32 to vector<16xi32>
        %add3A_692 = arith.addi %broadcast_in_dim3A_686, %add3A_691 : vector<16xi32>
        %select_n3A_693 = arith.select %lt3A_689, %add3A_692, %broadcast_in_dim3A_686 : vector<16xi1>, vector<16xi32>
        %broadcast_in_dim3A_694 = vector.shape_cast %select_n3A_693 : vector<16xi32> to vector<16x1xi32>
        %gather3A_695 = vector.shape_cast %broadcast_in_dim3A_694 : vector<16x1xi32> to vector<16xi32>
        %gather3A_696 = tpu.dynamic_gather %get3A_268[%gather3A_695] in [0] : vector<16xi32>, vector<16xi32> -> vector<16xi32>
        %ge3A_697 = arith.cmpi sge, %gather3A_696, %get3A_16 : vector<16xi32>
        %select_n3A_698 = arith.select %ge3A_697, %get3A_257, %broadcast_in_dim3A_17 : vector<16xi1>, vector<16xf32>
        %add3A_699 = arith.addf %scan3A_249, %select_n3A_698 : vector<16xf32>
        %broadcast_in_dim3A_700 = arith.constant 13 : i32
        %broadcast_in_dim3A_701 = vector.broadcast %broadcast_in_dim3A_700 : i32 to vector<16xi32>
        %lt3A_702 = arith.constant 0 : i32
        %lt3A_703 = vector.broadcast %lt3A_702 : i32 to vector<16xi32>
        %lt3A_704 = arith.cmpi slt, %broadcast_in_dim3A_701, %lt3A_703 : vector<16xi32>
        %add3A_705 = arith.constant 16 : i32
        %add3A_706 = vector.broadcast %add3A_705 : i32 to vector<16xi32>
        %add3A_707 = arith.addi %broadcast_in_dim3A_701, %add3A_706 : vector<16xi32>
        %select_n3A_708 = arith.select %lt3A_704, %add3A_707, %broadcast_in_dim3A_701 : vector<16xi1>, vector<16xi32>
        %broadcast_in_dim3A_709 = vector.shape_cast %select_n3A_708 : vector<16xi32> to vector<16x1xi32>
        %gather3A_710 = vector.shape_cast %broadcast_in_dim3A_709 : vector<16x1xi32> to vector<16xi32>
        %gather3A_711 = tpu.dynamic_gather %get3A_268[%gather3A_710] in [0] : vector<16xi32>, vector<16xi32> -> vector<16xi32>
        %ge3A_712 = arith.cmpi sge, %gather3A_711, %get3A_16 : vector<16xi32>
        %select_n3A_713 = arith.select %ge3A_712, %get3A_257, %broadcast_in_dim3A_17 : vector<16xi1>, vector<16xf32>
        %add3A_714 = arith.addf %scan3A_250, %select_n3A_713 : vector<16xf32>
        %broadcast_in_dim3A_715 = arith.constant 14 : i32
        %broadcast_in_dim3A_716 = vector.broadcast %broadcast_in_dim3A_715 : i32 to vector<16xi32>
        %lt3A_717 = arith.constant 0 : i32
        %lt3A_718 = vector.broadcast %lt3A_717 : i32 to vector<16xi32>
        %lt3A_719 = arith.cmpi slt, %broadcast_in_dim3A_716, %lt3A_718 : vector<16xi32>
        %add3A_720 = arith.constant 16 : i32
        %add3A_721 = vector.broadcast %add3A_720 : i32 to vector<16xi32>
        %add3A_722 = arith.addi %broadcast_in_dim3A_716, %add3A_721 : vector<16xi32>
        %select_n3A_723 = arith.select %lt3A_719, %add3A_722, %broadcast_in_dim3A_716 : vector<16xi1>, vector<16xi32>
        %broadcast_in_dim3A_724 = vector.shape_cast %select_n3A_723 : vector<16xi32> to vector<16x1xi32>
        %gather3A_725 = vector.shape_cast %broadcast_in_dim3A_724 : vector<16x1xi32> to vector<16xi32>
        %gather3A_726 = tpu.dynamic_gather %get3A_268[%gather3A_725] in [0] : vector<16xi32>, vector<16xi32> -> vector<16xi32>
        %ge3A_727 = arith.cmpi sge, %gather3A_726, %get3A_16 : vector<16xi32>
        %select_n3A_728 = arith.select %ge3A_727, %get3A_257, %broadcast_in_dim3A_17 : vector<16xi1>, vector<16xf32>
        %add3A_729 = arith.addf %scan3A_251, %select_n3A_728 : vector<16xf32>
        %broadcast_in_dim3A_730 = arith.constant 15 : i32
        %broadcast_in_dim3A_731 = vector.broadcast %broadcast_in_dim3A_730 : i32 to vector<16xi32>
        %lt3A_732 = arith.constant 0 : i32
        %lt3A_733 = vector.broadcast %lt3A_732 : i32 to vector<16xi32>
        %lt3A_734 = arith.cmpi slt, %broadcast_in_dim3A_731, %lt3A_733 : vector<16xi32>
        %add3A_735 = arith.constant 16 : i32
        %add3A_736 = vector.broadcast %add3A_735 : i32 to vector<16xi32>
        %add3A_737 = arith.addi %broadcast_in_dim3A_731, %add3A_736 : vector<16xi32>
        %select_n3A_738 = arith.select %lt3A_734, %add3A_737, %broadcast_in_dim3A_731 : vector<16xi1>, vector<16xi32>
        %broadcast_in_dim3A_739 = vector.shape_cast %select_n3A_738 : vector<16xi32> to vector<16x1xi32>
        %gather3A_740 = vector.shape_cast %broadcast_in_dim3A_739 : vector<16x1xi32> to vector<16xi32>
        %gather3A_741 = tpu.dynamic_gather %get3A_268[%gather3A_740] in [0] : vector<16xi32>, vector<16xi32> -> vector<16xi32>
        %ge3A_742 = arith.cmpi sge, %gather3A_741, %get3A_16 : vector<16xi32>
        %select_n3A_743 = arith.select %ge3A_742, %get3A_257, %broadcast_in_dim3A_17 : vector<16xi1>, vector<16xf32>
        %add3A_744 = arith.addf %scan3A_252, %select_n3A_743 : vector<16xf32>
        scf.yield %add3A_279, %add3A_294, %add3A_309, %add3A_324, %add3A_339, %add3A_354, %add3A_369, %add3A_384, %add3A_399, %add3A_414, %add3A_429, %add3A_444, %add3A_459, %add3A_474, %add3A_489, %add3A_504, %add3A_519, %add3A_534, %add3A_549, %add3A_564, %add3A_579, %add3A_594, %add3A_609, %add3A_624, %add3A_639, %add3A_654, %add3A_669, %add3A_684, %add3A_699, %add3A_714, %add3A_729, %add3A_744, %add3A_258 : vector<16xf32>, vector<16xf32>, vector<16xf32>, vector<16xf32>, vector<16xf32>, vector<16xf32>, vector<16xf32>, vector<16xf32>, vector<16xf32>, vector<16xf32>, vector<16xf32>, vector<16xf32>, vector<16xf32>, vector<16xf32>, vector<16xf32>, vector<16xf32>, vector<16xf32>, vector<16xf32>, vector<16xf32>, vector<16xf32>, vector<16xf32>, vector<16xf32>, vector<16xf32>, vector<16xf32>, vector<16xf32>, vector<16xf32>, vector<16xf32>, vector<16xf32>, vector<16xf32>, vector<16xf32>, vector<16xf32>, vector<16xf32>, vector<16xf32>
      }
      %scan3A_23 = arith.constant 24 : i32
      %swap3A = arith.constant 0 : i32
      %swap3A_24 = arith.index_cast %swap3A : i32 to index
      %swap3A_25 = arith.index_cast %mul3A_14 : i32 to index
      %swap3A_26 = tpu.vector_load %arg10[%swap3A_24, %swap3A_25] {strides = array<i32>} : memref<32x1024xf32, #tpu.memory_space<vmem>>, vector<1x16xf32>,
      %swap3A_27 = vector.shape_cast %swap3A_26 : vector<1x16xf32> to vector<16xf32>
      %swap3A_28 = vector.shape_cast %scan3A_22#0 : vector<16xf32> to vector<1x16xf32>
      tpu.vector_store %arg10[%swap3A_24, %swap3A_25], %swap3A_28 {strides = array<i32>} : memref<32x1024xf32, #tpu.memory_space<vmem>>, vector<1x16xf32>,
      %swap3A_29 = arith.constant 1 : i32
      %swap3A_30 = arith.index_cast %swap3A_29 : i32 to index
      %swap3A_31 = arith.index_cast %mul3A_14 : i32 to index
      %swap3A_32 = tpu.vector_load %arg10[%swap3A_30, %swap3A_31] {strides = array<i32>} : memref<32x1024xf32, #tpu.memory_space<vmem>>, vector<1x16xf32>,
      %swap3A_33 = vector.shape_cast %swap3A_32 : vector<1x16xf32> to vector<16xf32>
      %swap3A_34 = vector.shape_cast %scan3A_22#1 : vector<16xf32> to vector<1x16xf32>
      tpu.vector_store %arg10[%swap3A_30, %swap3A_31], %swap3A_34 {strides = array<i32>} : memref<32x1024xf32, #tpu.memory_space<vmem>>, vector<1x16xf32>,
      %swap3A_35 = arith.constant 2 : i32
      %swap3A_36 = arith.index_cast %swap3A_35 : i32 to index
      %swap3A_37 = arith.index_cast %mul3A_14 : i32 to index
      %swap3A_38 = tpu.vector_load %arg10[%swap3A_36, %swap3A_37] {strides = array<i32>} : memref<32x1024xf32, #tpu.memory_space<vmem>>, vector<1x16xf32>,
      %swap3A_39 = vector.shape_cast %swap3A_38 : vector<1x16xf32> to vector<16xf32>
      %swap3A_40 = vector.shape_cast %scan3A_22#2 : vector<16xf32> to vector<1x16xf32>
      tpu.vector_store %arg10[%swap3A_36, %swap3A_37], %swap3A_40 {strides = array<i32>} : memref<32x1024xf32, #tpu.memory_space<vmem>>, vector<1x16xf32>,
      %swap3A_41 = arith.constant 3 : i32
      %swap3A_42 = arith.index_cast %swap3A_41 : i32 to index
      %swap3A_43 = arith.index_cast %mul3A_14 : i32 to index
      %swap3A_44 = tpu.vector_load %arg10[%swap3A_42, %swap3A_43] {strides = array<i32>} : memref<32x1024xf32, #tpu.memory_space<vmem>>, vector<1x16xf32>,
      %swap3A_45 = vector.shape_cast %swap3A_44 : vector<1x16xf32> to vector<16xf32>
      %swap3A_46 = vector.shape_cast %scan3A_22#3 : vector<16xf32> to vector<1x16xf32>
      tpu.vector_store %arg10[%swap3A_42, %swap3A_43], %swap3A_46 {strides = array<i32>} : memref<32x1024xf32, #tpu.memory_space<vmem>>, vector<1x16xf32>,
      %swap3A_47 = arith.constant 4 : i32
      %swap3A_48 = arith.index_cast %swap3A_47 : i32 to index
      %swap3A_49 = arith.index_cast %mul3A_14 : i32 to index
      %swap3A_50 = tpu.vector_load %arg10[%swap3A_48, %swap3A_49] {strides = array<i32>} : memref<32x1024xf32, #tpu.memory_space<vmem>>, vector<1x16xf32>,
      %swap3A_51 = vector.shape_cast %swap3A_50 : vector<1x16xf32> to vector<16xf32>
      %swap3A_52 = vector.shape_cast %scan3A_22#4 : vector<16xf32> to vector<1x16xf32>
      tpu.vector_store %arg10[%swap3A_48, %swap3A_49], %swap3A_52 {strides = array<i32>} : memref<32x1024xf32, #tpu.memory_space<vmem>>, vector<1x16xf32>,
      %swap3A_53 = arith.constant 5 : i32
      %swap3A_54 = arith.index_cast %swap3A_53 : i32 to index
      %swap3A_55 = arith.index_cast %mul3A_14 : i32 to index
      %swap3A_56 = tpu.vector_load %arg10[%swap3A_54, %swap3A_55] {strides = array<i32>} : memref<32x1024xf32, #tpu.memory_space<vmem>>, vector<1x16xf32>,
      %swap3A_57 = vector.shape_cast %swap3A_56 : vector<1x16xf32> to vector<16xf32>
      %swap3A_58 = vector.shape_cast %scan3A_22#5 : vector<16xf32> to vector<1x16xf32>
      tpu.vector_store %arg10[%swap3A_54, %swap3A_55], %swap3A_58 {strides = array<i32>} : memref<32x1024xf32, #tpu.memory_space<vmem>>, vector<1x16xf32>,
      %swap3A_59 = arith.constant 6 : i32
      %swap3A_60 = arith.index_cast %swap3A_59 : i32 to index
      %swap3A_61 = arith.index_cast %mul3A_14 : i32 to index
      %swap3A_62 = tpu.vector_load %arg10[%swap3A_60, %swap3A_61] {strides = array<i32>} : memref<32x1024xf32, #tpu.memory_space<vmem>>, vector<1x16xf32>,
      %swap3A_63 = vector.shape_cast %swap3A_62 : vector<1x16xf32> to vector<16xf32>
      %swap3A_64 = vector.shape_cast %scan3A_22#6 : vector<16xf32> to vector<1x16xf32>
      tpu.vector_store %arg10[%swap3A_60, %swap3A_61], %swap3A_64 {strides = array<i32>} : memref<32x1024xf32, #tpu.memory_space<vmem>>, vector<1x16xf32>,
      %swap3A_65 = arith.constant 7 : i32
      %swap3A_66 = arith.index_cast %swap3A_65 : i32 to index
      %swap3A_67 = arith.index_cast %mul3A_14 : i32 to index
      %swap3A_68 = tpu.vector_load %arg10[%swap3A_66, %swap3A_67] {strides = array<i32>} : memref<32x1024xf32, #tpu.memory_space<vmem>>, vector<1x16xf32>,
      %swap3A_69 = vector.shape_cast %swap3A_68 : vector<1x16xf32> to vector<16xf32>
      %swap3A_70 = vector.shape_cast %scan3A_22#7 : vector<16xf32> to vector<1x16xf32>
      tpu.vector_store %arg10[%swap3A_66, %swap3A_67], %swap3A_70 {strides = array<i32>} : memref<32x1024xf32, #tpu.memory_space<vmem>>, vector<1x16xf32>,
      %swap3A_71 = arith.constant 8 : i32
      %swap3A_72 = arith.index_cast %swap3A_71 : i32 to index
      %swap3A_73 = arith.index_cast %mul3A_14 : i32 to index
      %swap3A_74 = tpu.vector_load %arg10[%swap3A_72, %swap3A_73] {strides = array<i32>} : memref<32x1024xf32, #tpu.memory_space<vmem>>, vector<1x16xf32>,
      %swap3A_75 = vector.shape_cast %swap3A_74 : vector<1x16xf32> to vector<16xf32>
      %swap3A_76 = vector.shape_cast %scan3A_22#8 : vector<16xf32> to vector<1x16xf32>
      tpu.vector_store %arg10[%swap3A_72, %swap3A_73], %swap3A_76 {strides = array<i32>} : memref<32x1024xf32, #tpu.memory_space<vmem>>, vector<1x16xf32>,
      %swap3A_77 = arith.constant 9 : i32
      %swap3A_78 = arith.index_cast %swap3A_77 : i32 to index
      %swap3A_79 = arith.index_cast %mul3A_14 : i32 to index
      %swap3A_80 = tpu.vector_load %arg10[%swap3A_78, %swap3A_79] {strides = array<i32>} : memref<32x1024xf32, #tpu.memory_space<vmem>>, vector<1x16xf32>,
      %swap3A_81 = vector.shape_cast %swap3A_80 : vector<1x16xf32> to vector<16xf32>
      %swap3A_82 = vector.shape_cast %scan3A_22#9 : vector<16xf32> to vector<1x16xf32>
      tpu.vector_store %arg10[%swap3A_78, %swap3A_79], %swap3A_82 {strides = array<i32>} : memref<32x1024xf32, #tpu.memory_space<vmem>>, vector<1x16xf32>,
      %swap3A_83 = arith.constant 10 : i32
      %swap3A_84 = arith.index_cast %swap3A_83 : i32 to index
      %swap3A_85 = arith.index_cast %mul3A_14 : i32 to index
      %swap3A_86 = tpu.vector_load %arg10[%swap3A_84, %swap3A_85] {strides = array<i32>} : memref<32x1024xf32, #tpu.memory_space<vmem>>, vector<1x16xf32>,
      %swap3A_87 = vector.shape_cast %swap3A_86 : vector<1x16xf32> to vector<16xf32>
      %swap3A_88 = vector.shape_cast %scan3A_22#10 : vector<16xf32> to vector<1x16xf32>
      tpu.vector_store %arg10[%swap3A_84, %swap3A_85], %swap3A_88 {strides = array<i32>} : memref<32x1024xf32, #tpu.memory_space<vmem>>, vector<1x16xf32>,
      %swap3A_89 = arith.constant 11 : i32
      %swap3A_90 = arith.index_cast %swap3A_89 : i32 to index
      %swap3A_91 = arith.index_cast %mul3A_14 : i32 to index
      %swap3A_92 = tpu.vector_load %arg10[%swap3A_90, %swap3A_91] {strides = array<i32>} : memref<32x1024xf32, #tpu.memory_space<vmem>>, vector<1x16xf32>,
      %swap3A_93 = vector.shape_cast %swap3A_92 : vector<1x16xf32> to vector<16xf32>
      %swap3A_94 = vector.shape_cast %scan3A_22#11 : vector<16xf32> to vector<1x16xf32>
      tpu.vector_store %arg10[%swap3A_90, %swap3A_91], %swap3A_94 {strides = array<i32>} : memref<32x1024xf32, #tpu.memory_space<vmem>>, vector<1x16xf32>,
      %swap3A_95 = arith.constant 12 : i32
      %swap3A_96 = arith.index_cast %swap3A_95 : i32 to index
      %swap3A_97 = arith.index_cast %mul3A_14 : i32 to index
      %swap3A_98 = tpu.vector_load %arg10[%swap3A_96, %swap3A_97] {strides = array<i32>} : memref<32x1024xf32, #tpu.memory_space<vmem>>, vector<1x16xf32>,
      %swap3A_99 = vector.shape_cast %swap3A_98 : vector<1x16xf32> to vector<16xf32>
      %swap3A_100 = vector.shape_cast %scan3A_22#12 : vector<16xf32> to vector<1x16xf32>
      tpu.vector_store %arg10[%swap3A_96, %swap3A_97], %swap3A_100 {strides = array<i32>} : memref<32x1024xf32, #tpu.memory_space<vmem>>, vector<1x16xf32>,
      %swap3A_101 = arith.constant 13 : i32
      %swap3A_102 = arith.index_cast %swap3A_101 : i32 to index
      %swap3A_103 = arith.index_cast %mul3A_14 : i32 to index
      %swap3A_104 = tpu.vector_load %arg10[%swap3A_102, %swap3A_103] {strides = array<i32>} : memref<32x1024xf32, #tpu.memory_space<vmem>>, vector<1x16xf32>,
      %swap3A_105 = vector.shape_cast %swap3A_104 : vector<1x16xf32> to vector<16xf32>
      %swap3A_106 = vector.shape_cast %scan3A_22#13 : vector<16xf32> to vector<1x16xf32>
      tpu.vector_store %arg10[%swap3A_102, %swap3A_103], %swap3A_106 {strides = array<i32>} : memref<32x1024xf32, #tpu.memory_space<vmem>>, vector<1x16xf32>,
      %swap3A_107 = arith.constant 14 : i32
      %swap3A_108 = arith.index_cast %swap3A_107 : i32 to index
      %swap3A_109 = arith.index_cast %mul3A_14 : i32 to index
      %swap3A_110 = tpu.vector_load %arg10[%swap3A_108, %swap3A_109] {strides = array<i32>} : memref<32x1024xf32, #tpu.memory_space<vmem>>, vector<1x16xf32>,
      %swap3A_111 = vector.shape_cast %swap3A_110 : vector<1x16xf32> to vector<16xf32>
      %swap3A_112 = vector.shape_cast %scan3A_22#14 : vector<16xf32> to vector<1x16xf32>
      tpu.vector_store %arg10[%swap3A_108, %swap3A_109], %swap3A_112 {strides = array<i32>} : memref<32x1024xf32, #tpu.memory_space<vmem>>, vector<1x16xf32>,
      %swap3A_113 = arith.constant 15 : i32
      %swap3A_114 = arith.index_cast %swap3A_113 : i32 to index
      %swap3A_115 = arith.index_cast %mul3A_14 : i32 to index
      %swap3A_116 = tpu.vector_load %arg10[%swap3A_114, %swap3A_115] {strides = array<i32>} : memref<32x1024xf32, #tpu.memory_space<vmem>>, vector<1x16xf32>,
      %swap3A_117 = vector.shape_cast %swap3A_116 : vector<1x16xf32> to vector<16xf32>
      %swap3A_118 = vector.shape_cast %scan3A_22#15 : vector<16xf32> to vector<1x16xf32>
      tpu.vector_store %arg10[%swap3A_114, %swap3A_115], %swap3A_118 {strides = array<i32>} : memref<32x1024xf32, #tpu.memory_space<vmem>>, vector<1x16xf32>,
      %swap3A_119 = arith.constant 16 : i32
      %swap3A_120 = arith.index_cast %swap3A_119 : i32 to index
      %swap3A_121 = arith.index_cast %mul3A_14 : i32 to index
      %swap3A_122 = tpu.vector_load %arg10[%swap3A_120, %swap3A_121] {strides = array<i32>} : memref<32x1024xf32, #tpu.memory_space<vmem>>, vector<1x16xf32>,
      %swap3A_123 = vector.shape_cast %swap3A_122 : vector<1x16xf32> to vector<16xf32>
      %swap3A_124 = vector.shape_cast %scan3A_22#16 : vector<16xf32> to vector<1x16xf32>
      tpu.vector_store %arg10[%swap3A_120, %swap3A_121], %swap3A_124 {strides = array<i32>} : memref<32x1024xf32, #tpu.memory_space<vmem>>, vector<1x16xf32>,
      %swap3A_125 = arith.constant 17 : i32
      %swap3A_126 = arith.index_cast %swap3A_125 : i32 to index
      %swap3A_127 = arith.index_cast %mul3A_14 : i32 to index
      %swap3A_128 = tpu.vector_load %arg10[%swap3A_126, %swap3A_127] {strides = array<i32>} : memref<32x1024xf32, #tpu.memory_space<vmem>>, vector<1x16xf32>,
      %swap3A_129 = vector.shape_cast %swap3A_128 : vector<1x16xf32> to vector<16xf32>
      %swap3A_130 = vector.shape_cast %scan3A_22#17 : vector<16xf32> to vector<1x16xf32>
      tpu.vector_store %arg10[%swap3A_126, %swap3A_127], %swap3A_130 {strides = array<i32>} : memref<32x1024xf32, #tpu.memory_space<vmem>>, vector<1x16xf32>,
      %swap3A_131 = arith.constant 18 : i32
      %swap3A_132 = arith.index_cast %swap3A_131 : i32 to index
      %swap3A_133 = arith.index_cast %mul3A_14 : i32 to index
      %swap3A_134 = tpu.vector_load %arg10[%swap3A_132, %swap3A_133] {strides = array<i32>} : memref<32x1024xf32, #tpu.memory_space<vmem>>, vector<1x16xf32>,
      %swap3A_135 = vector.shape_cast %swap3A_134 : vector<1x16xf32> to vector<16xf32>
      %swap3A_136 = vector.shape_cast %scan3A_22#18 : vector<16xf32> to vector<1x16xf32>
      tpu.vector_store %arg10[%swap3A_132, %swap3A_133], %swap3A_136 {strides = array<i32>} : memref<32x1024xf32, #tpu.memory_space<vmem>>, vector<1x16xf32>,
      %swap3A_137 = arith.constant 19 : i32
      %swap3A_138 = arith.index_cast %swap3A_137 : i32 to index
      %swap3A_139 = arith.index_cast %mul3A_14 : i32 to index
      %swap3A_140 = tpu.vector_load %arg10[%swap3A_138, %swap3A_139] {strides = array<i32>} : memref<32x1024xf32, #tpu.memory_space<vmem>>, vector<1x16xf32>,
      %swap3A_141 = vector.shape_cast %swap3A_140 : vector<1x16xf32> to vector<16xf32>
      %swap3A_142 = vector.shape_cast %scan3A_22#19 : vector<16xf32> to vector<1x16xf32>
      tpu.vector_store %arg10[%swap3A_138, %swap3A_139], %swap3A_142 {strides = array<i32>} : memref<32x1024xf32, #tpu.memory_space<vmem>>, vector<1x16xf32>,
      %swap3A_143 = arith.constant 20 : i32
      %swap3A_144 = arith.index_cast %swap3A_143 : i32 to index
      %swap3A_145 = arith.index_cast %mul3A_14 : i32 to index
      %swap3A_146 = tpu.vector_load %arg10[%swap3A_144, %swap3A_145] {strides = array<i32>} : memref<32x1024xf32, #tpu.memory_space<vmem>>, vector<1x16xf32>,
      %swap3A_147 = vector.shape_cast %swap3A_146 : vector<1x16xf32> to vector<16xf32>
      %swap3A_148 = vector.shape_cast %scan3A_22#20 : vector<16xf32> to vector<1x16xf32>
      tpu.vector_store %arg10[%swap3A_144, %swap3A_145], %swap3A_148 {strides = array<i32>} : memref<32x1024xf32, #tpu.memory_space<vmem>>, vector<1x16xf32>,
      %swap3A_149 = arith.constant 21 : i32
      %swap3A_150 = arith.index_cast %swap3A_149 : i32 to index
      %swap3A_151 = arith.index_cast %mul3A_14 : i32 to index
      %swap3A_152 = tpu.vector_load %arg10[%swap3A_150, %swap3A_151] {strides = array<i32>} : memref<32x1024xf32, #tpu.memory_space<vmem>>, vector<1x16xf32>,
      %swap3A_153 = vector.shape_cast %swap3A_152 : vector<1x16xf32> to vector<16xf32>
      %swap3A_154 = vector.shape_cast %scan3A_22#21 : vector<16xf32> to vector<1x16xf32>
      tpu.vector_store %arg10[%swap3A_150, %swap3A_151], %swap3A_154 {strides = array<i32>} : memref<32x1024xf32, #tpu.memory_space<vmem>>, vector<1x16xf32>,
      %swap3A_155 = arith.constant 22 : i32
      %swap3A_156 = arith.index_cast %swap3A_155 : i32 to index
      %swap3A_157 = arith.index_cast %mul3A_14 : i32 to index
      %swap3A_158 = tpu.vector_load %arg10[%swap3A_156, %swap3A_157] {strides = array<i32>} : memref<32x1024xf32, #tpu.memory_space<vmem>>, vector<1x16xf32>,
      %swap3A_159 = vector.shape_cast %swap3A_158 : vector<1x16xf32> to vector<16xf32>
      %swap3A_160 = vector.shape_cast %scan3A_22#22 : vector<16xf32> to vector<1x16xf32>
      tpu.vector_store %arg10[%swap3A_156, %swap3A_157], %swap3A_160 {strides = array<i32>} : memref<32x1024xf32, #tpu.memory_space<vmem>>, vector<1x16xf32>,
      %swap3A_161 = arith.constant 23 : i32
      %swap3A_162 = arith.index_cast %swap3A_161 : i32 to index
      %swap3A_163 = arith.index_cast %mul3A_14 : i32 to index
      %swap3A_164 = tpu.vector_load %arg10[%swap3A_162, %swap3A_163] {strides = array<i32>} : memref<32x1024xf32, #tpu.memory_space<vmem>>, vector<1x16xf32>,
      %swap3A_165 = vector.shape_cast %swap3A_164 : vector<1x16xf32> to vector<16xf32>
      %swap3A_166 = vector.shape_cast %scan3A_22#23 : vector<16xf32> to vector<1x16xf32>
      tpu.vector_store %arg10[%swap3A_162, %swap3A_163], %swap3A_166 {strides = array<i32>} : memref<32x1024xf32, #tpu.memory_space<vmem>>, vector<1x16xf32>,
      %swap3A_167 = arith.constant 24 : i32
      %swap3A_168 = arith.index_cast %swap3A_167 : i32 to index
      %swap3A_169 = arith.index_cast %mul3A_14 : i32 to index
      %swap3A_170 = tpu.vector_load %arg10[%swap3A_168, %swap3A_169] {strides = array<i32>} : memref<32x1024xf32, #tpu.memory_space<vmem>>, vector<1x16xf32>,
      %swap3A_171 = vector.shape_cast %swap3A_170 : vector<1x16xf32> to vector<16xf32>
      %swap3A_172 = vector.shape_cast %scan3A_22#24 : vector<16xf32> to vector<1x16xf32>
      tpu.vector_store %arg10[%swap3A_168, %swap3A_169], %swap3A_172 {strides = array<i32>} : memref<32x1024xf32, #tpu.memory_space<vmem>>, vector<1x16xf32>,
      %swap3A_173 = arith.constant 25 : i32
      %swap3A_174 = arith.index_cast %swap3A_173 : i32 to index
      %swap3A_175 = arith.index_cast %mul3A_14 : i32 to index
      %swap3A_176 = tpu.vector_load %arg10[%swap3A_174, %swap3A_175] {strides = array<i32>} : memref<32x1024xf32, #tpu.memory_space<vmem>>, vector<1x16xf32>,
      %swap3A_177 = vector.shape_cast %swap3A_176 : vector<1x16xf32> to vector<16xf32>
      %swap3A_178 = vector.shape_cast %scan3A_22#25 : vector<16xf32> to vector<1x16xf32>
      tpu.vector_store %arg10[%swap3A_174, %swap3A_175], %swap3A_178 {strides = array<i32>} : memref<32x1024xf32, #tpu.memory_space<vmem>>, vector<1x16xf32>,
      %swap3A_179 = arith.constant 26 : i32
      %swap3A_180 = arith.index_cast %swap3A_179 : i32 to index
      %swap3A_181 = arith.index_cast %mul3A_14 : i32 to index
      %swap3A_182 = tpu.vector_load %arg10[%swap3A_180, %swap3A_181] {strides = array<i32>} : memref<32x1024xf32, #tpu.memory_space<vmem>>, vector<1x16xf32>,
      %swap3A_183 = vector.shape_cast %swap3A_182 : vector<1x16xf32> to vector<16xf32>
      %swap3A_184 = vector.shape_cast %scan3A_22#26 : vector<16xf32> to vector<1x16xf32>
      tpu.vector_store %arg10[%swap3A_180, %swap3A_181], %swap3A_184 {strides = array<i32>} : memref<32x1024xf32, #tpu.memory_space<vmem>>, vector<1x16xf32>,
      %swap3A_185 = arith.constant 27 : i32
      %swap3A_186 = arith.index_cast %swap3A_185 : i32 to index
      %swap3A_187 = arith.index_cast %mul3A_14 : i32 to index
      %swap3A_188 = tpu.vector_load %arg10[%swap3A_186, %swap3A_187] {strides = array<i32>} : memref<32x1024xf32, #tpu.memory_space<vmem>>, vector<1x16xf32>,
      %swap3A_189 = vector.shape_cast %swap3A_188 : vector<1x16xf32> to vector<16xf32>
      %swap3A_190 = vector.shape_cast %scan3A_22#27 : vector<16xf32> to vector<1x16xf32>
      tpu.vector_store %arg10[%swap3A_186, %swap3A_187], %swap3A_190 {strides = array<i32>} : memref<32x1024xf32, #tpu.memory_space<vmem>>, vector<1x16xf32>,
      %swap3A_191 = arith.constant 28 : i32
      %swap3A_192 = arith.index_cast %swap3A_191 : i32 to index
      %swap3A_193 = arith.index_cast %mul3A_14 : i32 to index
      %swap3A_194 = tpu.vector_load %arg10[%swap3A_192, %swap3A_193] {strides = array<i32>} : memref<32x1024xf32, #tpu.memory_space<vmem>>, vector<1x16xf32>,
      %swap3A_195 = vector.shape_cast %swap3A_194 : vector<1x16xf32> to vector<16xf32>
      %swap3A_196 = vector.shape_cast %scan3A_22#28 : vector<16xf32> to vector<1x16xf32>
      tpu.vector_store %arg10[%swap3A_192, %swap3A_193], %swap3A_196 {strides = array<i32>} : memref<32x1024xf32, #tpu.memory_space<vmem>>, vector<1x16xf32>,
      %swap3A_197 = arith.constant 29 : i32
      %swap3A_198 = arith.index_cast %swap3A_197 : i32 to index
      %swap3A_199 = arith.index_cast %mul3A_14 : i32 to index
      %swap3A_200 = tpu.vector_load %arg10[%swap3A_198, %swap3A_199] {strides = array<i32>} : memref<32x1024xf32, #tpu.memory_space<vmem>>, vector<1x16xf32>,
      %swap3A_201 = vector.shape_cast %swap3A_200 : vector<1x16xf32> to vector<16xf32>
      %swap3A_202 = vector.shape_cast %scan3A_22#29 : vector<16xf32> to vector<1x16xf32>
      tpu.vector_store %arg10[%swap3A_198, %swap3A_199], %swap3A_202 {strides = array<i32>} : memref<32x1024xf32, #tpu.memory_space<vmem>>, vector<1x16xf32>,
      %swap3A_203 = arith.constant 30 : i32
      %swap3A_204 = arith.index_cast %swap3A_203 : i32 to index
      %swap3A_205 = arith.index_cast %mul3A_14 : i32 to index
      %swap3A_206 = tpu.vector_load %arg10[%swap3A_204, %swap3A_205] {strides = array<i32>} : memref<32x1024xf32, #tpu.memory_space<vmem>>, vector<1x16xf32>,
      %swap3A_207 = vector.shape_cast %swap3A_206 : vector<1x16xf32> to vector<16xf32>
      %swap3A_208 = vector.shape_cast %scan3A_22#30 : vector<16xf32> to vector<1x16xf32>
      tpu.vector_store %arg10[%swap3A_204, %swap3A_205], %swap3A_208 {strides = array<i32>} : memref<32x1024xf32, #tpu.memory_space<vmem>>, vector<1x16xf32>,
      %swap3A_209 = arith.constant 31 : i32
      %swap3A_210 = arith.index_cast %swap3A_209 : i32 to index
      %swap3A_211 = arith.index_cast %mul3A_14 : i32 to index
      %swap3A_212 = tpu.vector_load %arg10[%swap3A_210, %swap3A_211] {strides = array<i32>} : memref<32x1024xf32, #tpu.memory_space<vmem>>, vector<1x16xf32>,
      %swap3A_213 = vector.shape_cast %swap3A_212 : vector<1x16xf32> to vector<16xf32>
      %swap3A_214 = vector.shape_cast %scan3A_22#31 : vector<16xf32> to vector<1x16xf32>
      tpu.vector_store %arg10[%swap3A_210, %swap3A_211], %swap3A_214 {strides = array<i32>} : memref<32x1024xf32, #tpu.memory_space<vmem>>, vector<1x16xf32>,
      %swap3A_215 = arith.index_cast %mul3A_14 : i32 to index
      %swap3A_216 = tpu.vector_load %arg11[%swap3A_215] {strides = array<i32>} : memref<1024xf32, #tpu.memory_space<vmem>>, vector<16xf32>,
      %swap3A_217 = vector.shape_cast %swap3A_216 : vector<16xf32> to vector<16xf32>
      %swap3A_218 = vector.shape_cast %scan3A_22#32 : vector<16xf32> to vector<16xf32>
      tpu.vector_store %arg11[%swap3A_215], %swap3A_218 {strides = array<i32>} : memref<1024xf32, #tpu.memory_space<vmem>>, vector<16xf32>,
      %scan3A_219 = arith.constant 0 : i32
      scf.yield %scan3A_219 : i32
    }
    %scan3A_10 = arith.constant 64 : i32
    "tpu.region"() ({
      %run_scoped3A_11 = tpu.sem_alloc : memref<!tpu.dma_semaphore, #tpu.memory_space<semaphore_mem>>
      %dma_start3A = arith.constant 0 : i32
      %dma_start3A_12 = arith.constant 0 : i32
      %dma_start3A_13 = tpu.memref_slice %arg5[%add3A, %dma_start3A, %dma_start3A_12] : memref<32x32x1024xf32, #tpu.memory_space<hbm>> -> memref<1x32x1024xf32, #tpu.memory_space<hbm>>
      %dma_start3A_14 = tpu.memref_squeeze %dma_start3A_13 : memref<1x32x1024xf32, #tpu.memory_space<hbm>> -> memref<32x1024xf32, #tpu.memory_space<hbm>>
      %dma_start3A_15 = arith.constant 0 : i32
      %dma_start3A_16 = arith.constant 0 : i32
      %dma_start3A_17 = tpu.memref_slice %arg5[%add3A, %dma_start3A_15, %dma_start3A_16] : memref<32x32x1024xf32, #tpu.memory_space<hbm>> -> memref<1x32x1024xf32, #tpu.memory_space<hbm>>
      %dma_start3A_18 = tpu.memref_squeeze %dma_start3A_17 : memref<1x32x1024xf32, #tpu.memory_space<hbm>> -> memref<32x1024xf32, #tpu.memory_space<hbm>>
      tpu.enqueue_dma source(%arg10 : memref<32x1024xf32, #tpu.memory_space<vmem>>) target(%dma_start3A_18 : memref<32x1024xf32, #tpu.memory_space<hbm>>) target_semaphore(%run_scoped3A_11 : memref<!tpu.dma_semaphore, #tpu.memory_space<semaphore_mem>>)
      %dma_wait3A = arith.constant 0 : i32
      %dma_wait3A_19 = arith.constant 0 : i32
      %dma_wait3A_20 = tpu.memref_slice %arg5[%add3A, %dma_wait3A, %dma_wait3A_19] : memref<32x32x1024xf32, #tpu.memory_space<hbm>> -> memref<1x32x1024xf32, #tpu.memory_space<hbm>>
      %dma_wait3A_21 = tpu.memref_squeeze %dma_wait3A_20 : memref<1x32x1024xf32, #tpu.memory_space<hbm>> -> memref<32x1024xf32, #tpu.memory_space<hbm>>
      %dma_wait3A_22 = arith.constant 0 : i32
      %dma_wait3A_23 = arith.constant 0 : i32
      %dma_wait3A_24 = tpu.memref_slice %arg5[%add3A, %dma_wait3A_22, %dma_wait3A_23] : memref<32x32x1024xf32, #tpu.memory_space<hbm>> -> memref<1x32x1024xf32, #tpu.memory_space<hbm>>
      %dma_wait3A_25 = tpu.memref_squeeze %dma_wait3A_24 : memref<1x32x1024xf32, #tpu.memory_space<hbm>> -> memref<32x1024xf32, #tpu.memory_space<hbm>>
      tpu.wait_dma2 semaphore(%run_scoped3A_11 : memref<!tpu.dma_semaphore, #tpu.memory_space<semaphore_mem>>) src(%arg10 : memref<32x1024xf32, #tpu.memory_space<vmem>>) dst(%dma_wait3A_25 : memref<32x1024xf32, #tpu.memory_space<hbm>>)
      tpu.yield
    }) : () -> ()
    "tpu.region"() ({
      %run_scoped3A_11 = tpu.sem_alloc : memref<!tpu.dma_semaphore, #tpu.memory_space<semaphore_mem>>
      %dma_start3A = arith.constant 0 : i32
      %dma_start3A_12 = tpu.memref_slice %arg6[%add3A, %dma_start3A] : memref<32x1024xf32, #tpu.memory_space<hbm>> -> memref<1x1024xf32, #tpu.memory_space<hbm>>
      %dma_start3A_13 = tpu.memref_squeeze %dma_start3A_12 : memref<1x1024xf32, #tpu.memory_space<hbm>> -> memref<1024xf32, #tpu.memory_space<hbm>>
      %dma_start3A_14 = arith.constant 0 : i32
      %dma_start3A_15 = tpu.memref_slice %arg6[%add3A, %dma_start3A_14] : memref<32x1024xf32, #tpu.memory_space<hbm>> -> memref<1x1024xf32, #tpu.memory_space<hbm>>
      %dma_start3A_16 = tpu.memref_squeeze %dma_start3A_15 : memref<1x1024xf32, #tpu.memory_space<hbm>> -> memref<1024xf32, #tpu.memory_space<hbm>>
      tpu.enqueue_dma source(%arg11 : memref<1024xf32, #tpu.memory_space<vmem>>) target(%dma_start3A_16 : memref<1024xf32, #tpu.memory_space<hbm>>) target_semaphore(%run_scoped3A_11 : memref<!tpu.dma_semaphore, #tpu.memory_space<semaphore_mem>>)
      %dma_wait3A = arith.constant 0 : i32
      %dma_wait3A_17 = tpu.memref_slice %arg6[%add3A, %dma_wait3A] : memref<32x1024xf32, #tpu.memory_space<hbm>> -> memref<1x1024xf32, #tpu.memory_space<hbm>>
      %dma_wait3A_18 = tpu.memref_squeeze %dma_wait3A_17 : memref<1x1024xf32, #tpu.memory_space<hbm>> -> memref<1024xf32, #tpu.memory_space<hbm>>
      %dma_wait3A_19 = arith.constant 0 : i32
      %dma_wait3A_20 = tpu.memref_slice %arg6[%add3A, %dma_wait3A_19] : memref<32x1024xf32, #tpu.memory_space<hbm>> -> memref<1x1024xf32, #tpu.memory_space<hbm>>
      %dma_wait3A_21 = tpu.memref_squeeze %dma_wait3A_20 : memref<1x1024xf32, #tpu.memory_space<hbm>> -> memref<1024xf32, #tpu.memory_space<hbm>>
      tpu.wait_dma2 semaphore(%run_scoped3A_11 : memref<!tpu.dma_semaphore, #tpu.memory_space<semaphore_mem>>) src(%arg11 : memref<1024xf32, #tpu.memory_space<vmem>>) dst(%dma_wait3A_21 : memref<1024xf32, #tpu.memory_space<hbm>>)
      tpu.yield
    }) : () -> ()
    return
  }
}

module attributes {stable_mosaic.version = 14 : i64} {
  func.func @_prep_kernel(%arg0: memref<32x768xi32, #tpu.memory_space<vmem>>, %arg1: memref<256x1024xf32, #tpu.memory_space<vmem>>, %arg2: memref<768x32xi32, #tpu.memory_space<vmem>>, %arg3: memref<1x1024xi32, #tpu.memory_space<vmem>>) attributes {dimension_semantics = [], scalar_prefetch = 0 : i64, scratch_operands = 0 : i64, tpu.core_type = #tpu.core_type<tc>} {
    %get3A = arith.constant 0 : index
    %get3A_0 = arith.constant 0 : index
    %get3A_1 = vector.load %arg0[%get3A, %get3A_0] : memref<32x768xi32, #tpu.memory_space<vmem>>, vector<32x768xi32>
    %convert_element_type3A = arith.sitofp %get3A_1 : vector<32x768xi32> to vector<32x768xf32>
    %div3A = arith.constant 2.560000e+02 : f32
    %div3A_2 = vector.broadcast %div3A : f32 to vector<32x768xf32>
    %div3A_3 = arith.divf %convert_element_type3A, %div3A_2 : vector<32x768xf32>
    %mul3A = arith.constant 2.550000e+02 : f32
    %mul3A_4 = vector.broadcast %mul3A : f32 to vector<32x768xf32>
    %mul3A_5 = arith.mulf %div3A_3, %mul3A_4 : vector<32x768xf32>
    %round3A = math.roundeven %mul3A_5 : vector<32x768xf32>
    %jit3A = arith.constant 0 : i32
    %jit3A_6 = arith.constant 255 : i32
    %convert_element_type3A_7 = arith.sitofp %jit3A : i32 to f32
    %max3A = vector.broadcast %convert_element_type3A_7 : f32 to vector<32x768xf32>
    %max3A_8 = arith.maximumf %max3A, %round3A : vector<32x768xf32>
    %convert_element_type3A_9 = arith.sitofp %jit3A_6 : i32 to f32
    %min3A = vector.broadcast %convert_element_type3A_9 : f32 to vector<32x768xf32>
    %min3A_10 = arith.minimumf %min3A, %max3A_8 : vector<32x768xf32>
    %convert_element_type3A_11 = arith.fptosi %min3A_10 : vector<32x768xf32> to vector<32x768xi32>
    %transpose3A = tpu.transpose %convert_element_type3A_11, [1, 0] : vector<32x768xi32> -> vector<768x32xi32>
    %swap3A = arith.constant 0 : index
    %swap3A_12 = arith.constant 0 : index
    %swap3A_13 = vector.load %arg2[%swap3A, %swap3A_12] : memref<768x32xi32, #tpu.memory_space<vmem>>, vector<768x32xi32>
    tpu.vector_store %arg2[%swap3A, %swap3A_12], %transpose3A {strides = array<i32>} : memref<768x32xi32, #tpu.memory_space<vmem>>, vector<768x32xi32>,
    %get3A_14 = arith.constant 0 : index
    %get3A_15 = arith.constant 0 : index
    %get3A_16 = vector.load %arg1[%get3A_14, %get3A_15] : memref<256x1024xf32, #tpu.memory_space<vmem>>, vector<256x1024xf32>
    %lt3A = arith.constant 0.000000e+00 : f32
    %lt3A_17 = vector.broadcast %lt3A : f32 to vector<256x1024xf32>
    %lt3A_18 = arith.cmpf olt, %get3A_16, %lt3A_17 : vector<256x1024xf32>
    %convert_element_type3A_19 = arith.extui %lt3A_18 : vector<256x1024xi1> to vector<256x1024xi32>
    %reduce_sum3A = arith.constant dense<0> : vector<1024xi32>
    %reduce_sum3A_20 = vector.multi_reduction <add>, %convert_element_type3A_19, %reduce_sum3A [0] : vector<256x1024xi32> to vector<1024xi32>
    %broadcast_in_dim3A = vector.shape_cast %reduce_sum3A_20 : vector<1024xi32> to vector<1x1024xi32>
    %swap3A_21 = arith.constant 0 : index
    %swap3A_22 = arith.constant 0 : index
    %swap3A_23 = vector.load %arg3[%swap3A_21, %swap3A_22] : memref<1x1024xi32, #tpu.memory_space<vmem>>, vector<1x1024xi32>
    tpu.vector_store %arg3[%swap3A_21, %swap3A_22], %broadcast_in_dim3A {strides = array<i32>} : memref<1x1024xi32, #tpu.memory_space<vmem>>, vector<1x1024xi32>,
    return
  }
}

module attributes {stable_mosaic.version = 14 : i64} {
  func.func @_tc_kernel(%arg0: i32, %arg1: memref<32x256xi32, #tpu.memory_space<vmem>>, %arg2: memref<256x1100xf32, #tpu.memory_space<vmem>>, %arg3: memref<256x1100xf32, #tpu.memory_space<vmem>>, %arg4: memref<32x1100xf32, #tpu.memory_space<vmem>>, %arg5: memref<32x1100xf32, #tpu.memory_space<vmem>>, %arg6: memref<1x1100xf32, #tpu.memory_space<vmem>>, %arg7: memref<1x1100xi32, #tpu.memory_space<vmem>>) attributes {dimension_semantics = [#tpu.dimension_semantics<arbitrary>], iteration_bounds = array<i64: 13>, scalar_prefetch = 0 : i64, scratch_operands = 3 : i64, tpu.core_type = #tpu.core_type<tc>, window_params = [{transform_indices = @transform_0, window_bounds = array<i64: 32, 256>}, {transform_indices = @transform_1, window_bounds = array<i64: 256, 1100>}, {pipeline_mode = #tpu.pipeline_mode<synchronous>, transform_indices = @transform_2, window_bounds = array<i64: 256, 1100>}, {pipeline_mode = #tpu.pipeline_mode<synchronous>, transform_indices = @transform_3, window_bounds = array<i64: 32, 1100>}]} {
    %eq3A = arith.constant 0 : i32
    %eq3A_0 = arith.cmpi eq, %arg0, %eq3A : i32
    %convert_element_type3A = arith.extui %eq3A_0 : i1 to i32
    %cond3A = arith.constant 0 : i32
    %cond3A_1 = arith.cmpi ne, %convert_element_type3A, %cond3A : i32
    scf.if %cond3A_1 {
      %broadcast_in_dim3A_452 = arith.constant 0.000000e+00 : f32
      %broadcast_in_dim3A_453 = vector.broadcast %broadcast_in_dim3A_452 : f32 to vector<32x1100xf32>
      %swap3A_454 = arith.constant 0 : index
      %swap3A_455 = arith.constant 0 : index
      %swap3A_456 = vector.load %arg5[%swap3A_454, %swap3A_455] : memref<32x1100xf32, #tpu.memory_space<vmem>>, vector<32x1100xf32>
      tpu.vector_store %arg5[%swap3A_454, %swap3A_455], %broadcast_in_dim3A_453 {strides = array<i32>} : memref<32x1100xf32, #tpu.memory_space<vmem>>, vector<32x1100xf32>,
      %broadcast_in_dim3A_457 = arith.constant 0.000000e+00 : f32
      %broadcast_in_dim3A_458 = vector.broadcast %broadcast_in_dim3A_457 : f32 to vector<1x1100xf32>
      %swap3A_459 = arith.constant 0 : index
      %swap3A_460 = arith.constant 0 : index
      %swap3A_461 = vector.load %arg6[%swap3A_459, %swap3A_460] : memref<1x1100xf32, #tpu.memory_space<vmem>>, vector<1x1100xf32>
      tpu.vector_store %arg6[%swap3A_459, %swap3A_460], %broadcast_in_dim3A_458 {strides = array<i32>} : memref<1x1100xf32, #tpu.memory_space<vmem>>, vector<1x1100xf32>,
      %get3A_462 = arith.constant 0 : index
      %get3A_463 = arith.constant 0 : index
      %get3A_464 = vector.load %arg3[%get3A_462, %get3A_463] : memref<256x1100xf32, #tpu.memory_space<vmem>>, vector<256x1100xf32>
      %lt3A = arith.constant 0.000000e+00 : f32
      %lt3A_465 = vector.broadcast %lt3A : f32 to vector<256x1100xf32>
      %lt3A_466 = arith.cmpf olt, %get3A_464, %lt3A_465 : vector<256x1100xf32>
      %convert_element_type3A_467 = arith.extui %lt3A_466 : vector<256x1100xi1> to vector<256x1100xi32>
      %reduce_sum3A_468 = arith.constant dense<0> : vector<1100xi32>
      %reduce_sum3A_469 = vector.multi_reduction <add>, %convert_element_type3A_467, %reduce_sum3A_468 [0] : vector<256x1100xi32> to vector<1100xi32>
      %broadcast_in_dim3A_470 = vector.shape_cast %reduce_sum3A_469 : vector<1100xi32> to vector<1x1100xi32>
      %swap3A_471 = arith.constant 0 : index
      %swap3A_472 = arith.constant 0 : index
      %swap3A_473 = vector.load %arg7[%swap3A_471, %swap3A_472] : memref<1x1100xi32, #tpu.memory_space<vmem>>, vector<1x1100xi32>
      tpu.vector_store %arg7[%swap3A_471, %swap3A_472], %broadcast_in_dim3A_470 {strides = array<i32>} : memref<1x1100xi32, #tpu.memory_space<vmem>>, vector<1x1100xi32>,
    } else {
    }
    %get3A = arith.constant 0 : index
    %get3A_2 = arith.constant 0 : index
    %get3A_3 = vector.load %arg2[%get3A, %get3A_2] : memref<256x1100xf32, #tpu.memory_space<vmem>>, vector<256x1100xf32>
    %get3A_4 = arith.constant 0 : index
    %get3A_5 = arith.constant 0 : index
    %get3A_6 = vector.load %arg7[%get3A_4, %get3A_5] : memref<1x1100xi32, #tpu.memory_space<vmem>>, vector<1x1100xi32>
    %get3A_7 = vector.shape_cast %get3A_6 : vector<1x1100xi32> to vector<1100xi32>
    %get3A_8 = arith.constant 0 : index
    %get3A_9 = arith.constant 0 : index
    %get3A_10 = vector.load %arg1[%get3A_8, %get3A_9] : memref<32x256xi32, #tpu.memory_space<vmem>>, vector<32x256xi32>
    %convert_element_type3A_11 = arith.sitofp %get3A_10 : vector<32x256xi32> to vector<32x256xf32>
    %div3A = arith.constant 2.560000e+02 : f32
    %div3A_12 = vector.broadcast %div3A : f32 to vector<32x256xf32>
    %div3A_13 = arith.divf %convert_element_type3A_11, %div3A_12 : vector<32x256xf32>
    %mul3A = arith.constant 2.550000e+02 : f32
    %mul3A_14 = vector.broadcast %mul3A : f32 to vector<32x256xf32>
    %mul3A_15 = arith.mulf %div3A_13, %mul3A_14 : vector<32x256xf32>
    %round3A = math.roundeven %mul3A_15 : vector<32x256xf32>
    %jit3A = arith.constant 0 : i32
    %jit3A_16 = arith.constant 255 : i32
    %convert_element_type3A_17 = arith.sitofp %jit3A : i32 to f32
    %max3A = vector.broadcast %convert_element_type3A_17 : f32 to vector<32x256xf32>
    %max3A_18 = arith.maximumf %max3A, %round3A : vector<32x256xf32>
    %convert_element_type3A_19 = arith.sitofp %jit3A_16 : i32 to f32
    %min3A = vector.broadcast %convert_element_type3A_19 : f32 to vector<32x256xf32>
    %min3A_20 = arith.minimumf %min3A, %max3A_18 : vector<32x256xf32>
    %convert_element_type3A_21 = arith.fptosi %min3A_20 : vector<32x256xf32> to vector<32x256xi32>
    %get3A_22 = arith.constant 0 : index
    %get3A_23 = arith.constant 0 : index
    %get3A_24 = vector.load %arg6[%get3A_22, %get3A_23] : memref<1x1100xf32, #tpu.memory_space<vmem>>, vector<1x1100xf32>
    %reduce_sum3A = arith.constant dense<0.000000e+00> : vector<1100xf32>
    %reduce_sum3A_25 = vector.multi_reduction <add>, %get3A_3, %reduce_sum3A [0] : vector<256x1100xf32> to vector<1100xf32>
    %broadcast_in_dim3A = vector.shape_cast %reduce_sum3A_25 : vector<1100xf32> to vector<1x1100xf32>
    %add3A = arith.addf %get3A_24, %broadcast_in_dim3A : vector<1x1100xf32>
    %swap3A = arith.constant 0 : index
    %swap3A_26 = arith.constant 0 : index
    %swap3A_27 = vector.load %arg6[%swap3A, %swap3A_26] : memref<1x1100xf32, #tpu.memory_space<vmem>>, vector<1x1100xf32>
    tpu.vector_store %arg6[%swap3A, %swap3A_26], %add3A {strides = array<i32>} : memref<1x1100xf32, #tpu.memory_space<vmem>>, vector<1x1100xf32>,
    %slice3A = vector.extract_strided_slice %convert_element_type3A_21 {offsets = [0, 0], sizes = [1, 256], strides = [1, 1]} : vector<32x256xi32> to vector<1x256xi32>
    %squeeze3A = vector.shape_cast %slice3A : vector<1x256xi32> to vector<256xi32>
    %broadcast_in_dim3A_28 = vector.shape_cast %squeeze3A : vector<256xi32> to vector<256x1xi32>
    %broadcast_in_dim3A_29 = vector.shape_cast %get3A_7 : vector<1100xi32> to vector<1x1100xi32>
    %ge3A = vector.broadcast %broadcast_in_dim3A_28 : vector<256x1xi32> to vector<256x1100xi32>
    %ge3A_30 = vector.broadcast %broadcast_in_dim3A_29 : vector<1x1100xi32> to vector<256x1100xi32>
    %ge3A_31 = arith.cmpi sge, %ge3A, %ge3A_30 : vector<256x1100xi32>
    %jit3A_32 = arith.constant 0.000000e+00 : f32
    %broadcast_in_dim3A_33 = vector.broadcast %jit3A_32 : f32 to vector<256x1100xf32>
    %select_n3A = arith.select %ge3A_31, %get3A_3, %broadcast_in_dim3A_33 : vector<256x1100xi1>, vector<256x1100xf32>
    %reduce_sum3A_34 = arith.constant dense<0.000000e+00> : vector<1100xf32>
    %reduce_sum3A_35 = vector.multi_reduction <add>, %select_n3A, %reduce_sum3A_34 [0] : vector<256x1100xf32> to vector<1100xf32>
    %slice3A_36 = vector.extract_strided_slice %convert_element_type3A_21 {offsets = [1, 0], sizes = [1, 256], strides = [1, 1]} : vector<32x256xi32> to vector<1x256xi32>
    %squeeze3A_37 = vector.shape_cast %slice3A_36 : vector<1x256xi32> to vector<256xi32>
    %broadcast_in_dim3A_38 = vector.shape_cast %squeeze3A_37 : vector<256xi32> to vector<256x1xi32>
    %broadcast_in_dim3A_39 = vector.shape_cast %get3A_7 : vector<1100xi32> to vector<1x1100xi32>
    %ge3A_40 = vector.broadcast %broadcast_in_dim3A_38 : vector<256x1xi32> to vector<256x1100xi32>
    %ge3A_41 = vector.broadcast %broadcast_in_dim3A_39 : vector<1x1100xi32> to vector<256x1100xi32>
    %ge3A_42 = arith.cmpi sge, %ge3A_40, %ge3A_41 : vector<256x1100xi32>
    %jit3A_43 = arith.constant 0.000000e+00 : f32
    %broadcast_in_dim3A_44 = vector.broadcast %jit3A_43 : f32 to vector<256x1100xf32>
    %select_n3A_45 = arith.select %ge3A_42, %get3A_3, %broadcast_in_dim3A_44 : vector<256x1100xi1>, vector<256x1100xf32>
    %reduce_sum3A_46 = arith.constant dense<0.000000e+00> : vector<1100xf32>
    %reduce_sum3A_47 = vector.multi_reduction <add>, %select_n3A_45, %reduce_sum3A_46 [0] : vector<256x1100xf32> to vector<1100xf32>
    %slice3A_48 = vector.extract_strided_slice %convert_element_type3A_21 {offsets = [2, 0], sizes = [1, 256], strides = [1, 1]} : vector<32x256xi32> to vector<1x256xi32>
    %squeeze3A_49 = vector.shape_cast %slice3A_48 : vector<1x256xi32> to vector<256xi32>
    %broadcast_in_dim3A_50 = vector.shape_cast %squeeze3A_49 : vector<256xi32> to vector<256x1xi32>
    %broadcast_in_dim3A_51 = vector.shape_cast %get3A_7 : vector<1100xi32> to vector<1x1100xi32>
    %ge3A_52 = vector.broadcast %broadcast_in_dim3A_50 : vector<256x1xi32> to vector<256x1100xi32>
    %ge3A_53 = vector.broadcast %broadcast_in_dim3A_51 : vector<1x1100xi32> to vector<256x1100xi32>
    %ge3A_54 = arith.cmpi sge, %ge3A_52, %ge3A_53 : vector<256x1100xi32>
    %jit3A_55 = arith.constant 0.000000e+00 : f32
    %broadcast_in_dim3A_56 = vector.broadcast %jit3A_55 : f32 to vector<256x1100xf32>
    %select_n3A_57 = arith.select %ge3A_54, %get3A_3, %broadcast_in_dim3A_56 : vector<256x1100xi1>, vector<256x1100xf32>
    %reduce_sum3A_58 = arith.constant dense<0.000000e+00> : vector<1100xf32>
    %reduce_sum3A_59 = vector.multi_reduction <add>, %select_n3A_57, %reduce_sum3A_58 [0] : vector<256x1100xf32> to vector<1100xf32>
    %slice3A_60 = vector.extract_strided_slice %convert_element_type3A_21 {offsets = [3, 0], sizes = [1, 256], strides = [1, 1]} : vector<32x256xi32> to vector<1x256xi32>
    %squeeze3A_61 = vector.shape_cast %slice3A_60 : vector<1x256xi32> to vector<256xi32>
    %broadcast_in_dim3A_62 = vector.shape_cast %squeeze3A_61 : vector<256xi32> to vector<256x1xi32>
    %broadcast_in_dim3A_63 = vector.shape_cast %get3A_7 : vector<1100xi32> to vector<1x1100xi32>
    %ge3A_64 = vector.broadcast %broadcast_in_dim3A_62 : vector<256x1xi32> to vector<256x1100xi32>
    %ge3A_65 = vector.broadcast %broadcast_in_dim3A_63 : vector<1x1100xi32> to vector<256x1100xi32>
    %ge3A_66 = arith.cmpi sge, %ge3A_64, %ge3A_65 : vector<256x1100xi32>
    %jit3A_67 = arith.constant 0.000000e+00 : f32
    %broadcast_in_dim3A_68 = vector.broadcast %jit3A_67 : f32 to vector<256x1100xf32>
    %select_n3A_69 = arith.select %ge3A_66, %get3A_3, %broadcast_in_dim3A_68 : vector<256x1100xi1>, vector<256x1100xf32>
    %reduce_sum3A_70 = arith.constant dense<0.000000e+00> : vector<1100xf32>
    %reduce_sum3A_71 = vector.multi_reduction <add>, %select_n3A_69, %reduce_sum3A_70 [0] : vector<256x1100xf32> to vector<1100xf32>
    %slice3A_72 = vector.extract_strided_slice %convert_element_type3A_21 {offsets = [4, 0], sizes = [1, 256], strides = [1, 1]} : vector<32x256xi32> to vector<1x256xi32>
    %squeeze3A_73 = vector.shape_cast %slice3A_72 : vector<1x256xi32> to vector<256xi32>
    %broadcast_in_dim3A_74 = vector.shape_cast %squeeze3A_73 : vector<256xi32> to vector<256x1xi32>
    %broadcast_in_dim3A_75 = vector.shape_cast %get3A_7 : vector<1100xi32> to vector<1x1100xi32>
    %ge3A_76 = vector.broadcast %broadcast_in_dim3A_74 : vector<256x1xi32> to vector<256x1100xi32>
    %ge3A_77 = vector.broadcast %broadcast_in_dim3A_75 : vector<1x1100xi32> to vector<256x1100xi32>
    %ge3A_78 = arith.cmpi sge, %ge3A_76, %ge3A_77 : vector<256x1100xi32>
    %jit3A_79 = arith.constant 0.000000e+00 : f32
    %broadcast_in_dim3A_80 = vector.broadcast %jit3A_79 : f32 to vector<256x1100xf32>
    %select_n3A_81 = arith.select %ge3A_78, %get3A_3, %broadcast_in_dim3A_80 : vector<256x1100xi1>, vector<256x1100xf32>
    %reduce_sum3A_82 = arith.constant dense<0.000000e+00> : vector<1100xf32>
    %reduce_sum3A_83 = vector.multi_reduction <add>, %select_n3A_81, %reduce_sum3A_82 [0] : vector<256x1100xf32> to vector<1100xf32>
    %slice3A_84 = vector.extract_strided_slice %convert_element_type3A_21 {offsets = [5, 0], sizes = [1, 256], strides = [1, 1]} : vector<32x256xi32> to vector<1x256xi32>
    %squeeze3A_85 = vector.shape_cast %slice3A_84 : vector<1x256xi32> to vector<256xi32>
    %broadcast_in_dim3A_86 = vector.shape_cast %squeeze3A_85 : vector<256xi32> to vector<256x1xi32>
    %broadcast_in_dim3A_87 = vector.shape_cast %get3A_7 : vector<1100xi32> to vector<1x1100xi32>
    %ge3A_88 = vector.broadcast %broadcast_in_dim3A_86 : vector<256x1xi32> to vector<256x1100xi32>
    %ge3A_89 = vector.broadcast %broadcast_in_dim3A_87 : vector<1x1100xi32> to vector<256x1100xi32>
    %ge3A_90 = arith.cmpi sge, %ge3A_88, %ge3A_89 : vector<256x1100xi32>
    %jit3A_91 = arith.constant 0.000000e+00 : f32
    %broadcast_in_dim3A_92 = vector.broadcast %jit3A_91 : f32 to vector<256x1100xf32>
    %select_n3A_93 = arith.select %ge3A_90, %get3A_3, %broadcast_in_dim3A_92 : vector<256x1100xi1>, vector<256x1100xf32>
    %reduce_sum3A_94 = arith.constant dense<0.000000e+00> : vector<1100xf32>
    %reduce_sum3A_95 = vector.multi_reduction <add>, %select_n3A_93, %reduce_sum3A_94 [0] : vector<256x1100xf32> to vector<1100xf32>
    %slice3A_96 = vector.extract_strided_slice %convert_element_type3A_21 {offsets = [6, 0], sizes = [1, 256], strides = [1, 1]} : vector<32x256xi32> to vector<1x256xi32>
    %squeeze3A_97 = vector.shape_cast %slice3A_96 : vector<1x256xi32> to vector<256xi32>
    %broadcast_in_dim3A_98 = vector.shape_cast %squeeze3A_97 : vector<256xi32> to vector<256x1xi32>
    %broadcast_in_dim3A_99 = vector.shape_cast %get3A_7 : vector<1100xi32> to vector<1x1100xi32>
    %ge3A_100 = vector.broadcast %broadcast_in_dim3A_98 : vector<256x1xi32> to vector<256x1100xi32>
    %ge3A_101 = vector.broadcast %broadcast_in_dim3A_99 : vector<1x1100xi32> to vector<256x1100xi32>
    %ge3A_102 = arith.cmpi sge, %ge3A_100, %ge3A_101 : vector<256x1100xi32>
    %jit3A_103 = arith.constant 0.000000e+00 : f32
    %broadcast_in_dim3A_104 = vector.broadcast %jit3A_103 : f32 to vector<256x1100xf32>
    %select_n3A_105 = arith.select %ge3A_102, %get3A_3, %broadcast_in_dim3A_104 : vector<256x1100xi1>, vector<256x1100xf32>
    %reduce_sum3A_106 = arith.constant dense<0.000000e+00> : vector<1100xf32>
    %reduce_sum3A_107 = vector.multi_reduction <add>, %select_n3A_105, %reduce_sum3A_106 [0] : vector<256x1100xf32> to vector<1100xf32>
    %slice3A_108 = vector.extract_strided_slice %convert_element_type3A_21 {offsets = [7, 0], sizes = [1, 256], strides = [1, 1]} : vector<32x256xi32> to vector<1x256xi32>
    %squeeze3A_109 = vector.shape_cast %slice3A_108 : vector<1x256xi32> to vector<256xi32>
    %broadcast_in_dim3A_110 = vector.shape_cast %squeeze3A_109 : vector<256xi32> to vector<256x1xi32>
    %broadcast_in_dim3A_111 = vector.shape_cast %get3A_7 : vector<1100xi32> to vector<1x1100xi32>
    %ge3A_112 = vector.broadcast %broadcast_in_dim3A_110 : vector<256x1xi32> to vector<256x1100xi32>
    %ge3A_113 = vector.broadcast %broadcast_in_dim3A_111 : vector<1x1100xi32> to vector<256x1100xi32>
    %ge3A_114 = arith.cmpi sge, %ge3A_112, %ge3A_113 : vector<256x1100xi32>
    %jit3A_115 = arith.constant 0.000000e+00 : f32
    %broadcast_in_dim3A_116 = vector.broadcast %jit3A_115 : f32 to vector<256x1100xf32>
    %select_n3A_117 = arith.select %ge3A_114, %get3A_3, %broadcast_in_dim3A_116 : vector<256x1100xi1>, vector<256x1100xf32>
    %reduce_sum3A_118 = arith.constant dense<0.000000e+00> : vector<1100xf32>
    %reduce_sum3A_119 = vector.multi_reduction <add>, %select_n3A_117, %reduce_sum3A_118 [0] : vector<256x1100xf32> to vector<1100xf32>
    %slice3A_120 = vector.extract_strided_slice %convert_element_type3A_21 {offsets = [8, 0], sizes = [1, 256], strides = [1, 1]} : vector<32x256xi32> to vector<1x256xi32>
    %squeeze3A_121 = vector.shape_cast %slice3A_120 : vector<1x256xi32> to vector<256xi32>
    %broadcast_in_dim3A_122 = vector.shape_cast %squeeze3A_121 : vector<256xi32> to vector<256x1xi32>
    %broadcast_in_dim3A_123 = vector.shape_cast %get3A_7 : vector<1100xi32> to vector<1x1100xi32>
    %ge3A_124 = vector.broadcast %broadcast_in_dim3A_122 : vector<256x1xi32> to vector<256x1100xi32>
    %ge3A_125 = vector.broadcast %broadcast_in_dim3A_123 : vector<1x1100xi32> to vector<256x1100xi32>
    %ge3A_126 = arith.cmpi sge, %ge3A_124, %ge3A_125 : vector<256x1100xi32>
    %jit3A_127 = arith.constant 0.000000e+00 : f32
    %broadcast_in_dim3A_128 = vector.broadcast %jit3A_127 : f32 to vector<256x1100xf32>
    %select_n3A_129 = arith.select %ge3A_126, %get3A_3, %broadcast_in_dim3A_128 : vector<256x1100xi1>, vector<256x1100xf32>
    %reduce_sum3A_130 = arith.constant dense<0.000000e+00> : vector<1100xf32>
    %reduce_sum3A_131 = vector.multi_reduction <add>, %select_n3A_129, %reduce_sum3A_130 [0] : vector<256x1100xf32> to vector<1100xf32>
    %slice3A_132 = vector.extract_strided_slice %convert_element_type3A_21 {offsets = [9, 0], sizes = [1, 256], strides = [1, 1]} : vector<32x256xi32> to vector<1x256xi32>
    %squeeze3A_133 = vector.shape_cast %slice3A_132 : vector<1x256xi32> to vector<256xi32>
    %broadcast_in_dim3A_134 = vector.shape_cast %squeeze3A_133 : vector<256xi32> to vector<256x1xi32>
    %broadcast_in_dim3A_135 = vector.shape_cast %get3A_7 : vector<1100xi32> to vector<1x1100xi32>
    %ge3A_136 = vector.broadcast %broadcast_in_dim3A_134 : vector<256x1xi32> to vector<256x1100xi32>
    %ge3A_137 = vector.broadcast %broadcast_in_dim3A_135 : vector<1x1100xi32> to vector<256x1100xi32>
    %ge3A_138 = arith.cmpi sge, %ge3A_136, %ge3A_137 : vector<256x1100xi32>
    %jit3A_139 = arith.constant 0.000000e+00 : f32
    %broadcast_in_dim3A_140 = vector.broadcast %jit3A_139 : f32 to vector<256x1100xf32>
    %select_n3A_141 = arith.select %ge3A_138, %get3A_3, %broadcast_in_dim3A_140 : vector<256x1100xi1>, vector<256x1100xf32>
    %reduce_sum3A_142 = arith.constant dense<0.000000e+00> : vector<1100xf32>
    %reduce_sum3A_143 = vector.multi_reduction <add>, %select_n3A_141, %reduce_sum3A_142 [0] : vector<256x1100xf32> to vector<1100xf32>
    %slice3A_144 = vector.extract_strided_slice %convert_element_type3A_21 {offsets = [10, 0], sizes = [1, 256], strides = [1, 1]} : vector<32x256xi32> to vector<1x256xi32>
    %squeeze3A_145 = vector.shape_cast %slice3A_144 : vector<1x256xi32> to vector<256xi32>
    %broadcast_in_dim3A_146 = vector.shape_cast %squeeze3A_145 : vector<256xi32> to vector<256x1xi32>
    %broadcast_in_dim3A_147 = vector.shape_cast %get3A_7 : vector<1100xi32> to vector<1x1100xi32>
    %ge3A_148 = vector.broadcast %broadcast_in_dim3A_146 : vector<256x1xi32> to vector<256x1100xi32>
    %ge3A_149 = vector.broadcast %broadcast_in_dim3A_147 : vector<1x1100xi32> to vector<256x1100xi32>
    %ge3A_150 = arith.cmpi sge, %ge3A_148, %ge3A_149 : vector<256x1100xi32>
    %jit3A_151 = arith.constant 0.000000e+00 : f32
    %broadcast_in_dim3A_152 = vector.broadcast %jit3A_151 : f32 to vector<256x1100xf32>
    %select_n3A_153 = arith.select %ge3A_150, %get3A_3, %broadcast_in_dim3A_152 : vector<256x1100xi1>, vector<256x1100xf32>
    %reduce_sum3A_154 = arith.constant dense<0.000000e+00> : vector<1100xf32>
    %reduce_sum3A_155 = vector.multi_reduction <add>, %select_n3A_153, %reduce_sum3A_154 [0] : vector<256x1100xf32> to vector<1100xf32>
    %slice3A_156 = vector.extract_strided_slice %convert_element_type3A_21 {offsets = [11, 0], sizes = [1, 256], strides = [1, 1]} : vector<32x256xi32> to vector<1x256xi32>
    %squeeze3A_157 = vector.shape_cast %slice3A_156 : vector<1x256xi32> to vector<256xi32>
    %broadcast_in_dim3A_158 = vector.shape_cast %squeeze3A_157 : vector<256xi32> to vector<256x1xi32>
    %broadcast_in_dim3A_159 = vector.shape_cast %get3A_7 : vector<1100xi32> to vector<1x1100xi32>
    %ge3A_160 = vector.broadcast %broadcast_in_dim3A_158 : vector<256x1xi32> to vector<256x1100xi32>
    %ge3A_161 = vector.broadcast %broadcast_in_dim3A_159 : vector<1x1100xi32> to vector<256x1100xi32>
    %ge3A_162 = arith.cmpi sge, %ge3A_160, %ge3A_161 : vector<256x1100xi32>
    %jit3A_163 = arith.constant 0.000000e+00 : f32
    %broadcast_in_dim3A_164 = vector.broadcast %jit3A_163 : f32 to vector<256x1100xf32>
    %select_n3A_165 = arith.select %ge3A_162, %get3A_3, %broadcast_in_dim3A_164 : vector<256x1100xi1>, vector<256x1100xf32>
    %reduce_sum3A_166 = arith.constant dense<0.000000e+00> : vector<1100xf32>
    %reduce_sum3A_167 = vector.multi_reduction <add>, %select_n3A_165, %reduce_sum3A_166 [0] : vector<256x1100xf32> to vector<1100xf32>
    %slice3A_168 = vector.extract_strided_slice %convert_element_type3A_21 {offsets = [12, 0], sizes = [1, 256], strides = [1, 1]} : vector<32x256xi32> to vector<1x256xi32>
    %squeeze3A_169 = vector.shape_cast %slice3A_168 : vector<1x256xi32> to vector<256xi32>
    %broadcast_in_dim3A_170 = vector.shape_cast %squeeze3A_169 : vector<256xi32> to vector<256x1xi32>
    %broadcast_in_dim3A_171 = vector.shape_cast %get3A_7 : vector<1100xi32> to vector<1x1100xi32>
    %ge3A_172 = vector.broadcast %broadcast_in_dim3A_170 : vector<256x1xi32> to vector<256x1100xi32>
    %ge3A_173 = vector.broadcast %broadcast_in_dim3A_171 : vector<1x1100xi32> to vector<256x1100xi32>
    %ge3A_174 = arith.cmpi sge, %ge3A_172, %ge3A_173 : vector<256x1100xi32>
    %jit3A_175 = arith.constant 0.000000e+00 : f32
    %broadcast_in_dim3A_176 = vector.broadcast %jit3A_175 : f32 to vector<256x1100xf32>
    %select_n3A_177 = arith.select %ge3A_174, %get3A_3, %broadcast_in_dim3A_176 : vector<256x1100xi1>, vector<256x1100xf32>
    %reduce_sum3A_178 = arith.constant dense<0.000000e+00> : vector<1100xf32>
    %reduce_sum3A_179 = vector.multi_reduction <add>, %select_n3A_177, %reduce_sum3A_178 [0] : vector<256x1100xf32> to vector<1100xf32>
    %slice3A_180 = vector.extract_strided_slice %convert_element_type3A_21 {offsets = [13, 0], sizes = [1, 256], strides = [1, 1]} : vector<32x256xi32> to vector<1x256xi32>
    %squeeze3A_181 = vector.shape_cast %slice3A_180 : vector<1x256xi32> to vector<256xi32>
    %broadcast_in_dim3A_182 = vector.shape_cast %squeeze3A_181 : vector<256xi32> to vector<256x1xi32>
    %broadcast_in_dim3A_183 = vector.shape_cast %get3A_7 : vector<1100xi32> to vector<1x1100xi32>
    %ge3A_184 = vector.broadcast %broadcast_in_dim3A_182 : vector<256x1xi32> to vector<256x1100xi32>
    %ge3A_185 = vector.broadcast %broadcast_in_dim3A_183 : vector<1x1100xi32> to vector<256x1100xi32>
    %ge3A_186 = arith.cmpi sge, %ge3A_184, %ge3A_185 : vector<256x1100xi32>
    %jit3A_187 = arith.constant 0.000000e+00 : f32
    %broadcast_in_dim3A_188 = vector.broadcast %jit3A_187 : f32 to vector<256x1100xf32>
    %select_n3A_189 = arith.select %ge3A_186, %get3A_3, %broadcast_in_dim3A_188 : vector<256x1100xi1>, vector<256x1100xf32>
    %reduce_sum3A_190 = arith.constant dense<0.000000e+00> : vector<1100xf32>
    %reduce_sum3A_191 = vector.multi_reduction <add>, %select_n3A_189, %reduce_sum3A_190 [0] : vector<256x1100xf32> to vector<1100xf32>
    %slice3A_192 = vector.extract_strided_slice %convert_element_type3A_21 {offsets = [14, 0], sizes = [1, 256], strides = [1, 1]} : vector<32x256xi32> to vector<1x256xi32>
    %squeeze3A_193 = vector.shape_cast %slice3A_192 : vector<1x256xi32> to vector<256xi32>
    %broadcast_in_dim3A_194 = vector.shape_cast %squeeze3A_193 : vector<256xi32> to vector<256x1xi32>
    %broadcast_in_dim3A_195 = vector.shape_cast %get3A_7 : vector<1100xi32> to vector<1x1100xi32>
    %ge3A_196 = vector.broadcast %broadcast_in_dim3A_194 : vector<256x1xi32> to vector<256x1100xi32>
    %ge3A_197 = vector.broadcast %broadcast_in_dim3A_195 : vector<1x1100xi32> to vector<256x1100xi32>
    %ge3A_198 = arith.cmpi sge, %ge3A_196, %ge3A_197 : vector<256x1100xi32>
    %jit3A_199 = arith.constant 0.000000e+00 : f32
    %broadcast_in_dim3A_200 = vector.broadcast %jit3A_199 : f32 to vector<256x1100xf32>
    %select_n3A_201 = arith.select %ge3A_198, %get3A_3, %broadcast_in_dim3A_200 : vector<256x1100xi1>, vector<256x1100xf32>
    %reduce_sum3A_202 = arith.constant dense<0.000000e+00> : vector<1100xf32>
    %reduce_sum3A_203 = vector.multi_reduction <add>, %select_n3A_201, %reduce_sum3A_202 [0] : vector<256x1100xf32> to vector<1100xf32>
    %slice3A_204 = vector.extract_strided_slice %convert_element_type3A_21 {offsets = [15, 0], sizes = [1, 256], strides = [1, 1]} : vector<32x256xi32> to vector<1x256xi32>
    %squeeze3A_205 = vector.shape_cast %slice3A_204 : vector<1x256xi32> to vector<256xi32>
    %broadcast_in_dim3A_206 = vector.shape_cast %squeeze3A_205 : vector<256xi32> to vector<256x1xi32>
    %broadcast_in_dim3A_207 = vector.shape_cast %get3A_7 : vector<1100xi32> to vector<1x1100xi32>
    %ge3A_208 = vector.broadcast %broadcast_in_dim3A_206 : vector<256x1xi32> to vector<256x1100xi32>
    %ge3A_209 = vector.broadcast %broadcast_in_dim3A_207 : vector<1x1100xi32> to vector<256x1100xi32>
    %ge3A_210 = arith.cmpi sge, %ge3A_208, %ge3A_209 : vector<256x1100xi32>
    %jit3A_211 = arith.constant 0.000000e+00 : f32
    %broadcast_in_dim3A_212 = vector.broadcast %jit3A_211 : f32 to vector<256x1100xf32>
    %select_n3A_213 = arith.select %ge3A_210, %get3A_3, %broadcast_in_dim3A_212 : vector<256x1100xi1>, vector<256x1100xf32>
    %reduce_sum3A_214 = arith.constant dense<0.000000e+00> : vector<1100xf32>
    %reduce_sum3A_215 = vector.multi_reduction <add>, %select_n3A_213, %reduce_sum3A_214 [0] : vector<256x1100xf32> to vector<1100xf32>
    %slice3A_216 = vector.extract_strided_slice %convert_element_type3A_21 {offsets = [16, 0], sizes = [1, 256], strides = [1, 1]} : vector<32x256xi32> to vector<1x256xi32>
    %squeeze3A_217 = vector.shape_cast %slice3A_216 : vector<1x256xi32> to vector<256xi32>
    %broadcast_in_dim3A_218 = vector.shape_cast %squeeze3A_217 : vector<256xi32> to vector<256x1xi32>
    %broadcast_in_dim3A_219 = vector.shape_cast %get3A_7 : vector<1100xi32> to vector<1x1100xi32>
    %ge3A_220 = vector.broadcast %broadcast_in_dim3A_218 : vector<256x1xi32> to vector<256x1100xi32>
    %ge3A_221 = vector.broadcast %broadcast_in_dim3A_219 : vector<1x1100xi32> to vector<256x1100xi32>
    %ge3A_222 = arith.cmpi sge, %ge3A_220, %ge3A_221 : vector<256x1100xi32>
    %jit3A_223 = arith.constant 0.000000e+00 : f32
    %broadcast_in_dim3A_224 = vector.broadcast %jit3A_223 : f32 to vector<256x1100xf32>
    %select_n3A_225 = arith.select %ge3A_222, %get3A_3, %broadcast_in_dim3A_224 : vector<256x1100xi1>, vector<256x1100xf32>
    %reduce_sum3A_226 = arith.constant dense<0.000000e+00> : vector<1100xf32>
    %reduce_sum3A_227 = vector.multi_reduction <add>, %select_n3A_225, %reduce_sum3A_226 [0] : vector<256x1100xf32> to vector<1100xf32>
    %slice3A_228 = vector.extract_strided_slice %convert_element_type3A_21 {offsets = [17, 0], sizes = [1, 256], strides = [1, 1]} : vector<32x256xi32> to vector<1x256xi32>
    %squeeze3A_229 = vector.shape_cast %slice3A_228 : vector<1x256xi32> to vector<256xi32>
    %broadcast_in_dim3A_230 = vector.shape_cast %squeeze3A_229 : vector<256xi32> to vector<256x1xi32>
    %broadcast_in_dim3A_231 = vector.shape_cast %get3A_7 : vector<1100xi32> to vector<1x1100xi32>
    %ge3A_232 = vector.broadcast %broadcast_in_dim3A_230 : vector<256x1xi32> to vector<256x1100xi32>
    %ge3A_233 = vector.broadcast %broadcast_in_dim3A_231 : vector<1x1100xi32> to vector<256x1100xi32>
    %ge3A_234 = arith.cmpi sge, %ge3A_232, %ge3A_233 : vector<256x1100xi32>
    %jit3A_235 = arith.constant 0.000000e+00 : f32
    %broadcast_in_dim3A_236 = vector.broadcast %jit3A_235 : f32 to vector<256x1100xf32>
    %select_n3A_237 = arith.select %ge3A_234, %get3A_3, %broadcast_in_dim3A_236 : vector<256x1100xi1>, vector<256x1100xf32>
    %reduce_sum3A_238 = arith.constant dense<0.000000e+00> : vector<1100xf32>
    %reduce_sum3A_239 = vector.multi_reduction <add>, %select_n3A_237, %reduce_sum3A_238 [0] : vector<256x1100xf32> to vector<1100xf32>
    %slice3A_240 = vector.extract_strided_slice %convert_element_type3A_21 {offsets = [18, 0], sizes = [1, 256], strides = [1, 1]} : vector<32x256xi32> to vector<1x256xi32>
    %squeeze3A_241 = vector.shape_cast %slice3A_240 : vector<1x256xi32> to vector<256xi32>
    %broadcast_in_dim3A_242 = vector.shape_cast %squeeze3A_241 : vector<256xi32> to vector<256x1xi32>
    %broadcast_in_dim3A_243 = vector.shape_cast %get3A_7 : vector<1100xi32> to vector<1x1100xi32>
    %ge3A_244 = vector.broadcast %broadcast_in_dim3A_242 : vector<256x1xi32> to vector<256x1100xi32>
    %ge3A_245 = vector.broadcast %broadcast_in_dim3A_243 : vector<1x1100xi32> to vector<256x1100xi32>
    %ge3A_246 = arith.cmpi sge, %ge3A_244, %ge3A_245 : vector<256x1100xi32>
    %jit3A_247 = arith.constant 0.000000e+00 : f32
    %broadcast_in_dim3A_248 = vector.broadcast %jit3A_247 : f32 to vector<256x1100xf32>
    %select_n3A_249 = arith.select %ge3A_246, %get3A_3, %broadcast_in_dim3A_248 : vector<256x1100xi1>, vector<256x1100xf32>
    %reduce_sum3A_250 = arith.constant dense<0.000000e+00> : vector<1100xf32>
    %reduce_sum3A_251 = vector.multi_reduction <add>, %select_n3A_249, %reduce_sum3A_250 [0] : vector<256x1100xf32> to vector<1100xf32>
    %slice3A_252 = vector.extract_strided_slice %convert_element_type3A_21 {offsets = [19, 0], sizes = [1, 256], strides = [1, 1]} : vector<32x256xi32> to vector<1x256xi32>
    %squeeze3A_253 = vector.shape_cast %slice3A_252 : vector<1x256xi32> to vector<256xi32>
    %broadcast_in_dim3A_254 = vector.shape_cast %squeeze3A_253 : vector<256xi32> to vector<256x1xi32>
    %broadcast_in_dim3A_255 = vector.shape_cast %get3A_7 : vector<1100xi32> to vector<1x1100xi32>
    %ge3A_256 = vector.broadcast %broadcast_in_dim3A_254 : vector<256x1xi32> to vector<256x1100xi32>
    %ge3A_257 = vector.broadcast %broadcast_in_dim3A_255 : vector<1x1100xi32> to vector<256x1100xi32>
    %ge3A_258 = arith.cmpi sge, %ge3A_256, %ge3A_257 : vector<256x1100xi32>
    %jit3A_259 = arith.constant 0.000000e+00 : f32
    %broadcast_in_dim3A_260 = vector.broadcast %jit3A_259 : f32 to vector<256x1100xf32>
    %select_n3A_261 = arith.select %ge3A_258, %get3A_3, %broadcast_in_dim3A_260 : vector<256x1100xi1>, vector<256x1100xf32>
    %reduce_sum3A_262 = arith.constant dense<0.000000e+00> : vector<1100xf32>
    %reduce_sum3A_263 = vector.multi_reduction <add>, %select_n3A_261, %reduce_sum3A_262 [0] : vector<256x1100xf32> to vector<1100xf32>
    %slice3A_264 = vector.extract_strided_slice %convert_element_type3A_21 {offsets = [20, 0], sizes = [1, 256], strides = [1, 1]} : vector<32x256xi32> to vector<1x256xi32>
    %squeeze3A_265 = vector.shape_cast %slice3A_264 : vector<1x256xi32> to vector<256xi32>
    %broadcast_in_dim3A_266 = vector.shape_cast %squeeze3A_265 : vector<256xi32> to vector<256x1xi32>
    %broadcast_in_dim3A_267 = vector.shape_cast %get3A_7 : vector<1100xi32> to vector<1x1100xi32>
    %ge3A_268 = vector.broadcast %broadcast_in_dim3A_266 : vector<256x1xi32> to vector<256x1100xi32>
    %ge3A_269 = vector.broadcast %broadcast_in_dim3A_267 : vector<1x1100xi32> to vector<256x1100xi32>
    %ge3A_270 = arith.cmpi sge, %ge3A_268, %ge3A_269 : vector<256x1100xi32>
    %jit3A_271 = arith.constant 0.000000e+00 : f32
    %broadcast_in_dim3A_272 = vector.broadcast %jit3A_271 : f32 to vector<256x1100xf32>
    %select_n3A_273 = arith.select %ge3A_270, %get3A_3, %broadcast_in_dim3A_272 : vector<256x1100xi1>, vector<256x1100xf32>
    %reduce_sum3A_274 = arith.constant dense<0.000000e+00> : vector<1100xf32>
    %reduce_sum3A_275 = vector.multi_reduction <add>, %select_n3A_273, %reduce_sum3A_274 [0] : vector<256x1100xf32> to vector<1100xf32>
    %slice3A_276 = vector.extract_strided_slice %convert_element_type3A_21 {offsets = [21, 0], sizes = [1, 256], strides = [1, 1]} : vector<32x256xi32> to vector<1x256xi32>
    %squeeze3A_277 = vector.shape_cast %slice3A_276 : vector<1x256xi32> to vector<256xi32>
    %broadcast_in_dim3A_278 = vector.shape_cast %squeeze3A_277 : vector<256xi32> to vector<256x1xi32>
    %broadcast_in_dim3A_279 = vector.shape_cast %get3A_7 : vector<1100xi32> to vector<1x1100xi32>
    %ge3A_280 = vector.broadcast %broadcast_in_dim3A_278 : vector<256x1xi32> to vector<256x1100xi32>
    %ge3A_281 = vector.broadcast %broadcast_in_dim3A_279 : vector<1x1100xi32> to vector<256x1100xi32>
    %ge3A_282 = arith.cmpi sge, %ge3A_280, %ge3A_281 : vector<256x1100xi32>
    %jit3A_283 = arith.constant 0.000000e+00 : f32
    %broadcast_in_dim3A_284 = vector.broadcast %jit3A_283 : f32 to vector<256x1100xf32>
    %select_n3A_285 = arith.select %ge3A_282, %get3A_3, %broadcast_in_dim3A_284 : vector<256x1100xi1>, vector<256x1100xf32>
    %reduce_sum3A_286 = arith.constant dense<0.000000e+00> : vector<1100xf32>
    %reduce_sum3A_287 = vector.multi_reduction <add>, %select_n3A_285, %reduce_sum3A_286 [0] : vector<256x1100xf32> to vector<1100xf32>
    %slice3A_288 = vector.extract_strided_slice %convert_element_type3A_21 {offsets = [22, 0], sizes = [1, 256], strides = [1, 1]} : vector<32x256xi32> to vector<1x256xi32>
    %squeeze3A_289 = vector.shape_cast %slice3A_288 : vector<1x256xi32> to vector<256xi32>
    %broadcast_in_dim3A_290 = vector.shape_cast %squeeze3A_289 : vector<256xi32> to vector<256x1xi32>
    %broadcast_in_dim3A_291 = vector.shape_cast %get3A_7 : vector<1100xi32> to vector<1x1100xi32>
    %ge3A_292 = vector.broadcast %broadcast_in_dim3A_290 : vector<256x1xi32> to vector<256x1100xi32>
    %ge3A_293 = vector.broadcast %broadcast_in_dim3A_291 : vector<1x1100xi32> to vector<256x1100xi32>
    %ge3A_294 = arith.cmpi sge, %ge3A_292, %ge3A_293 : vector<256x1100xi32>
    %jit3A_295 = arith.constant 0.000000e+00 : f32
    %broadcast_in_dim3A_296 = vector.broadcast %jit3A_295 : f32 to vector<256x1100xf32>
    %select_n3A_297 = arith.select %ge3A_294, %get3A_3, %broadcast_in_dim3A_296 : vector<256x1100xi1>, vector<256x1100xf32>
    %reduce_sum3A_298 = arith.constant dense<0.000000e+00> : vector<1100xf32>
    %reduce_sum3A_299 = vector.multi_reduction <add>, %select_n3A_297, %reduce_sum3A_298 [0] : vector<256x1100xf32> to vector<1100xf32>
    %slice3A_300 = vector.extract_strided_slice %convert_element_type3A_21 {offsets = [23, 0], sizes = [1, 256], strides = [1, 1]} : vector<32x256xi32> to vector<1x256xi32>
    %squeeze3A_301 = vector.shape_cast %slice3A_300 : vector<1x256xi32> to vector<256xi32>
    %broadcast_in_dim3A_302 = vector.shape_cast %squeeze3A_301 : vector<256xi32> to vector<256x1xi32>
    %broadcast_in_dim3A_303 = vector.shape_cast %get3A_7 : vector<1100xi32> to vector<1x1100xi32>
    %ge3A_304 = vector.broadcast %broadcast_in_dim3A_302 : vector<256x1xi32> to vector<256x1100xi32>
    %ge3A_305 = vector.broadcast %broadcast_in_dim3A_303 : vector<1x1100xi32> to vector<256x1100xi32>
    %ge3A_306 = arith.cmpi sge, %ge3A_304, %ge3A_305 : vector<256x1100xi32>
    %jit3A_307 = arith.constant 0.000000e+00 : f32
    %broadcast_in_dim3A_308 = vector.broadcast %jit3A_307 : f32 to vector<256x1100xf32>
    %select_n3A_309 = arith.select %ge3A_306, %get3A_3, %broadcast_in_dim3A_308 : vector<256x1100xi1>, vector<256x1100xf32>
    %reduce_sum3A_310 = arith.constant dense<0.000000e+00> : vector<1100xf32>
    %reduce_sum3A_311 = vector.multi_reduction <add>, %select_n3A_309, %reduce_sum3A_310 [0] : vector<256x1100xf32> to vector<1100xf32>
    %slice3A_312 = vector.extract_strided_slice %convert_element_type3A_21 {offsets = [24, 0], sizes = [1, 256], strides = [1, 1]} : vector<32x256xi32> to vector<1x256xi32>
    %squeeze3A_313 = vector.shape_cast %slice3A_312 : vector<1x256xi32> to vector<256xi32>
    %broadcast_in_dim3A_314 = vector.shape_cast %squeeze3A_313 : vector<256xi32> to vector<256x1xi32>
    %broadcast_in_dim3A_315 = vector.shape_cast %get3A_7 : vector<1100xi32> to vector<1x1100xi32>
    %ge3A_316 = vector.broadcast %broadcast_in_dim3A_314 : vector<256x1xi32> to vector<256x1100xi32>
    %ge3A_317 = vector.broadcast %broadcast_in_dim3A_315 : vector<1x1100xi32> to vector<256x1100xi32>
    %ge3A_318 = arith.cmpi sge, %ge3A_316, %ge3A_317 : vector<256x1100xi32>
    %jit3A_319 = arith.constant 0.000000e+00 : f32
    %broadcast_in_dim3A_320 = vector.broadcast %jit3A_319 : f32 to vector<256x1100xf32>
    %select_n3A_321 = arith.select %ge3A_318, %get3A_3, %broadcast_in_dim3A_320 : vector<256x1100xi1>, vector<256x1100xf32>
    %reduce_sum3A_322 = arith.constant dense<0.000000e+00> : vector<1100xf32>
    %reduce_sum3A_323 = vector.multi_reduction <add>, %select_n3A_321, %reduce_sum3A_322 [0] : vector<256x1100xf32> to vector<1100xf32>
    %slice3A_324 = vector.extract_strided_slice %convert_element_type3A_21 {offsets = [25, 0], sizes = [1, 256], strides = [1, 1]} : vector<32x256xi32> to vector<1x256xi32>
    %squeeze3A_325 = vector.shape_cast %slice3A_324 : vector<1x256xi32> to vector<256xi32>
    %broadcast_in_dim3A_326 = vector.shape_cast %squeeze3A_325 : vector<256xi32> to vector<256x1xi32>
    %broadcast_in_dim3A_327 = vector.shape_cast %get3A_7 : vector<1100xi32> to vector<1x1100xi32>
    %ge3A_328 = vector.broadcast %broadcast_in_dim3A_326 : vector<256x1xi32> to vector<256x1100xi32>
    %ge3A_329 = vector.broadcast %broadcast_in_dim3A_327 : vector<1x1100xi32> to vector<256x1100xi32>
    %ge3A_330 = arith.cmpi sge, %ge3A_328, %ge3A_329 : vector<256x1100xi32>
    %jit3A_331 = arith.constant 0.000000e+00 : f32
    %broadcast_in_dim3A_332 = vector.broadcast %jit3A_331 : f32 to vector<256x1100xf32>
    %select_n3A_333 = arith.select %ge3A_330, %get3A_3, %broadcast_in_dim3A_332 : vector<256x1100xi1>, vector<256x1100xf32>
    %reduce_sum3A_334 = arith.constant dense<0.000000e+00> : vector<1100xf32>
    %reduce_sum3A_335 = vector.multi_reduction <add>, %select_n3A_333, %reduce_sum3A_334 [0] : vector<256x1100xf32> to vector<1100xf32>
    %slice3A_336 = vector.extract_strided_slice %convert_element_type3A_21 {offsets = [26, 0], sizes = [1, 256], strides = [1, 1]} : vector<32x256xi32> to vector<1x256xi32>
    %squeeze3A_337 = vector.shape_cast %slice3A_336 : vector<1x256xi32> to vector<256xi32>
    %broadcast_in_dim3A_338 = vector.shape_cast %squeeze3A_337 : vector<256xi32> to vector<256x1xi32>
    %broadcast_in_dim3A_339 = vector.shape_cast %get3A_7 : vector<1100xi32> to vector<1x1100xi32>
    %ge3A_340 = vector.broadcast %broadcast_in_dim3A_338 : vector<256x1xi32> to vector<256x1100xi32>
    %ge3A_341 = vector.broadcast %broadcast_in_dim3A_339 : vector<1x1100xi32> to vector<256x1100xi32>
    %ge3A_342 = arith.cmpi sge, %ge3A_340, %ge3A_341 : vector<256x1100xi32>
    %jit3A_343 = arith.constant 0.000000e+00 : f32
    %broadcast_in_dim3A_344 = vector.broadcast %jit3A_343 : f32 to vector<256x1100xf32>
    %select_n3A_345 = arith.select %ge3A_342, %get3A_3, %broadcast_in_dim3A_344 : vector<256x1100xi1>, vector<256x1100xf32>
    %reduce_sum3A_346 = arith.constant dense<0.000000e+00> : vector<1100xf32>
    %reduce_sum3A_347 = vector.multi_reduction <add>, %select_n3A_345, %reduce_sum3A_346 [0] : vector<256x1100xf32> to vector<1100xf32>
    %slice3A_348 = vector.extract_strided_slice %convert_element_type3A_21 {offsets = [27, 0], sizes = [1, 256], strides = [1, 1]} : vector<32x256xi32> to vector<1x256xi32>
    %squeeze3A_349 = vector.shape_cast %slice3A_348 : vector<1x256xi32> to vector<256xi32>
    %broadcast_in_dim3A_350 = vector.shape_cast %squeeze3A_349 : vector<256xi32> to vector<256x1xi32>
    %broadcast_in_dim3A_351 = vector.shape_cast %get3A_7 : vector<1100xi32> to vector<1x1100xi32>
    %ge3A_352 = vector.broadcast %broadcast_in_dim3A_350 : vector<256x1xi32> to vector<256x1100xi32>
    %ge3A_353 = vector.broadcast %broadcast_in_dim3A_351 : vector<1x1100xi32> to vector<256x1100xi32>
    %ge3A_354 = arith.cmpi sge, %ge3A_352, %ge3A_353 : vector<256x1100xi32>
    %jit3A_355 = arith.constant 0.000000e+00 : f32
    %broadcast_in_dim3A_356 = vector.broadcast %jit3A_355 : f32 to vector<256x1100xf32>
    %select_n3A_357 = arith.select %ge3A_354, %get3A_3, %broadcast_in_dim3A_356 : vector<256x1100xi1>, vector<256x1100xf32>
    %reduce_sum3A_358 = arith.constant dense<0.000000e+00> : vector<1100xf32>
    %reduce_sum3A_359 = vector.multi_reduction <add>, %select_n3A_357, %reduce_sum3A_358 [0] : vector<256x1100xf32> to vector<1100xf32>
    %slice3A_360 = vector.extract_strided_slice %convert_element_type3A_21 {offsets = [28, 0], sizes = [1, 256], strides = [1, 1]} : vector<32x256xi32> to vector<1x256xi32>
    %squeeze3A_361 = vector.shape_cast %slice3A_360 : vector<1x256xi32> to vector<256xi32>
    %broadcast_in_dim3A_362 = vector.shape_cast %squeeze3A_361 : vector<256xi32> to vector<256x1xi32>
    %broadcast_in_dim3A_363 = vector.shape_cast %get3A_7 : vector<1100xi32> to vector<1x1100xi32>
    %ge3A_364 = vector.broadcast %broadcast_in_dim3A_362 : vector<256x1xi32> to vector<256x1100xi32>
    %ge3A_365 = vector.broadcast %broadcast_in_dim3A_363 : vector<1x1100xi32> to vector<256x1100xi32>
    %ge3A_366 = arith.cmpi sge, %ge3A_364, %ge3A_365 : vector<256x1100xi32>
    %jit3A_367 = arith.constant 0.000000e+00 : f32
    %broadcast_in_dim3A_368 = vector.broadcast %jit3A_367 : f32 to vector<256x1100xf32>
    %select_n3A_369 = arith.select %ge3A_366, %get3A_3, %broadcast_in_dim3A_368 : vector<256x1100xi1>, vector<256x1100xf32>
    %reduce_sum3A_370 = arith.constant dense<0.000000e+00> : vector<1100xf32>
    %reduce_sum3A_371 = vector.multi_reduction <add>, %select_n3A_369, %reduce_sum3A_370 [0] : vector<256x1100xf32> to vector<1100xf32>
    %slice3A_372 = vector.extract_strided_slice %convert_element_type3A_21 {offsets = [29, 0], sizes = [1, 256], strides = [1, 1]} : vector<32x256xi32> to vector<1x256xi32>
    %squeeze3A_373 = vector.shape_cast %slice3A_372 : vector<1x256xi32> to vector<256xi32>
    %broadcast_in_dim3A_374 = vector.shape_cast %squeeze3A_373 : vector<256xi32> to vector<256x1xi32>
    %broadcast_in_dim3A_375 = vector.shape_cast %get3A_7 : vector<1100xi32> to vector<1x1100xi32>
    %ge3A_376 = vector.broadcast %broadcast_in_dim3A_374 : vector<256x1xi32> to vector<256x1100xi32>
    %ge3A_377 = vector.broadcast %broadcast_in_dim3A_375 : vector<1x1100xi32> to vector<256x1100xi32>
    %ge3A_378 = arith.cmpi sge, %ge3A_376, %ge3A_377 : vector<256x1100xi32>
    %jit3A_379 = arith.constant 0.000000e+00 : f32
    %broadcast_in_dim3A_380 = vector.broadcast %jit3A_379 : f32 to vector<256x1100xf32>
    %select_n3A_381 = arith.select %ge3A_378, %get3A_3, %broadcast_in_dim3A_380 : vector<256x1100xi1>, vector<256x1100xf32>
    %reduce_sum3A_382 = arith.constant dense<0.000000e+00> : vector<1100xf32>
    %reduce_sum3A_383 = vector.multi_reduction <add>, %select_n3A_381, %reduce_sum3A_382 [0] : vector<256x1100xf32> to vector<1100xf32>
    %slice3A_384 = vector.extract_strided_slice %convert_element_type3A_21 {offsets = [30, 0], sizes = [1, 256], strides = [1, 1]} : vector<32x256xi32> to vector<1x256xi32>
    %squeeze3A_385 = vector.shape_cast %slice3A_384 : vector<1x256xi32> to vector<256xi32>
    %broadcast_in_dim3A_386 = vector.shape_cast %squeeze3A_385 : vector<256xi32> to vector<256x1xi32>
    %broadcast_in_dim3A_387 = vector.shape_cast %get3A_7 : vector<1100xi32> to vector<1x1100xi32>
    %ge3A_388 = vector.broadcast %broadcast_in_dim3A_386 : vector<256x1xi32> to vector<256x1100xi32>
    %ge3A_389 = vector.broadcast %broadcast_in_dim3A_387 : vector<1x1100xi32> to vector<256x1100xi32>
    %ge3A_390 = arith.cmpi sge, %ge3A_388, %ge3A_389 : vector<256x1100xi32>
    %jit3A_391 = arith.constant 0.000000e+00 : f32
    %broadcast_in_dim3A_392 = vector.broadcast %jit3A_391 : f32 to vector<256x1100xf32>
    %select_n3A_393 = arith.select %ge3A_390, %get3A_3, %broadcast_in_dim3A_392 : vector<256x1100xi1>, vector<256x1100xf32>
    %reduce_sum3A_394 = arith.constant dense<0.000000e+00> : vector<1100xf32>
    %reduce_sum3A_395 = vector.multi_reduction <add>, %select_n3A_393, %reduce_sum3A_394 [0] : vector<256x1100xf32> to vector<1100xf32>
    %slice3A_396 = vector.extract_strided_slice %convert_element_type3A_21 {offsets = [31, 0], sizes = [1, 256], strides = [1, 1]} : vector<32x256xi32> to vector<1x256xi32>
    %squeeze3A_397 = vector.shape_cast %slice3A_396 : vector<1x256xi32> to vector<256xi32>
    %broadcast_in_dim3A_398 = vector.shape_cast %squeeze3A_397 : vector<256xi32> to vector<256x1xi32>
    %broadcast_in_dim3A_399 = vector.shape_cast %get3A_7 : vector<1100xi32> to vector<1x1100xi32>
    %ge3A_400 = vector.broadcast %broadcast_in_dim3A_398 : vector<256x1xi32> to vector<256x1100xi32>
    %ge3A_401 = vector.broadcast %broadcast_in_dim3A_399 : vector<1x1100xi32> to vector<256x1100xi32>
    %ge3A_402 = arith.cmpi sge, %ge3A_400, %ge3A_401 : vector<256x1100xi32>
    %jit3A_403 = arith.constant 0.000000e+00 : f32
    %broadcast_in_dim3A_404 = vector.broadcast %jit3A_403 : f32 to vector<256x1100xf32>
    %select_n3A_405 = arith.select %ge3A_402, %get3A_3, %broadcast_in_dim3A_404 : vector<256x1100xi1>, vector<256x1100xf32>
    %reduce_sum3A_406 = arith.constant dense<0.000000e+00> : vector<1100xf32>
    %reduce_sum3A_407 = vector.multi_reduction <add>, %select_n3A_405, %reduce_sum3A_406 [0] : vector<256x1100xf32> to vector<1100xf32>
    %get3A_408 = arith.constant 0 : index
    %get3A_409 = arith.constant 0 : index
    %get3A_410 = vector.load %arg5[%get3A_408, %get3A_409] : memref<32x1100xf32, #tpu.memory_space<vmem>>, vector<32x1100xf32>
    %stack3A = vector.shape_cast %reduce_sum3A_35 : vector<1100xf32> to vector<1x1100xf32>
    %stack3A_411 = vector.shape_cast %reduce_sum3A_47 : vector<1100xf32> to vector<1x1100xf32>
    %stack3A_412 = vector.shape_cast %reduce_sum3A_59 : vector<1100xf32> to vector<1x1100xf32>
    %stack3A_413 = vector.shape_cast %reduce_sum3A_71 : vector<1100xf32> to vector<1x1100xf32>
    %stack3A_414 = vector.shape_cast %reduce_sum3A_83 : vector<1100xf32> to vector<1x1100xf32>
    %stack3A_415 = vector.shape_cast %reduce_sum3A_95 : vector<1100xf32> to vector<1x1100xf32>
    %stack3A_416 = vector.shape_cast %reduce_sum3A_107 : vector<1100xf32> to vector<1x1100xf32>
    %stack3A_417 = vector.shape_cast %reduce_sum3A_119 : vector<1100xf32> to vector<1x1100xf32>
    %stack3A_418 = vector.shape_cast %reduce_sum3A_131 : vector<1100xf32> to vector<1x1100xf32>
    %stack3A_419 = vector.shape_cast %reduce_sum3A_143 : vector<1100xf32> to vector<1x1100xf32>
    %stack3A_420 = vector.shape_cast %reduce_sum3A_155 : vector<1100xf32> to vector<1x1100xf32>
    %stack3A_421 = vector.shape_cast %reduce_sum3A_167 : vector<1100xf32> to vector<1x1100xf32>
    %stack3A_422 = vector.shape_cast %reduce_sum3A_179 : vector<1100xf32> to vector<1x1100xf32>
    %stack3A_423 = vector.shape_cast %reduce_sum3A_191 : vector<1100xf32> to vector<1x1100xf32>
    %stack3A_424 = vector.shape_cast %reduce_sum3A_203 : vector<1100xf32> to vector<1x1100xf32>
    %stack3A_425 = vector.shape_cast %reduce_sum3A_215 : vector<1100xf32> to vector<1x1100xf32>
    %stack3A_426 = vector.shape_cast %reduce_sum3A_227 : vector<1100xf32> to vector<1x1100xf32>
    %stack3A_427 = vector.shape_cast %reduce_sum3A_239 : vector<1100xf32> to vector<1x1100xf32>
    %stack3A_428 = vector.shape_cast %reduce_sum3A_251 : vector<1100xf32> to vector<1x1100xf32>
    %stack3A_429 = vector.shape_cast %reduce_sum3A_263 : vector<1100xf32> to vector<1x1100xf32>
    %stack3A_430 = vector.shape_cast %reduce_sum3A_275 : vector<1100xf32> to vector<1x1100xf32>
    %stack3A_431 = vector.shape_cast %reduce_sum3A_287 : vector<1100xf32> to vector<1x1100xf32>
    %stack3A_432 = vector.shape_cast %reduce_sum3A_299 : vector<1100xf32> to vector<1x1100xf32>
    %stack3A_433 = vector.shape_cast %reduce_sum3A_311 : vector<1100xf32> to vector<1x1100xf32>
    %stack3A_434 = vector.shape_cast %reduce_sum3A_323 : vector<1100xf32> to vector<1x1100xf32>
    %stack3A_435 = vector.shape_cast %reduce_sum3A_335 : vector<1100xf32> to vector<1x1100xf32>
    %stack3A_436 = vector.shape_cast %reduce_sum3A_347 : vector<1100xf32> to vector<1x1100xf32>
    %stack3A_437 = vector.shape_cast %reduce_sum3A_359 : vector<1100xf32> to vector<1x1100xf32>
    %stack3A_438 = vector.shape_cast %reduce_sum3A_371 : vector<1100xf32> to vector<1x1100xf32>
    %stack3A_439 = vector.shape_cast %reduce_sum3A_383 : vector<1100xf32> to vector<1x1100xf32>
    %stack3A_440 = vector.shape_cast %reduce_sum3A_395 : vector<1100xf32> to vector<1x1100xf32>
    %stack3A_441 = vector.shape_cast %reduce_sum3A_407 : vector<1100xf32> to vector<1x1100xf32>
    %stack3A_442 = tpu.concatenate %stack3A, %stack3A_411, %stack3A_412, %stack3A_413, %stack3A_414, %stack3A_415, %stack3A_416, %stack3A_417, %stack3A_418, %stack3A_419, %stack3A_420, %stack3A_421, %stack3A_422, %stack3A_423, %stack3A_424, %stack3A_425, %stack3A_426, %stack3A_427, %stack3A_428, %stack3A_429, %stack3A_430, %stack3A_431, %stack3A_432, %stack3A_433, %stack3A_434, %stack3A_435, %stack3A_436, %stack3A_437, %stack3A_438, %stack3A_439, %stack3A_440, %stack3A_441 in 0 : vector<1x1100xf32>, vector<1x1100xf32>, vector<1x1100xf32>, vector<1x1100xf32>, vector<1x1100xf32>, vector<1x1100xf32>, vector<1x1100xf32>, vector<1x1100xf32>, vector<1x1100xf32>, vector<1x1100xf32>, vector<1x1100xf32>, vector<1x1100xf32>, vector<1x1100xf32>, vector<1x1100xf32>, vector<1x1100xf32>, vector<1x1100xf32>, vector<1x1100xf32>, vector<1x1100xf32>, vector<1x1100xf32>, vector<1x1100xf32>, vector<1x1100xf32>, vector<1x1100xf32>, vector<1x1100xf32>, vector<1x1100xf32>, vector<1x1100xf32>, vector<1x1100xf32>, vector<1x1100xf32>, vector<1x1100xf32>, vector<1x1100xf32>, vector<1x1100xf32>, vector<1x1100xf32>, vector<1x1100xf32> -> vector<32x1100xf32>
    %add3A_443 = arith.addf %get3A_410, %stack3A_442 : vector<32x1100xf32>
    %swap3A_444 = arith.constant 0 : index
    %swap3A_445 = arith.constant 0 : index
    %swap3A_446 = vector.load %arg5[%swap3A_444, %swap3A_445] : memref<32x1100xf32, #tpu.memory_space<vmem>>, vector<32x1100xf32>
    tpu.vector_store %arg5[%swap3A_444, %swap3A_445], %add3A_443 {strides = array<i32>} : memref<32x1100xf32, #tpu.memory_space<vmem>>, vector<32x1100xf32>,
    %eq3A_447 = arith.constant 12 : i32
    %eq3A_448 = arith.cmpi eq, %arg0, %eq3A_447 : i32
    %convert_element_type3A_449 = arith.extui %eq3A_448 : i1 to i32
    %cond3A_450 = arith.constant 0 : i32
    %cond3A_451 = arith.cmpi ne, %convert_element_type3A_449, %cond3A_450 : i32
    scf.if %cond3A_451 {
      %get3A_452 = arith.constant 0 : index
      %get3A_453 = arith.constant 0 : index
      %get3A_454 = vector.load %arg5[%get3A_452, %get3A_453] : memref<32x1100xf32, #tpu.memory_space<vmem>>, vector<32x1100xf32>
      %mul3A_455 = arith.constant 2.000000e+00 : f32
      %mul3A_456 = vector.broadcast %mul3A_455 : f32 to vector<32x1100xf32>
      %mul3A_457 = arith.mulf %mul3A_456, %get3A_454 : vector<32x1100xf32>
      %get3A_458 = arith.constant 0 : index
      %get3A_459 = arith.constant 0 : index
      %get3A_460 = vector.load %arg6[%get3A_458, %get3A_459] : memref<1x1100xf32, #tpu.memory_space<vmem>>, vector<1x1100xf32>
      %sub3A = vector.broadcast %get3A_460 : vector<1x1100xf32> to vector<32x1100xf32>
      %sub3A_461 = arith.subf %mul3A_457, %sub3A : vector<32x1100xf32>
      %swap3A_462 = arith.constant 0 : index
      %swap3A_463 = arith.constant 0 : index
      %swap3A_464 = vector.load %arg4[%swap3A_462, %swap3A_463] : memref<32x1100xf32, #tpu.memory_space<vmem>>, vector<32x1100xf32>
      tpu.vector_store %arg4[%swap3A_462, %swap3A_463], %sub3A_461 {strides = array<i32>} : memref<32x1100xf32, #tpu.memory_space<vmem>>, vector<32x1100xf32>,
    } else {
    }
    return
  }
  func.func @transform_0(%arg0: i32) -> (i32, i32) {
    %add3A = arith.constant 3 : i32
    %add3A_0 = arith.addi %arg0, %add3A : i32
    %c0_i32 = arith.constant 0 : i32
    %c0_i32_1 = arith.constant 0 : i32
    return %c0_i32, %add3A_0 : i32, i32
  }
  func.func @transform_1(%arg0: i32) -> (i32, i32) {
    %add3A = arith.constant 3 : i32
    %add3A_0 = arith.addi %arg0, %add3A : i32
    %c0_i32 = arith.constant 0 : i32
    %c0_i32_1 = arith.constant 0 : i32
    return %add3A_0, %c0_i32 : i32, i32
  }
  func.func @transform_2(%arg0: i32) -> (i32, i32) {
    %c0_i32 = arith.constant 0 : i32
    %c0_i32_0 = arith.constant 0 : i32
    %c0_i32_1 = arith.constant 0 : i32
    return %c0_i32, %c0_i32_0 : i32, i32
  }
  func.func @transform_3(%arg0: i32) -> (i32, i32) {
    %c0_i32 = arith.constant 0 : i32
    %c0_i32_0 = arith.constant 0 : i32
    %c0_i32_1 = arith.constant 0 : i32
    return %c0_i32, %c0_i32_0 : i32, i32
  }
}

module attributes {stable_mosaic.version = 14 : i64} {
  func.func @_combine_kernel(%arg0: memref<32x32x1024xf32, #tpu.memory_space<vmem>>, %arg1: memref<32x1024xf32, #tpu.memory_space<vmem>>, %arg2: memref<32x1100xf32, #tpu.memory_space<vmem>>, %arg3: memref<32x768xi32, #tpu.memory_space<vmem>>, %arg4: memref<768x76xf32, #tpu.memory_space<vmem>>, %arg5: memref<256x76xf32, #tpu.memory_space<vmem>>, %arg6: memref<32x1100xf32, #tpu.memory_space<vmem>>) attributes {dimension_semantics = [], scalar_prefetch = 0 : i64, scratch_operands = 0 : i64, tpu.core_type = #tpu.core_type<tc>} {
    %get3A = arith.constant 0 : index
    %get3A_0 = arith.constant 0 : index
    %get3A_1 = vector.load %arg2[%get3A, %get3A_0] : memref<32x1100xf32, #tpu.memory_space<vmem>>, vector<32x1100xf32>
    %get3A_2 = arith.constant 0 : index
    %get3A_3 = arith.constant 0 : index
    %get3A_4 = arith.constant 0 : index
    %get3A_5 = vector.load %arg0[%get3A_2, %get3A_3, %get3A_4] : memref<32x32x1024xf32, #tpu.memory_space<vmem>>, vector<32x32x1024xf32>
    %reduce_sum3A = arith.constant dense<0.000000e+00> : vector<32x1024xf32>
    %reduce_sum3A_6 = vector.multi_reduction <add>, %get3A_5, %reduce_sum3A [0] : vector<32x32x1024xf32> to vector<32x1024xf32>
    %get3A_7 = arith.constant 0 : index
    %get3A_8 = arith.constant 0 : index
    %get3A_9 = vector.load %arg1[%get3A_7, %get3A_8] : memref<32x1024xf32, #tpu.memory_space<vmem>>, vector<32x1024xf32>
    %reduce_sum3A_10 = arith.constant dense<0.000000e+00> : vector<1024xf32>
    %reduce_sum3A_11 = vector.multi_reduction <add>, %get3A_9, %reduce_sum3A_10 [0] : vector<32x1024xf32> to vector<1024xf32>
    %mul3A = arith.constant 2.000000e+00 : f32
    %mul3A_12 = vector.broadcast %mul3A : f32 to vector<32x1024xf32>
    %mul3A_13 = arith.mulf %mul3A_12, %reduce_sum3A_6 : vector<32x1024xf32>
    %broadcast_in_dim3A = vector.shape_cast %reduce_sum3A_11 : vector<1024xf32> to vector<1x1024xf32>
    %sub3A = vector.broadcast %broadcast_in_dim3A : vector<1x1024xf32> to vector<32x1024xf32>
    %sub3A_14 = arith.subf %mul3A_13, %sub3A : vector<32x1024xf32>
    %slice3A = vector.extract_strided_slice %get3A_1 {offsets = [0, 0], sizes = [32, 1024], strides = [1, 1]} : vector<32x1100xf32> to vector<32x1024xf32>
    %add3A = arith.addf %sub3A_14, %slice3A : vector<32x1024xf32>
    %gt3A = arith.constant 0.000000e+00 : f32
    %gt3A_15 = vector.broadcast %gt3A : f32 to vector<32x1024xf32>
    %gt3A_16 = arith.cmpf ogt, %add3A, %gt3A_15 : vector<32x1024xf32>
    %jit3A = arith.constant 1.000000e+00 : f32
    %jit3A_17 = arith.constant -1.000000e+00 : f32
    %broadcast_in_dim3A_18 = vector.broadcast %jit3A : f32 to vector<32x1024xf32>
    %broadcast_in_dim3A_19 = vector.broadcast %jit3A_17 : f32 to vector<32x1024xf32>
    %select_n3A = arith.select %gt3A_16, %broadcast_in_dim3A_18, %broadcast_in_dim3A_19 : vector<32x1024xi1>, vector<32x1024xf32>
    %swap3A = arith.constant 0 : index
    %swap3A_20 = arith.constant 0 : index
    %swap3A_21 = vector.load %arg6[%swap3A, %swap3A_20] : memref<32x1100xf32, #tpu.memory_space<vmem>>, vector<32x1024xf32>
    tpu.vector_store %arg6[%swap3A, %swap3A_20], %select_n3A {strides = array<i32>} : memref<32x1100xf32, #tpu.memory_space<vmem>>, vector<32x1024xf32>,
    %get3A_22 = arith.constant 0 : index
    %get3A_23 = arith.constant 0 : index
    %get3A_24 = vector.load %arg3[%get3A_22, %get3A_23] : memref<32x768xi32, #tpu.memory_space<vmem>>, vector<32x768xi32>
    %convert_element_type3A = arith.sitofp %get3A_24 : vector<32x768xi32> to vector<32x768xf32>
    %div3A = arith.constant 2.560000e+02 : f32
    %div3A_25 = vector.broadcast %div3A : f32 to vector<32x768xf32>
    %div3A_26 = arith.divf %convert_element_type3A, %div3A_25 : vector<32x768xf32>
    %mul3A_27 = arith.constant 2.550000e+02 : f32
    %mul3A_28 = vector.broadcast %mul3A_27 : f32 to vector<32x768xf32>
    %mul3A_29 = arith.mulf %div3A_26, %mul3A_28 : vector<32x768xf32>
    %round3A = math.roundeven %mul3A_29 : vector<32x768xf32>
    %jit3A_30 = arith.constant 0 : i32
    %jit3A_31 = arith.constant 255 : i32
    %convert_element_type3A_32 = arith.sitofp %jit3A_30 : i32 to f32
    %max3A = vector.broadcast %convert_element_type3A_32 : f32 to vector<32x768xf32>
    %max3A_33 = arith.maximumf %max3A, %round3A : vector<32x768xf32>
    %convert_element_type3A_34 = arith.sitofp %jit3A_31 : i32 to f32
    %min3A = vector.broadcast %convert_element_type3A_34 : f32 to vector<32x768xf32>
    %min3A_35 = arith.minimumf %min3A, %max3A_33 : vector<32x768xf32>
    %convert_element_type3A_36 = arith.fptosi %min3A_35 : vector<32x768xf32> to vector<32x768xi32>
    %get3A_37 = arith.constant 0 : index
    %get3A_38 = arith.constant 0 : index
    %get3A_39 = vector.load %arg5[%get3A_37, %get3A_38] : memref<256x76xf32, #tpu.memory_space<vmem>>, vector<256x76xf32>
    %lt3A = arith.constant 0.000000e+00 : f32
    %lt3A_40 = vector.broadcast %lt3A : f32 to vector<256x76xf32>
    %lt3A_41 = arith.cmpf olt, %get3A_39, %lt3A_40 : vector<256x76xf32>
    %convert_element_type3A_42 = arith.extui %lt3A_41 : vector<256x76xi1> to vector<256x76xi32>
    %reduce_sum3A_43 = arith.constant dense<0> : vector<76xi32>
    %reduce_sum3A_44 = vector.multi_reduction <add>, %convert_element_type3A_42, %reduce_sum3A_43 [0] : vector<256x76xi32> to vector<76xi32>
    %get3A_45 = arith.constant 0 : index
    %get3A_46 = arith.constant 0 : index
    %get3A_47 = vector.load %arg4[%get3A_45, %get3A_46] : memref<768x76xf32, #tpu.memory_space<vmem>>, vector<768x76xf32>
    %slice3A_48 = vector.extract_strided_slice %convert_element_type3A_36 {offsets = [0, 0], sizes = [1, 768], strides = [1, 1]} : vector<32x768xi32> to vector<1x768xi32>
    %squeeze3A = vector.shape_cast %slice3A_48 : vector<1x768xi32> to vector<768xi32>
    %broadcast_in_dim3A_49 = vector.shape_cast %squeeze3A : vector<768xi32> to vector<768x1xi32>
    %broadcast_in_dim3A_50 = vector.shape_cast %reduce_sum3A_44 : vector<76xi32> to vector<1x76xi32>
    %ge3A = vector.broadcast %broadcast_in_dim3A_49 : vector<768x1xi32> to vector<768x76xi32>
    %ge3A_51 = vector.broadcast %broadcast_in_dim3A_50 : vector<1x76xi32> to vector<768x76xi32>
    %ge3A_52 = arith.cmpi sge, %ge3A, %ge3A_51 : vector<768x76xi32>
    %jit3A_53 = arith.constant 0.000000e+00 : f32
    %broadcast_in_dim3A_54 = vector.broadcast %jit3A_53 : f32 to vector<768x76xf32>
    %select_n3A_55 = arith.select %ge3A_52, %get3A_47, %broadcast_in_dim3A_54 : vector<768x76xi1>, vector<768x76xf32>
    %reduce_sum3A_56 = arith.constant dense<0.000000e+00> : vector<76xf32>
    %reduce_sum3A_57 = vector.multi_reduction <add>, %select_n3A_55, %reduce_sum3A_56 [0] : vector<768x76xf32> to vector<76xf32>
    %slice3A_58 = vector.extract_strided_slice %convert_element_type3A_36 {offsets = [1, 0], sizes = [1, 768], strides = [1, 1]} : vector<32x768xi32> to vector<1x768xi32>
    %squeeze3A_59 = vector.shape_cast %slice3A_58 : vector<1x768xi32> to vector<768xi32>
    %broadcast_in_dim3A_60 = vector.shape_cast %squeeze3A_59 : vector<768xi32> to vector<768x1xi32>
    %broadcast_in_dim3A_61 = vector.shape_cast %reduce_sum3A_44 : vector<76xi32> to vector<1x76xi32>
    %ge3A_62 = vector.broadcast %broadcast_in_dim3A_60 : vector<768x1xi32> to vector<768x76xi32>
    %ge3A_63 = vector.broadcast %broadcast_in_dim3A_61 : vector<1x76xi32> to vector<768x76xi32>
    %ge3A_64 = arith.cmpi sge, %ge3A_62, %ge3A_63 : vector<768x76xi32>
    %jit3A_65 = arith.constant 0.000000e+00 : f32
    %broadcast_in_dim3A_66 = vector.broadcast %jit3A_65 : f32 to vector<768x76xf32>
    %select_n3A_67 = arith.select %ge3A_64, %get3A_47, %broadcast_in_dim3A_66 : vector<768x76xi1>, vector<768x76xf32>
    %reduce_sum3A_68 = arith.constant dense<0.000000e+00> : vector<76xf32>
    %reduce_sum3A_69 = vector.multi_reduction <add>, %select_n3A_67, %reduce_sum3A_68 [0] : vector<768x76xf32> to vector<76xf32>
    %slice3A_70 = vector.extract_strided_slice %convert_element_type3A_36 {offsets = [2, 0], sizes = [1, 768], strides = [1, 1]} : vector<32x768xi32> to vector<1x768xi32>
    %squeeze3A_71 = vector.shape_cast %slice3A_70 : vector<1x768xi32> to vector<768xi32>
    %broadcast_in_dim3A_72 = vector.shape_cast %squeeze3A_71 : vector<768xi32> to vector<768x1xi32>
    %broadcast_in_dim3A_73 = vector.shape_cast %reduce_sum3A_44 : vector<76xi32> to vector<1x76xi32>
    %ge3A_74 = vector.broadcast %broadcast_in_dim3A_72 : vector<768x1xi32> to vector<768x76xi32>
    %ge3A_75 = vector.broadcast %broadcast_in_dim3A_73 : vector<1x76xi32> to vector<768x76xi32>
    %ge3A_76 = arith.cmpi sge, %ge3A_74, %ge3A_75 : vector<768x76xi32>
    %jit3A_77 = arith.constant 0.000000e+00 : f32
    %broadcast_in_dim3A_78 = vector.broadcast %jit3A_77 : f32 to vector<768x76xf32>
    %select_n3A_79 = arith.select %ge3A_76, %get3A_47, %broadcast_in_dim3A_78 : vector<768x76xi1>, vector<768x76xf32>
    %reduce_sum3A_80 = arith.constant dense<0.000000e+00> : vector<76xf32>
    %reduce_sum3A_81 = vector.multi_reduction <add>, %select_n3A_79, %reduce_sum3A_80 [0] : vector<768x76xf32> to vector<76xf32>
    %slice3A_82 = vector.extract_strided_slice %convert_element_type3A_36 {offsets = [3, 0], sizes = [1, 768], strides = [1, 1]} : vector<32x768xi32> to vector<1x768xi32>
    %squeeze3A_83 = vector.shape_cast %slice3A_82 : vector<1x768xi32> to vector<768xi32>
    %broadcast_in_dim3A_84 = vector.shape_cast %squeeze3A_83 : vector<768xi32> to vector<768x1xi32>
    %broadcast_in_dim3A_85 = vector.shape_cast %reduce_sum3A_44 : vector<76xi32> to vector<1x76xi32>
    %ge3A_86 = vector.broadcast %broadcast_in_dim3A_84 : vector<768x1xi32> to vector<768x76xi32>
    %ge3A_87 = vector.broadcast %broadcast_in_dim3A_85 : vector<1x76xi32> to vector<768x76xi32>
    %ge3A_88 = arith.cmpi sge, %ge3A_86, %ge3A_87 : vector<768x76xi32>
    %jit3A_89 = arith.constant 0.000000e+00 : f32
    %broadcast_in_dim3A_90 = vector.broadcast %jit3A_89 : f32 to vector<768x76xf32>
    %select_n3A_91 = arith.select %ge3A_88, %get3A_47, %broadcast_in_dim3A_90 : vector<768x76xi1>, vector<768x76xf32>
    %reduce_sum3A_92 = arith.constant dense<0.000000e+00> : vector<76xf32>
    %reduce_sum3A_93 = vector.multi_reduction <add>, %select_n3A_91, %reduce_sum3A_92 [0] : vector<768x76xf32> to vector<76xf32>
    %slice3A_94 = vector.extract_strided_slice %convert_element_type3A_36 {offsets = [4, 0], sizes = [1, 768], strides = [1, 1]} : vector<32x768xi32> to vector<1x768xi32>
    %squeeze3A_95 = vector.shape_cast %slice3A_94 : vector<1x768xi32> to vector<768xi32>
    %broadcast_in_dim3A_96 = vector.shape_cast %squeeze3A_95 : vector<768xi32> to vector<768x1xi32>
    %broadcast_in_dim3A_97 = vector.shape_cast %reduce_sum3A_44 : vector<76xi32> to vector<1x76xi32>
    %ge3A_98 = vector.broadcast %broadcast_in_dim3A_96 : vector<768x1xi32> to vector<768x76xi32>
    %ge3A_99 = vector.broadcast %broadcast_in_dim3A_97 : vector<1x76xi32> to vector<768x76xi32>
    %ge3A_100 = arith.cmpi sge, %ge3A_98, %ge3A_99 : vector<768x76xi32>
    %jit3A_101 = arith.constant 0.000000e+00 : f32
    %broadcast_in_dim3A_102 = vector.broadcast %jit3A_101 : f32 to vector<768x76xf32>
    %select_n3A_103 = arith.select %ge3A_100, %get3A_47, %broadcast_in_dim3A_102 : vector<768x76xi1>, vector<768x76xf32>
    %reduce_sum3A_104 = arith.constant dense<0.000000e+00> : vector<76xf32>
    %reduce_sum3A_105 = vector.multi_reduction <add>, %select_n3A_103, %reduce_sum3A_104 [0] : vector<768x76xf32> to vector<76xf32>
    %slice3A_106 = vector.extract_strided_slice %convert_element_type3A_36 {offsets = [5, 0], sizes = [1, 768], strides = [1, 1]} : vector<32x768xi32> to vector<1x768xi32>
    %squeeze3A_107 = vector.shape_cast %slice3A_106 : vector<1x768xi32> to vector<768xi32>
    %broadcast_in_dim3A_108 = vector.shape_cast %squeeze3A_107 : vector<768xi32> to vector<768x1xi32>
    %broadcast_in_dim3A_109 = vector.shape_cast %reduce_sum3A_44 : vector<76xi32> to vector<1x76xi32>
    %ge3A_110 = vector.broadcast %broadcast_in_dim3A_108 : vector<768x1xi32> to vector<768x76xi32>
    %ge3A_111 = vector.broadcast %broadcast_in_dim3A_109 : vector<1x76xi32> to vector<768x76xi32>
    %ge3A_112 = arith.cmpi sge, %ge3A_110, %ge3A_111 : vector<768x76xi32>
    %jit3A_113 = arith.constant 0.000000e+00 : f32
    %broadcast_in_dim3A_114 = vector.broadcast %jit3A_113 : f32 to vector<768x76xf32>
    %select_n3A_115 = arith.select %ge3A_112, %get3A_47, %broadcast_in_dim3A_114 : vector<768x76xi1>, vector<768x76xf32>
    %reduce_sum3A_116 = arith.constant dense<0.000000e+00> : vector<76xf32>
    %reduce_sum3A_117 = vector.multi_reduction <add>, %select_n3A_115, %reduce_sum3A_116 [0] : vector<768x76xf32> to vector<76xf32>
    %slice3A_118 = vector.extract_strided_slice %convert_element_type3A_36 {offsets = [6, 0], sizes = [1, 768], strides = [1, 1]} : vector<32x768xi32> to vector<1x768xi32>
    %squeeze3A_119 = vector.shape_cast %slice3A_118 : vector<1x768xi32> to vector<768xi32>
    %broadcast_in_dim3A_120 = vector.shape_cast %squeeze3A_119 : vector<768xi32> to vector<768x1xi32>
    %broadcast_in_dim3A_121 = vector.shape_cast %reduce_sum3A_44 : vector<76xi32> to vector<1x76xi32>
    %ge3A_122 = vector.broadcast %broadcast_in_dim3A_120 : vector<768x1xi32> to vector<768x76xi32>
    %ge3A_123 = vector.broadcast %broadcast_in_dim3A_121 : vector<1x76xi32> to vector<768x76xi32>
    %ge3A_124 = arith.cmpi sge, %ge3A_122, %ge3A_123 : vector<768x76xi32>
    %jit3A_125 = arith.constant 0.000000e+00 : f32
    %broadcast_in_dim3A_126 = vector.broadcast %jit3A_125 : f32 to vector<768x76xf32>
    %select_n3A_127 = arith.select %ge3A_124, %get3A_47, %broadcast_in_dim3A_126 : vector<768x76xi1>, vector<768x76xf32>
    %reduce_sum3A_128 = arith.constant dense<0.000000e+00> : vector<76xf32>
    %reduce_sum3A_129 = vector.multi_reduction <add>, %select_n3A_127, %reduce_sum3A_128 [0] : vector<768x76xf32> to vector<76xf32>
    %slice3A_130 = vector.extract_strided_slice %convert_element_type3A_36 {offsets = [7, 0], sizes = [1, 768], strides = [1, 1]} : vector<32x768xi32> to vector<1x768xi32>
    %squeeze3A_131 = vector.shape_cast %slice3A_130 : vector<1x768xi32> to vector<768xi32>
    %broadcast_in_dim3A_132 = vector.shape_cast %squeeze3A_131 : vector<768xi32> to vector<768x1xi32>
    %broadcast_in_dim3A_133 = vector.shape_cast %reduce_sum3A_44 : vector<76xi32> to vector<1x76xi32>
    %ge3A_134 = vector.broadcast %broadcast_in_dim3A_132 : vector<768x1xi32> to vector<768x76xi32>
    %ge3A_135 = vector.broadcast %broadcast_in_dim3A_133 : vector<1x76xi32> to vector<768x76xi32>
    %ge3A_136 = arith.cmpi sge, %ge3A_134, %ge3A_135 : vector<768x76xi32>
    %jit3A_137 = arith.constant 0.000000e+00 : f32
    %broadcast_in_dim3A_138 = vector.broadcast %jit3A_137 : f32 to vector<768x76xf32>
    %select_n3A_139 = arith.select %ge3A_136, %get3A_47, %broadcast_in_dim3A_138 : vector<768x76xi1>, vector<768x76xf32>
    %reduce_sum3A_140 = arith.constant dense<0.000000e+00> : vector<76xf32>
    %reduce_sum3A_141 = vector.multi_reduction <add>, %select_n3A_139, %reduce_sum3A_140 [0] : vector<768x76xf32> to vector<76xf32>
    %slice3A_142 = vector.extract_strided_slice %convert_element_type3A_36 {offsets = [8, 0], sizes = [1, 768], strides = [1, 1]} : vector<32x768xi32> to vector<1x768xi32>
    %squeeze3A_143 = vector.shape_cast %slice3A_142 : vector<1x768xi32> to vector<768xi32>
    %broadcast_in_dim3A_144 = vector.shape_cast %squeeze3A_143 : vector<768xi32> to vector<768x1xi32>
    %broadcast_in_dim3A_145 = vector.shape_cast %reduce_sum3A_44 : vector<76xi32> to vector<1x76xi32>
    %ge3A_146 = vector.broadcast %broadcast_in_dim3A_144 : vector<768x1xi32> to vector<768x76xi32>
    %ge3A_147 = vector.broadcast %broadcast_in_dim3A_145 : vector<1x76xi32> to vector<768x76xi32>
    %ge3A_148 = arith.cmpi sge, %ge3A_146, %ge3A_147 : vector<768x76xi32>
    %jit3A_149 = arith.constant 0.000000e+00 : f32
    %broadcast_in_dim3A_150 = vector.broadcast %jit3A_149 : f32 to vector<768x76xf32>
    %select_n3A_151 = arith.select %ge3A_148, %get3A_47, %broadcast_in_dim3A_150 : vector<768x76xi1>, vector<768x76xf32>
    %reduce_sum3A_152 = arith.constant dense<0.000000e+00> : vector<76xf32>
    %reduce_sum3A_153 = vector.multi_reduction <add>, %select_n3A_151, %reduce_sum3A_152 [0] : vector<768x76xf32> to vector<76xf32>
    %slice3A_154 = vector.extract_strided_slice %convert_element_type3A_36 {offsets = [9, 0], sizes = [1, 768], strides = [1, 1]} : vector<32x768xi32> to vector<1x768xi32>
    %squeeze3A_155 = vector.shape_cast %slice3A_154 : vector<1x768xi32> to vector<768xi32>
    %broadcast_in_dim3A_156 = vector.shape_cast %squeeze3A_155 : vector<768xi32> to vector<768x1xi32>
    %broadcast_in_dim3A_157 = vector.shape_cast %reduce_sum3A_44 : vector<76xi32> to vector<1x76xi32>
    %ge3A_158 = vector.broadcast %broadcast_in_dim3A_156 : vector<768x1xi32> to vector<768x76xi32>
    %ge3A_159 = vector.broadcast %broadcast_in_dim3A_157 : vector<1x76xi32> to vector<768x76xi32>
    %ge3A_160 = arith.cmpi sge, %ge3A_158, %ge3A_159 : vector<768x76xi32>
    %jit3A_161 = arith.constant 0.000000e+00 : f32
    %broadcast_in_dim3A_162 = vector.broadcast %jit3A_161 : f32 to vector<768x76xf32>
    %select_n3A_163 = arith.select %ge3A_160, %get3A_47, %broadcast_in_dim3A_162 : vector<768x76xi1>, vector<768x76xf32>
    %reduce_sum3A_164 = arith.constant dense<0.000000e+00> : vector<76xf32>
    %reduce_sum3A_165 = vector.multi_reduction <add>, %select_n3A_163, %reduce_sum3A_164 [0] : vector<768x76xf32> to vector<76xf32>
    %slice3A_166 = vector.extract_strided_slice %convert_element_type3A_36 {offsets = [10, 0], sizes = [1, 768], strides = [1, 1]} : vector<32x768xi32> to vector<1x768xi32>
    %squeeze3A_167 = vector.shape_cast %slice3A_166 : vector<1x768xi32> to vector<768xi32>
    %broadcast_in_dim3A_168 = vector.shape_cast %squeeze3A_167 : vector<768xi32> to vector<768x1xi32>
    %broadcast_in_dim3A_169 = vector.shape_cast %reduce_sum3A_44 : vector<76xi32> to vector<1x76xi32>
    %ge3A_170 = vector.broadcast %broadcast_in_dim3A_168 : vector<768x1xi32> to vector<768x76xi32>
    %ge3A_171 = vector.broadcast %broadcast_in_dim3A_169 : vector<1x76xi32> to vector<768x76xi32>
    %ge3A_172 = arith.cmpi sge, %ge3A_170, %ge3A_171 : vector<768x76xi32>
    %jit3A_173 = arith.constant 0.000000e+00 : f32
    %broadcast_in_dim3A_174 = vector.broadcast %jit3A_173 : f32 to vector<768x76xf32>
    %select_n3A_175 = arith.select %ge3A_172, %get3A_47, %broadcast_in_dim3A_174 : vector<768x76xi1>, vector<768x76xf32>
    %reduce_sum3A_176 = arith.constant dense<0.000000e+00> : vector<76xf32>
    %reduce_sum3A_177 = vector.multi_reduction <add>, %select_n3A_175, %reduce_sum3A_176 [0] : vector<768x76xf32> to vector<76xf32>
    %slice3A_178 = vector.extract_strided_slice %convert_element_type3A_36 {offsets = [11, 0], sizes = [1, 768], strides = [1, 1]} : vector<32x768xi32> to vector<1x768xi32>
    %squeeze3A_179 = vector.shape_cast %slice3A_178 : vector<1x768xi32> to vector<768xi32>
    %broadcast_in_dim3A_180 = vector.shape_cast %squeeze3A_179 : vector<768xi32> to vector<768x1xi32>
    %broadcast_in_dim3A_181 = vector.shape_cast %reduce_sum3A_44 : vector<76xi32> to vector<1x76xi32>
    %ge3A_182 = vector.broadcast %broadcast_in_dim3A_180 : vector<768x1xi32> to vector<768x76xi32>
    %ge3A_183 = vector.broadcast %broadcast_in_dim3A_181 : vector<1x76xi32> to vector<768x76xi32>
    %ge3A_184 = arith.cmpi sge, %ge3A_182, %ge3A_183 : vector<768x76xi32>
    %jit3A_185 = arith.constant 0.000000e+00 : f32
    %broadcast_in_dim3A_186 = vector.broadcast %jit3A_185 : f32 to vector<768x76xf32>
    %select_n3A_187 = arith.select %ge3A_184, %get3A_47, %broadcast_in_dim3A_186 : vector<768x76xi1>, vector<768x76xf32>
    %reduce_sum3A_188 = arith.constant dense<0.000000e+00> : vector<76xf32>
    %reduce_sum3A_189 = vector.multi_reduction <add>, %select_n3A_187, %reduce_sum3A_188 [0] : vector<768x76xf32> to vector<76xf32>
    %slice3A_190 = vector.extract_strided_slice %convert_element_type3A_36 {offsets = [12, 0], sizes = [1, 768], strides = [1, 1]} : vector<32x768xi32> to vector<1x768xi32>
    %squeeze3A_191 = vector.shape_cast %slice3A_190 : vector<1x768xi32> to vector<768xi32>
    %broadcast_in_dim3A_192 = vector.shape_cast %squeeze3A_191 : vector<768xi32> to vector<768x1xi32>
    %broadcast_in_dim3A_193 = vector.shape_cast %reduce_sum3A_44 : vector<76xi32> to vector<1x76xi32>
    %ge3A_194 = vector.broadcast %broadcast_in_dim3A_192 : vector<768x1xi32> to vector<768x76xi32>
    %ge3A_195 = vector.broadcast %broadcast_in_dim3A_193 : vector<1x76xi32> to vector<768x76xi32>
    %ge3A_196 = arith.cmpi sge, %ge3A_194, %ge3A_195 : vector<768x76xi32>
    %jit3A_197 = arith.constant 0.000000e+00 : f32
    %broadcast_in_dim3A_198 = vector.broadcast %jit3A_197 : f32 to vector<768x76xf32>
    %select_n3A_199 = arith.select %ge3A_196, %get3A_47, %broadcast_in_dim3A_198 : vector<768x76xi1>, vector<768x76xf32>
    %reduce_sum3A_200 = arith.constant dense<0.000000e+00> : vector<76xf32>
    %reduce_sum3A_201 = vector.multi_reduction <add>, %select_n3A_199, %reduce_sum3A_200 [0] : vector<768x76xf32> to vector<76xf32>
    %slice3A_202 = vector.extract_strided_slice %convert_element_type3A_36 {offsets = [13, 0], sizes = [1, 768], strides = [1, 1]} : vector<32x768xi32> to vector<1x768xi32>
    %squeeze3A_203 = vector.shape_cast %slice3A_202 : vector<1x768xi32> to vector<768xi32>
    %broadcast_in_dim3A_204 = vector.shape_cast %squeeze3A_203 : vector<768xi32> to vector<768x1xi32>
    %broadcast_in_dim3A_205 = vector.shape_cast %reduce_sum3A_44 : vector<76xi32> to vector<1x76xi32>
    %ge3A_206 = vector.broadcast %broadcast_in_dim3A_204 : vector<768x1xi32> to vector<768x76xi32>
    %ge3A_207 = vector.broadcast %broadcast_in_dim3A_205 : vector<1x76xi32> to vector<768x76xi32>
    %ge3A_208 = arith.cmpi sge, %ge3A_206, %ge3A_207 : vector<768x76xi32>
    %jit3A_209 = arith.constant 0.000000e+00 : f32
    %broadcast_in_dim3A_210 = vector.broadcast %jit3A_209 : f32 to vector<768x76xf32>
    %select_n3A_211 = arith.select %ge3A_208, %get3A_47, %broadcast_in_dim3A_210 : vector<768x76xi1>, vector<768x76xf32>
    %reduce_sum3A_212 = arith.constant dense<0.000000e+00> : vector<76xf32>
    %reduce_sum3A_213 = vector.multi_reduction <add>, %select_n3A_211, %reduce_sum3A_212 [0] : vector<768x76xf32> to vector<76xf32>
    %slice3A_214 = vector.extract_strided_slice %convert_element_type3A_36 {offsets = [14, 0], sizes = [1, 768], strides = [1, 1]} : vector<32x768xi32> to vector<1x768xi32>
    %squeeze3A_215 = vector.shape_cast %slice3A_214 : vector<1x768xi32> to vector<768xi32>
    %broadcast_in_dim3A_216 = vector.shape_cast %squeeze3A_215 : vector<768xi32> to vector<768x1xi32>
    %broadcast_in_dim3A_217 = vector.shape_cast %reduce_sum3A_44 : vector<76xi32> to vector<1x76xi32>
    %ge3A_218 = vector.broadcast %broadcast_in_dim3A_216 : vector<768x1xi32> to vector<768x76xi32>
    %ge3A_219 = vector.broadcast %broadcast_in_dim3A_217 : vector<1x76xi32> to vector<768x76xi32>
    %ge3A_220 = arith.cmpi sge, %ge3A_218, %ge3A_219 : vector<768x76xi32>
    %jit3A_221 = arith.constant 0.000000e+00 : f32
    %broadcast_in_dim3A_222 = vector.broadcast %jit3A_221 : f32 to vector<768x76xf32>
    %select_n3A_223 = arith.select %ge3A_220, %get3A_47, %broadcast_in_dim3A_222 : vector<768x76xi1>, vector<768x76xf32>
    %reduce_sum3A_224 = arith.constant dense<0.000000e+00> : vector<76xf32>
    %reduce_sum3A_225 = vector.multi_reduction <add>, %select_n3A_223, %reduce_sum3A_224 [0] : vector<768x76xf32> to vector<76xf32>
    %slice3A_226 = vector.extract_strided_slice %convert_element_type3A_36 {offsets = [15, 0], sizes = [1, 768], strides = [1, 1]} : vector<32x768xi32> to vector<1x768xi32>
    %squeeze3A_227 = vector.shape_cast %slice3A_226 : vector<1x768xi32> to vector<768xi32>
    %broadcast_in_dim3A_228 = vector.shape_cast %squeeze3A_227 : vector<768xi32> to vector<768x1xi32>
    %broadcast_in_dim3A_229 = vector.shape_cast %reduce_sum3A_44 : vector<76xi32> to vector<1x76xi32>
    %ge3A_230 = vector.broadcast %broadcast_in_dim3A_228 : vector<768x1xi32> to vector<768x76xi32>
    %ge3A_231 = vector.broadcast %broadcast_in_dim3A_229 : vector<1x76xi32> to vector<768x76xi32>
    %ge3A_232 = arith.cmpi sge, %ge3A_230, %ge3A_231 : vector<768x76xi32>
    %jit3A_233 = arith.constant 0.000000e+00 : f32
    %broadcast_in_dim3A_234 = vector.broadcast %jit3A_233 : f32 to vector<768x76xf32>
    %select_n3A_235 = arith.select %ge3A_232, %get3A_47, %broadcast_in_dim3A_234 : vector<768x76xi1>, vector<768x76xf32>
    %reduce_sum3A_236 = arith.constant dense<0.000000e+00> : vector<76xf32>
    %reduce_sum3A_237 = vector.multi_reduction <add>, %select_n3A_235, %reduce_sum3A_236 [0] : vector<768x76xf32> to vector<76xf32>
    %slice3A_238 = vector.extract_strided_slice %convert_element_type3A_36 {offsets = [16, 0], sizes = [1, 768], strides = [1, 1]} : vector<32x768xi32> to vector<1x768xi32>
    %squeeze3A_239 = vector.shape_cast %slice3A_238 : vector<1x768xi32> to vector<768xi32>
    %broadcast_in_dim3A_240 = vector.shape_cast %squeeze3A_239 : vector<768xi32> to vector<768x1xi32>
    %broadcast_in_dim3A_241 = vector.shape_cast %reduce_sum3A_44 : vector<76xi32> to vector<1x76xi32>
    %ge3A_242 = vector.broadcast %broadcast_in_dim3A_240 : vector<768x1xi32> to vector<768x76xi32>
    %ge3A_243 = vector.broadcast %broadcast_in_dim3A_241 : vector<1x76xi32> to vector<768x76xi32>
    %ge3A_244 = arith.cmpi sge, %ge3A_242, %ge3A_243 : vector<768x76xi32>
    %jit3A_245 = arith.constant 0.000000e+00 : f32
    %broadcast_in_dim3A_246 = vector.broadcast %jit3A_245 : f32 to vector<768x76xf32>
    %select_n3A_247 = arith.select %ge3A_244, %get3A_47, %broadcast_in_dim3A_246 : vector<768x76xi1>, vector<768x76xf32>
    %reduce_sum3A_248 = arith.constant dense<0.000000e+00> : vector<76xf32>
    %reduce_sum3A_249 = vector.multi_reduction <add>, %select_n3A_247, %reduce_sum3A_248 [0] : vector<768x76xf32> to vector<76xf32>
    %slice3A_250 = vector.extract_strided_slice %convert_element_type3A_36 {offsets = [17, 0], sizes = [1, 768], strides = [1, 1]} : vector<32x768xi32> to vector<1x768xi32>
    %squeeze3A_251 = vector.shape_cast %slice3A_250 : vector<1x768xi32> to vector<768xi32>
    %broadcast_in_dim3A_252 = vector.shape_cast %squeeze3A_251 : vector<768xi32> to vector<768x1xi32>
    %broadcast_in_dim3A_253 = vector.shape_cast %reduce_sum3A_44 : vector<76xi32> to vector<1x76xi32>
    %ge3A_254 = vector.broadcast %broadcast_in_dim3A_252 : vector<768x1xi32> to vector<768x76xi32>
    %ge3A_255 = vector.broadcast %broadcast_in_dim3A_253 : vector<1x76xi32> to vector<768x76xi32>
    %ge3A_256 = arith.cmpi sge, %ge3A_254, %ge3A_255 : vector<768x76xi32>
    %jit3A_257 = arith.constant 0.000000e+00 : f32
    %broadcast_in_dim3A_258 = vector.broadcast %jit3A_257 : f32 to vector<768x76xf32>
    %select_n3A_259 = arith.select %ge3A_256, %get3A_47, %broadcast_in_dim3A_258 : vector<768x76xi1>, vector<768x76xf32>
    %reduce_sum3A_260 = arith.constant dense<0.000000e+00> : vector<76xf32>
    %reduce_sum3A_261 = vector.multi_reduction <add>, %select_n3A_259, %reduce_sum3A_260 [0] : vector<768x76xf32> to vector<76xf32>
    %slice3A_262 = vector.extract_strided_slice %convert_element_type3A_36 {offsets = [18, 0], sizes = [1, 768], strides = [1, 1]} : vector<32x768xi32> to vector<1x768xi32>
    %squeeze3A_263 = vector.shape_cast %slice3A_262 : vector<1x768xi32> to vector<768xi32>
    %broadcast_in_dim3A_264 = vector.shape_cast %squeeze3A_263 : vector<768xi32> to vector<768x1xi32>
    %broadcast_in_dim3A_265 = vector.shape_cast %reduce_sum3A_44 : vector<76xi32> to vector<1x76xi32>
    %ge3A_266 = vector.broadcast %broadcast_in_dim3A_264 : vector<768x1xi32> to vector<768x76xi32>
    %ge3A_267 = vector.broadcast %broadcast_in_dim3A_265 : vector<1x76xi32> to vector<768x76xi32>
    %ge3A_268 = arith.cmpi sge, %ge3A_266, %ge3A_267 : vector<768x76xi32>
    %jit3A_269 = arith.constant 0.000000e+00 : f32
    %broadcast_in_dim3A_270 = vector.broadcast %jit3A_269 : f32 to vector<768x76xf32>
    %select_n3A_271 = arith.select %ge3A_268, %get3A_47, %broadcast_in_dim3A_270 : vector<768x76xi1>, vector<768x76xf32>
    %reduce_sum3A_272 = arith.constant dense<0.000000e+00> : vector<76xf32>
    %reduce_sum3A_273 = vector.multi_reduction <add>, %select_n3A_271, %reduce_sum3A_272 [0] : vector<768x76xf32> to vector<76xf32>
    %slice3A_274 = vector.extract_strided_slice %convert_element_type3A_36 {offsets = [19, 0], sizes = [1, 768], strides = [1, 1]} : vector<32x768xi32> to vector<1x768xi32>
    %squeeze3A_275 = vector.shape_cast %slice3A_274 : vector<1x768xi32> to vector<768xi32>
    %broadcast_in_dim3A_276 = vector.shape_cast %squeeze3A_275 : vector<768xi32> to vector<768x1xi32>
    %broadcast_in_dim3A_277 = vector.shape_cast %reduce_sum3A_44 : vector<76xi32> to vector<1x76xi32>
    %ge3A_278 = vector.broadcast %broadcast_in_dim3A_276 : vector<768x1xi32> to vector<768x76xi32>
    %ge3A_279 = vector.broadcast %broadcast_in_dim3A_277 : vector<1x76xi32> to vector<768x76xi32>
    %ge3A_280 = arith.cmpi sge, %ge3A_278, %ge3A_279 : vector<768x76xi32>
    %jit3A_281 = arith.constant 0.000000e+00 : f32
    %broadcast_in_dim3A_282 = vector.broadcast %jit3A_281 : f32 to vector<768x76xf32>
    %select_n3A_283 = arith.select %ge3A_280, %get3A_47, %broadcast_in_dim3A_282 : vector<768x76xi1>, vector<768x76xf32>
    %reduce_sum3A_284 = arith.constant dense<0.000000e+00> : vector<76xf32>
    %reduce_sum3A_285 = vector.multi_reduction <add>, %select_n3A_283, %reduce_sum3A_284 [0] : vector<768x76xf32> to vector<76xf32>
    %slice3A_286 = vector.extract_strided_slice %convert_element_type3A_36 {offsets = [20, 0], sizes = [1, 768], strides = [1, 1]} : vector<32x768xi32> to vector<1x768xi32>
    %squeeze3A_287 = vector.shape_cast %slice3A_286 : vector<1x768xi32> to vector<768xi32>
    %broadcast_in_dim3A_288 = vector.shape_cast %squeeze3A_287 : vector<768xi32> to vector<768x1xi32>
    %broadcast_in_dim3A_289 = vector.shape_cast %reduce_sum3A_44 : vector<76xi32> to vector<1x76xi32>
    %ge3A_290 = vector.broadcast %broadcast_in_dim3A_288 : vector<768x1xi32> to vector<768x76xi32>
    %ge3A_291 = vector.broadcast %broadcast_in_dim3A_289 : vector<1x76xi32> to vector<768x76xi32>
    %ge3A_292 = arith.cmpi sge, %ge3A_290, %ge3A_291 : vector<768x76xi32>
    %jit3A_293 = arith.constant 0.000000e+00 : f32
    %broadcast_in_dim3A_294 = vector.broadcast %jit3A_293 : f32 to vector<768x76xf32>
    %select_n3A_295 = arith.select %ge3A_292, %get3A_47, %broadcast_in_dim3A_294 : vector<768x76xi1>, vector<768x76xf32>
    %reduce_sum3A_296 = arith.constant dense<0.000000e+00> : vector<76xf32>
    %reduce_sum3A_297 = vector.multi_reduction <add>, %select_n3A_295, %reduce_sum3A_296 [0] : vector<768x76xf32> to vector<76xf32>
    %slice3A_298 = vector.extract_strided_slice %convert_element_type3A_36 {offsets = [21, 0], sizes = [1, 768], strides = [1, 1]} : vector<32x768xi32> to vector<1x768xi32>
    %squeeze3A_299 = vector.shape_cast %slice3A_298 : vector<1x768xi32> to vector<768xi32>
    %broadcast_in_dim3A_300 = vector.shape_cast %squeeze3A_299 : vector<768xi32> to vector<768x1xi32>
    %broadcast_in_dim3A_301 = vector.shape_cast %reduce_sum3A_44 : vector<76xi32> to vector<1x76xi32>
    %ge3A_302 = vector.broadcast %broadcast_in_dim3A_300 : vector<768x1xi32> to vector<768x76xi32>
    %ge3A_303 = vector.broadcast %broadcast_in_dim3A_301 : vector<1x76xi32> to vector<768x76xi32>
    %ge3A_304 = arith.cmpi sge, %ge3A_302, %ge3A_303 : vector<768x76xi32>
    %jit3A_305 = arith.constant 0.000000e+00 : f32
    %broadcast_in_dim3A_306 = vector.broadcast %jit3A_305 : f32 to vector<768x76xf32>
    %select_n3A_307 = arith.select %ge3A_304, %get3A_47, %broadcast_in_dim3A_306 : vector<768x76xi1>, vector<768x76xf32>
    %reduce_sum3A_308 = arith.constant dense<0.000000e+00> : vector<76xf32>
    %reduce_sum3A_309 = vector.multi_reduction <add>, %select_n3A_307, %reduce_sum3A_308 [0] : vector<768x76xf32> to vector<76xf32>
    %slice3A_310 = vector.extract_strided_slice %convert_element_type3A_36 {offsets = [22, 0], sizes = [1, 768], strides = [1, 1]} : vector<32x768xi32> to vector<1x768xi32>
    %squeeze3A_311 = vector.shape_cast %slice3A_310 : vector<1x768xi32> to vector<768xi32>
    %broadcast_in_dim3A_312 = vector.shape_cast %squeeze3A_311 : vector<768xi32> to vector<768x1xi32>
    %broadcast_in_dim3A_313 = vector.shape_cast %reduce_sum3A_44 : vector<76xi32> to vector<1x76xi32>
    %ge3A_314 = vector.broadcast %broadcast_in_dim3A_312 : vector<768x1xi32> to vector<768x76xi32>
    %ge3A_315 = vector.broadcast %broadcast_in_dim3A_313 : vector<1x76xi32> to vector<768x76xi32>
    %ge3A_316 = arith.cmpi sge, %ge3A_314, %ge3A_315 : vector<768x76xi32>
    %jit3A_317 = arith.constant 0.000000e+00 : f32
    %broadcast_in_dim3A_318 = vector.broadcast %jit3A_317 : f32 to vector<768x76xf32>
    %select_n3A_319 = arith.select %ge3A_316, %get3A_47, %broadcast_in_dim3A_318 : vector<768x76xi1>, vector<768x76xf32>
    %reduce_sum3A_320 = arith.constant dense<0.000000e+00> : vector<76xf32>
    %reduce_sum3A_321 = vector.multi_reduction <add>, %select_n3A_319, %reduce_sum3A_320 [0] : vector<768x76xf32> to vector<76xf32>
    %slice3A_322 = vector.extract_strided_slice %convert_element_type3A_36 {offsets = [23, 0], sizes = [1, 768], strides = [1, 1]} : vector<32x768xi32> to vector<1x768xi32>
    %squeeze3A_323 = vector.shape_cast %slice3A_322 : vector<1x768xi32> to vector<768xi32>
    %broadcast_in_dim3A_324 = vector.shape_cast %squeeze3A_323 : vector<768xi32> to vector<768x1xi32>
    %broadcast_in_dim3A_325 = vector.shape_cast %reduce_sum3A_44 : vector<76xi32> to vector<1x76xi32>
    %ge3A_326 = vector.broadcast %broadcast_in_dim3A_324 : vector<768x1xi32> to vector<768x76xi32>
    %ge3A_327 = vector.broadcast %broadcast_in_dim3A_325 : vector<1x76xi32> to vector<768x76xi32>
    %ge3A_328 = arith.cmpi sge, %ge3A_326, %ge3A_327 : vector<768x76xi32>
    %jit3A_329 = arith.constant 0.000000e+00 : f32
    %broadcast_in_dim3A_330 = vector.broadcast %jit3A_329 : f32 to vector<768x76xf32>
    %select_n3A_331 = arith.select %ge3A_328, %get3A_47, %broadcast_in_dim3A_330 : vector<768x76xi1>, vector<768x76xf32>
    %reduce_sum3A_332 = arith.constant dense<0.000000e+00> : vector<76xf32>
    %reduce_sum3A_333 = vector.multi_reduction <add>, %select_n3A_331, %reduce_sum3A_332 [0] : vector<768x76xf32> to vector<76xf32>
    %slice3A_334 = vector.extract_strided_slice %convert_element_type3A_36 {offsets = [24, 0], sizes = [1, 768], strides = [1, 1]} : vector<32x768xi32> to vector<1x768xi32>
    %squeeze3A_335 = vector.shape_cast %slice3A_334 : vector<1x768xi32> to vector<768xi32>
    %broadcast_in_dim3A_336 = vector.shape_cast %squeeze3A_335 : vector<768xi32> to vector<768x1xi32>
    %broadcast_in_dim3A_337 = vector.shape_cast %reduce_sum3A_44 : vector<76xi32> to vector<1x76xi32>
    %ge3A_338 = vector.broadcast %broadcast_in_dim3A_336 : vector<768x1xi32> to vector<768x76xi32>
    %ge3A_339 = vector.broadcast %broadcast_in_dim3A_337 : vector<1x76xi32> to vector<768x76xi32>
    %ge3A_340 = arith.cmpi sge, %ge3A_338, %ge3A_339 : vector<768x76xi32>
    %jit3A_341 = arith.constant 0.000000e+00 : f32
    %broadcast_in_dim3A_342 = vector.broadcast %jit3A_341 : f32 to vector<768x76xf32>
    %select_n3A_343 = arith.select %ge3A_340, %get3A_47, %broadcast_in_dim3A_342 : vector<768x76xi1>, vector<768x76xf32>
    %reduce_sum3A_344 = arith.constant dense<0.000000e+00> : vector<76xf32>
    %reduce_sum3A_345 = vector.multi_reduction <add>, %select_n3A_343, %reduce_sum3A_344 [0] : vector<768x76xf32> to vector<76xf32>
    %slice3A_346 = vector.extract_strided_slice %convert_element_type3A_36 {offsets = [25, 0], sizes = [1, 768], strides = [1, 1]} : vector<32x768xi32> to vector<1x768xi32>
    %squeeze3A_347 = vector.shape_cast %slice3A_346 : vector<1x768xi32> to vector<768xi32>
    %broadcast_in_dim3A_348 = vector.shape_cast %squeeze3A_347 : vector<768xi32> to vector<768x1xi32>
    %broadcast_in_dim3A_349 = vector.shape_cast %reduce_sum3A_44 : vector<76xi32> to vector<1x76xi32>
    %ge3A_350 = vector.broadcast %broadcast_in_dim3A_348 : vector<768x1xi32> to vector<768x76xi32>
    %ge3A_351 = vector.broadcast %broadcast_in_dim3A_349 : vector<1x76xi32> to vector<768x76xi32>
    %ge3A_352 = arith.cmpi sge, %ge3A_350, %ge3A_351 : vector<768x76xi32>
    %jit3A_353 = arith.constant 0.000000e+00 : f32
    %broadcast_in_dim3A_354 = vector.broadcast %jit3A_353 : f32 to vector<768x76xf32>
    %select_n3A_355 = arith.select %ge3A_352, %get3A_47, %broadcast_in_dim3A_354 : vector<768x76xi1>, vector<768x76xf32>
    %reduce_sum3A_356 = arith.constant dense<0.000000e+00> : vector<76xf32>
    %reduce_sum3A_357 = vector.multi_reduction <add>, %select_n3A_355, %reduce_sum3A_356 [0] : vector<768x76xf32> to vector<76xf32>
    %slice3A_358 = vector.extract_strided_slice %convert_element_type3A_36 {offsets = [26, 0], sizes = [1, 768], strides = [1, 1]} : vector<32x768xi32> to vector<1x768xi32>
    %squeeze3A_359 = vector.shape_cast %slice3A_358 : vector<1x768xi32> to vector<768xi32>
    %broadcast_in_dim3A_360 = vector.shape_cast %squeeze3A_359 : vector<768xi32> to vector<768x1xi32>
    %broadcast_in_dim3A_361 = vector.shape_cast %reduce_sum3A_44 : vector<76xi32> to vector<1x76xi32>
    %ge3A_362 = vector.broadcast %broadcast_in_dim3A_360 : vector<768x1xi32> to vector<768x76xi32>
    %ge3A_363 = vector.broadcast %broadcast_in_dim3A_361 : vector<1x76xi32> to vector<768x76xi32>
    %ge3A_364 = arith.cmpi sge, %ge3A_362, %ge3A_363 : vector<768x76xi32>
    %jit3A_365 = arith.constant 0.000000e+00 : f32
    %broadcast_in_dim3A_366 = vector.broadcast %jit3A_365 : f32 to vector<768x76xf32>
    %select_n3A_367 = arith.select %ge3A_364, %get3A_47, %broadcast_in_dim3A_366 : vector<768x76xi1>, vector<768x76xf32>
    %reduce_sum3A_368 = arith.constant dense<0.000000e+00> : vector<76xf32>
    %reduce_sum3A_369 = vector.multi_reduction <add>, %select_n3A_367, %reduce_sum3A_368 [0] : vector<768x76xf32> to vector<76xf32>
    %slice3A_370 = vector.extract_strided_slice %convert_element_type3A_36 {offsets = [27, 0], sizes = [1, 768], strides = [1, 1]} : vector<32x768xi32> to vector<1x768xi32>
    %squeeze3A_371 = vector.shape_cast %slice3A_370 : vector<1x768xi32> to vector<768xi32>
    %broadcast_in_dim3A_372 = vector.shape_cast %squeeze3A_371 : vector<768xi32> to vector<768x1xi32>
    %broadcast_in_dim3A_373 = vector.shape_cast %reduce_sum3A_44 : vector<76xi32> to vector<1x76xi32>
    %ge3A_374 = vector.broadcast %broadcast_in_dim3A_372 : vector<768x1xi32> to vector<768x76xi32>
    %ge3A_375 = vector.broadcast %broadcast_in_dim3A_373 : vector<1x76xi32> to vector<768x76xi32>
    %ge3A_376 = arith.cmpi sge, %ge3A_374, %ge3A_375 : vector<768x76xi32>
    %jit3A_377 = arith.constant 0.000000e+00 : f32
    %broadcast_in_dim3A_378 = vector.broadcast %jit3A_377 : f32 to vector<768x76xf32>
    %select_n3A_379 = arith.select %ge3A_376, %get3A_47, %broadcast_in_dim3A_378 : vector<768x76xi1>, vector<768x76xf32>
    %reduce_sum3A_380 = arith.constant dense<0.000000e+00> : vector<76xf32>
    %reduce_sum3A_381 = vector.multi_reduction <add>, %select_n3A_379, %reduce_sum3A_380 [0] : vector<768x76xf32> to vector<76xf32>
    %slice3A_382 = vector.extract_strided_slice %convert_element_type3A_36 {offsets = [28, 0], sizes = [1, 768], strides = [1, 1]} : vector<32x768xi32> to vector<1x768xi32>
    %squeeze3A_383 = vector.shape_cast %slice3A_382 : vector<1x768xi32> to vector<768xi32>
    %broadcast_in_dim3A_384 = vector.shape_cast %squeeze3A_383 : vector<768xi32> to vector<768x1xi32>
    %broadcast_in_dim3A_385 = vector.shape_cast %reduce_sum3A_44 : vector<76xi32> to vector<1x76xi32>
    %ge3A_386 = vector.broadcast %broadcast_in_dim3A_384 : vector<768x1xi32> to vector<768x76xi32>
    %ge3A_387 = vector.broadcast %broadcast_in_dim3A_385 : vector<1x76xi32> to vector<768x76xi32>
    %ge3A_388 = arith.cmpi sge, %ge3A_386, %ge3A_387 : vector<768x76xi32>
    %jit3A_389 = arith.constant 0.000000e+00 : f32
    %broadcast_in_dim3A_390 = vector.broadcast %jit3A_389 : f32 to vector<768x76xf32>
    %select_n3A_391 = arith.select %ge3A_388, %get3A_47, %broadcast_in_dim3A_390 : vector<768x76xi1>, vector<768x76xf32>
    %reduce_sum3A_392 = arith.constant dense<0.000000e+00> : vector<76xf32>
    %reduce_sum3A_393 = vector.multi_reduction <add>, %select_n3A_391, %reduce_sum3A_392 [0] : vector<768x76xf32> to vector<76xf32>
    %slice3A_394 = vector.extract_strided_slice %convert_element_type3A_36 {offsets = [29, 0], sizes = [1, 768], strides = [1, 1]} : vector<32x768xi32> to vector<1x768xi32>
    %squeeze3A_395 = vector.shape_cast %slice3A_394 : vector<1x768xi32> to vector<768xi32>
    %broadcast_in_dim3A_396 = vector.shape_cast %squeeze3A_395 : vector<768xi32> to vector<768x1xi32>
    %broadcast_in_dim3A_397 = vector.shape_cast %reduce_sum3A_44 : vector<76xi32> to vector<1x76xi32>
    %ge3A_398 = vector.broadcast %broadcast_in_dim3A_396 : vector<768x1xi32> to vector<768x76xi32>
    %ge3A_399 = vector.broadcast %broadcast_in_dim3A_397 : vector<1x76xi32> to vector<768x76xi32>
    %ge3A_400 = arith.cmpi sge, %ge3A_398, %ge3A_399 : vector<768x76xi32>
    %jit3A_401 = arith.constant 0.000000e+00 : f32
    %broadcast_in_dim3A_402 = vector.broadcast %jit3A_401 : f32 to vector<768x76xf32>
    %select_n3A_403 = arith.select %ge3A_400, %get3A_47, %broadcast_in_dim3A_402 : vector<768x76xi1>, vector<768x76xf32>
    %reduce_sum3A_404 = arith.constant dense<0.000000e+00> : vector<76xf32>
    %reduce_sum3A_405 = vector.multi_reduction <add>, %select_n3A_403, %reduce_sum3A_404 [0] : vector<768x76xf32> to vector<76xf32>
    %slice3A_406 = vector.extract_strided_slice %convert_element_type3A_36 {offsets = [30, 0], sizes = [1, 768], strides = [1, 1]} : vector<32x768xi32> to vector<1x768xi32>
    %squeeze3A_407 = vector.shape_cast %slice3A_406 : vector<1x768xi32> to vector<768xi32>
    %broadcast_in_dim3A_408 = vector.shape_cast %squeeze3A_407 : vector<768xi32> to vector<768x1xi32>
    %broadcast_in_dim3A_409 = vector.shape_cast %reduce_sum3A_44 : vector<76xi32> to vector<1x76xi32>
    %ge3A_410 = vector.broadcast %broadcast_in_dim3A_408 : vector<768x1xi32> to vector<768x76xi32>
    %ge3A_411 = vector.broadcast %broadcast_in_dim3A_409 : vector<1x76xi32> to vector<768x76xi32>
    %ge3A_412 = arith.cmpi sge, %ge3A_410, %ge3A_411 : vector<768x76xi32>
    %jit3A_413 = arith.constant 0.000000e+00 : f32
    %broadcast_in_dim3A_414 = vector.broadcast %jit3A_413 : f32 to vector<768x76xf32>
    %select_n3A_415 = arith.select %ge3A_412, %get3A_47, %broadcast_in_dim3A_414 : vector<768x76xi1>, vector<768x76xf32>
    %reduce_sum3A_416 = arith.constant dense<0.000000e+00> : vector<76xf32>
    %reduce_sum3A_417 = vector.multi_reduction <add>, %select_n3A_415, %reduce_sum3A_416 [0] : vector<768x76xf32> to vector<76xf32>
    %slice3A_418 = vector.extract_strided_slice %convert_element_type3A_36 {offsets = [31, 0], sizes = [1, 768], strides = [1, 1]} : vector<32x768xi32> to vector<1x768xi32>
    %squeeze3A_419 = vector.shape_cast %slice3A_418 : vector<1x768xi32> to vector<768xi32>
    %broadcast_in_dim3A_420 = vector.shape_cast %squeeze3A_419 : vector<768xi32> to vector<768x1xi32>
    %broadcast_in_dim3A_421 = vector.shape_cast %reduce_sum3A_44 : vector<76xi32> to vector<1x76xi32>
    %ge3A_422 = vector.broadcast %broadcast_in_dim3A_420 : vector<768x1xi32> to vector<768x76xi32>
    %ge3A_423 = vector.broadcast %broadcast_in_dim3A_421 : vector<1x76xi32> to vector<768x76xi32>
    %ge3A_424 = arith.cmpi sge, %ge3A_422, %ge3A_423 : vector<768x76xi32>
    %jit3A_425 = arith.constant 0.000000e+00 : f32
    %broadcast_in_dim3A_426 = vector.broadcast %jit3A_425 : f32 to vector<768x76xf32>
    %select_n3A_427 = arith.select %ge3A_424, %get3A_47, %broadcast_in_dim3A_426 : vector<768x76xi1>, vector<768x76xf32>
    %reduce_sum3A_428 = arith.constant dense<0.000000e+00> : vector<76xf32>
    %reduce_sum3A_429 = vector.multi_reduction <add>, %select_n3A_427, %reduce_sum3A_428 [0] : vector<768x76xf32> to vector<76xf32>
    %stack3A = vector.shape_cast %reduce_sum3A_57 : vector<76xf32> to vector<1x76xf32>
    %stack3A_430 = vector.shape_cast %reduce_sum3A_69 : vector<76xf32> to vector<1x76xf32>
    %stack3A_431 = vector.shape_cast %reduce_sum3A_81 : vector<76xf32> to vector<1x76xf32>
    %stack3A_432 = vector.shape_cast %reduce_sum3A_93 : vector<76xf32> to vector<1x76xf32>
    %stack3A_433 = vector.shape_cast %reduce_sum3A_105 : vector<76xf32> to vector<1x76xf32>
    %stack3A_434 = vector.shape_cast %reduce_sum3A_117 : vector<76xf32> to vector<1x76xf32>
    %stack3A_435 = vector.shape_cast %reduce_sum3A_129 : vector<76xf32> to vector<1x76xf32>
    %stack3A_436 = vector.shape_cast %reduce_sum3A_141 : vector<76xf32> to vector<1x76xf32>
    %stack3A_437 = vector.shape_cast %reduce_sum3A_153 : vector<76xf32> to vector<1x76xf32>
    %stack3A_438 = vector.shape_cast %reduce_sum3A_165 : vector<76xf32> to vector<1x76xf32>
    %stack3A_439 = vector.shape_cast %reduce_sum3A_177 : vector<76xf32> to vector<1x76xf32>
    %stack3A_440 = vector.shape_cast %reduce_sum3A_189 : vector<76xf32> to vector<1x76xf32>
    %stack3A_441 = vector.shape_cast %reduce_sum3A_201 : vector<76xf32> to vector<1x76xf32>
    %stack3A_442 = vector.shape_cast %reduce_sum3A_213 : vector<76xf32> to vector<1x76xf32>
    %stack3A_443 = vector.shape_cast %reduce_sum3A_225 : vector<76xf32> to vector<1x76xf32>
    %stack3A_444 = vector.shape_cast %reduce_sum3A_237 : vector<76xf32> to vector<1x76xf32>
    %stack3A_445 = vector.shape_cast %reduce_sum3A_249 : vector<76xf32> to vector<1x76xf32>
    %stack3A_446 = vector.shape_cast %reduce_sum3A_261 : vector<76xf32> to vector<1x76xf32>
    %stack3A_447 = vector.shape_cast %reduce_sum3A_273 : vector<76xf32> to vector<1x76xf32>
    %stack3A_448 = vector.shape_cast %reduce_sum3A_285 : vector<76xf32> to vector<1x76xf32>
    %stack3A_449 = vector.shape_cast %reduce_sum3A_297 : vector<76xf32> to vector<1x76xf32>
    %stack3A_450 = vector.shape_cast %reduce_sum3A_309 : vector<76xf32> to vector<1x76xf32>
    %stack3A_451 = vector.shape_cast %reduce_sum3A_321 : vector<76xf32> to vector<1x76xf32>
    %stack3A_452 = vector.shape_cast %reduce_sum3A_333 : vector<76xf32> to vector<1x76xf32>
    %stack3A_453 = vector.shape_cast %reduce_sum3A_345 : vector<76xf32> to vector<1x76xf32>
    %stack3A_454 = vector.shape_cast %reduce_sum3A_357 : vector<76xf32> to vector<1x76xf32>
    %stack3A_455 = vector.shape_cast %reduce_sum3A_369 : vector<76xf32> to vector<1x76xf32>
    %stack3A_456 = vector.shape_cast %reduce_sum3A_381 : vector<76xf32> to vector<1x76xf32>
    %stack3A_457 = vector.shape_cast %reduce_sum3A_393 : vector<76xf32> to vector<1x76xf32>
    %stack3A_458 = vector.shape_cast %reduce_sum3A_405 : vector<76xf32> to vector<1x76xf32>
    %stack3A_459 = vector.shape_cast %reduce_sum3A_417 : vector<76xf32> to vector<1x76xf32>
    %stack3A_460 = vector.shape_cast %reduce_sum3A_429 : vector<76xf32> to vector<1x76xf32>
    %stack3A_461 = tpu.concatenate %stack3A, %stack3A_430, %stack3A_431, %stack3A_432, %stack3A_433, %stack3A_434, %stack3A_435, %stack3A_436, %stack3A_437, %stack3A_438, %stack3A_439, %stack3A_440, %stack3A_441, %stack3A_442, %stack3A_443, %stack3A_444, %stack3A_445, %stack3A_446, %stack3A_447, %stack3A_448, %stack3A_449, %stack3A_450, %stack3A_451, %stack3A_452, %stack3A_453, %stack3A_454, %stack3A_455, %stack3A_456, %stack3A_457, %stack3A_458, %stack3A_459, %stack3A_460 in 0 : vector<1x76xf32>, vector<1x76xf32>, vector<1x76xf32>, vector<1x76xf32>, vector<1x76xf32>, vector<1x76xf32>, vector<1x76xf32>, vector<1x76xf32>, vector<1x76xf32>, vector<1x76xf32>, vector<1x76xf32>, vector<1x76xf32>, vector<1x76xf32>, vector<1x76xf32>, vector<1x76xf32>, vector<1x76xf32>, vector<1x76xf32>, vector<1x76xf32>, vector<1x76xf32>, vector<1x76xf32>, vector<1x76xf32>, vector<1x76xf32>, vector<1x76xf32>, vector<1x76xf32>, vector<1x76xf32>, vector<1x76xf32>, vector<1x76xf32>, vector<1x76xf32>, vector<1x76xf32>, vector<1x76xf32>, vector<1x76xf32>, vector<1x76xf32> -> vector<32x76xf32>
    %reduce_sum3A_462 = arith.constant dense<0.000000e+00> : vector<76xf32>
    %reduce_sum3A_463 = vector.multi_reduction <add>, %get3A_47, %reduce_sum3A_462 [0] : vector<768x76xf32> to vector<76xf32>
    %mul3A_464 = arith.constant 2.000000e+00 : f32
    %mul3A_465 = vector.broadcast %mul3A_464 : f32 to vector<32x76xf32>
    %mul3A_466 = arith.mulf %mul3A_465, %stack3A_461 : vector<32x76xf32>
    %broadcast_in_dim3A_467 = vector.shape_cast %reduce_sum3A_463 : vector<76xf32> to vector<1x76xf32>
    %sub3A_468 = vector.broadcast %broadcast_in_dim3A_467 : vector<1x76xf32> to vector<32x76xf32>
    %sub3A_469 = arith.subf %mul3A_466, %sub3A_468 : vector<32x76xf32>
    %slice3A_470 = vector.extract_strided_slice %get3A_1 {offsets = [0, 1024], sizes = [32, 76], strides = [1, 1]} : vector<32x1100xf32> to vector<32x76xf32>
    %add3A_471 = arith.addf %sub3A_469, %slice3A_470 : vector<32x76xf32>
    %gt3A_472 = arith.constant 0.000000e+00 : f32
    %gt3A_473 = vector.broadcast %gt3A_472 : f32 to vector<32x76xf32>
    %gt3A_474 = arith.cmpf ogt, %add3A_471, %gt3A_473 : vector<32x76xf32>
    %jit3A_475 = arith.constant 1.000000e+00 : f32
    %jit3A_476 = arith.constant -1.000000e+00 : f32
    %broadcast_in_dim3A_477 = vector.broadcast %jit3A_475 : f32 to vector<32x76xf32>
    %broadcast_in_dim3A_478 = vector.broadcast %jit3A_476 : f32 to vector<32x76xf32>
    %select_n3A_479 = arith.select %gt3A_474, %broadcast_in_dim3A_477, %broadcast_in_dim3A_478 : vector<32x76xi1>, vector<32x76xf32>
    %swap3A_480 = arith.constant 0 : index
    %swap3A_481 = arith.constant 1024 : index
    %swap3A_482 = vector.load %arg6[%swap3A_480, %swap3A_481] : memref<32x1100xf32, #tpu.memory_space<vmem>>, vector<32x76xf32>
    tpu.vector_store %arg6[%swap3A_480, %swap3A_481], %select_n3A_479 {strides = array<i32>} : memref<32x1100xf32, #tpu.memory_space<vmem>>, vector<32x76xf32>,
    return
  }
}

</mosaic_0001>

<sc_bundles>
// kernel: kernel.6.cloned.1.call-start
scs
__scs_entry_jumppad:
0x0: {  	(pc) =	sbr.rel $0x88, $3  }
0x1: {  	(tag) =	ssettag $0x0;
	lr =	simm.s32 $0x1  }
0x2: {  	[smem:$0x3F9E] =	sst lr;
	_ =	strace $0xD0000000  }
0x3: {  	_ = 	snop  }
0x4: {  	_ = 	snop  }
0x5: {  	_ = 	snop  }
0x6: {  	_ = 	snop  }
0x7: {  	_ = 	snop  }
__scs_overlays_trampoline_lowered:
0x8: {  	[smem:$0x3FAD] =	sst s0  }
0x9: {  	[smem:$0x3FAE] =	sst s1  }
0xa: {  	[smem:$0x3FAF] =	sst s2  }
0xb: {  	[smem:$0x3FB0] =	sst s3  }
0xc: {  	[smem:$0x3FB1] =	sst s4  }
0xd: {  	[smem:$0x3FB2] =	sst s5  }
0xe: {  	[smem:$0x3FB3] =	sst s6  }
0xf: {  	[smem:$0x3FB4] =	sst s7  }
0x10: {  	[smem:$0x3FB5] =	sst s8  }
0x11: {  	[smem:$0x3FB6] =	sst s9;
	s0 =	simm.s32 @!p0 $0x0  }
0x12: {  	s1 =	sld [smem:$0x3F9C];
	s0 =	simm.s32 @p0 $0x1  }
0x13: {  	[smem:$0x3FB7] =	sst s0;
	s0 =	simm.s32 @!p1 $0x0  }
0x14: {  	s2 =	sld [smem:$0x3F9B];
	s0 =	simm.s32 @p1 $0x1  }
0x15: {  	[smem:$0x3FB8] =	sst s0;
	s0 =	simm.s32 @!p2 $0x0  }
0x16: {  	s3 =	sld [smem:$0x3FDB];
	s0 =	simm.s32 @p2 $0x1  }
0x17: {  	s4 =	simm.s32 $0x1BF5;
	[smem:$0x3FBA] =	sst s0  }
0x18: {  	s0 =	sld [smem:$0x3F9D];
	_ =	swait.ge [sflag:s4], $0x0  }
0x19: {  	s7 =	sld [smem:$0x3F9E]  }
0x1a: {  	s8 =	sadd.s32 $0xFFFFE003, lr  }
0x1b: {  	s9 =	sadd.s32 $0xFFFFFEF7, lr;
	s5 =	simm.s32 $0xFFFFFFFF;
	p2 =	slt.u32 s8, $0xFFFFF086  }
0x1c: {  	p1 =	slt.u32 s9, $0xF7A;
	s5 =	simm.s32 @!p2 $0x0  }
0x1d: {  	s5 =	simm.s32 @p1 $0x1;
	p0 =	seq.s32 s7, s2  }
0x1e: {  	s7 =	smul.u32 @!p0 $0xF7A, s2;
	p2 =	seq.s32 @!p0 s5, $0x0  }
0x1f: {  	s9 =	smul.u32 $0xF7A, s1;
	s8 =	simm.s32 @!p0 $0x1BF5;
	p2 =	por !p2, p0  }
0x20: {  	[sflag:s8] =	ssyncset.s32 @!p0 $0xFFFFF086;
	s6 =	sadd.s32 @!p0 s3, s7;
	s7 =	simm.s32 @!p0 $0x108  }
0x21: {  	s3 =	sadd.s32 s3, s9;
	s6 =	sadd.s32 @!p0 $0x88, s6;
	s7 =	simm.s32 @p2 $0x1082  }
0x22: {  	[simem:s7], [sflag:s8] =	dma.local @!p0 [hbm:s6], $0xF7A  }
0x23: {  	s9 =	sor.u32 $0xD0000000, s2;
	s6 =	simm.s32 $0x108;
	_ =	swait.ge @!p0 [sflag:s8], $0x0  }
0x24: {  	s3 =	sadd.s32 $0x88, s3;
	s6 =	simm.s32 @!p1 $0x1082;
	[sflag:s4] =	ssyncset.s32 $0xFFFFF086  }
0x25: {  	[simem:s6], [sflag:s4] =	dma.local [hbm:s3], $0xF7A  }
0x26: {  	[smem:$0x3F9E] =	sst s1;
	(tag) =	ssettag s2;
	_ =	strace s9  }
0x27: {  	s1 =	sld [smem:$0x3FAE]  }
0x28: {  	s2 =	sld [smem:$0x3FAF]  }
0x29: {  	s4 =	sld [smem:$0x3FB1]  }
0x2a: {  	p0 =	seq.s32 s5, $0x0;
	s5 =	sld [smem:$0x3FB2]  }
0x2b: {  	s6 =	sld [smem:$0x3FB3]  }
0x2c: {  	s7 =	sld [smem:$0x3FB4]  }
0x2d: {  	s3 =	simm.s32 $0x108;
	s8 =	sld [smem:$0x3FB5]  }
0x2e: {  	s3 =	simm.s32 @!p0 $0x1082;
	s9 =	sld [smem:$0x3FB6]  }
0x2f: {  	lr =	sadd.s32 s0, s3;
	s0 =	sld [smem:$0x3FAD]  }
0x30: {  	s3 =	sld [smem:$0x3FB0]  }
0x31: {  	[smem:$0x3FB9] =	sst s10  }
0x32: {  	s10 =	sld [smem:$0x3FB7];
	_ =	sdelay $0x3  }
0x33: {  	p0 =	seq.s32 s10, $0x1;
	s10 =	sld [smem:$0x3FB9];
	_ =	sdelay $0x3  }
0x34: {  	[smem:$0x3FB9] =	sst s10  }
0x35: {  	s10 =	sld [smem:$0x3FB8];
	_ =	sdelay $0x3  }
0x36: {  	p1 =	seq.s32 s10, $0x1;
	s10 =	sld [smem:$0x3FB9];
	_ =	sdelay $0x3  }
0x37: {  	[smem:$0x3FB9] =	sst s10  }
0x38: {  	s10 =	sld [smem:$0x3FBA]  }
0x39: {  	_ = 	snop;
	(pc) =	sbr.ind lr, $3  }
0x3a: {  	_ = 	snop  }
0x3b: {  	_ = 	snop  }
0x3c: {  	p2 =	seq.s32 s10, $0x1;
	s10 =	sld [smem:$0x3FB9]  }
0x3d: {  	_ =	shalt  }
0x3e: {  	_ =	shalt  }
0x3f: {  	_ =	shalt  }
0x40: {  	_ =	shalt  }
0x41: {  	_ =	shalt  }
0x42: {  	_ =	shalt  }
0x43: {  	_ =	shalt  }
0x44: {  	_ =	shalt  }
0x45: {  	_ =	shalt  }
0x46: {  	_ =	shalt  }
0x47: {  	_ =	shalt  }
0x48: {  	_ =	shalt  }
0x49: {  	_ =	shalt  }
0x4a: {  	_ =	shalt  }
0x4b: {  	_ =	shalt  }
0x4c: {  	_ =	shalt  }
0x4d: {  	_ =	shalt  }
0x4e: {  	_ =	shalt  }
0x4f: {  	_ =	shalt  }
0x50: {  	_ =	shalt  }
0x51: {  	_ =	shalt  }
0x52: {  	_ =	shalt  }
0x53: {  	_ =	shalt  }
0x54: {  	_ =	shalt  }
0x55: {  	_ =	shalt  }
0x56: {  	_ =	shalt  }
0x57: {  	_ =	shalt  }
0x58: {  	_ =	shalt  }
0x59: {  	_ =	shalt  }
0x5a: {  	_ =	shalt  }
0x5b: {  	_ =	shalt  }
0x5c: {  	_ =	shalt  }
0x5d: {  	_ =	shalt  }
0x5e: {  	_ =	shalt  }
0x5f: {  	_ =	shalt  }
0x60: {  	_ =	shalt  }
0x61: {  	_ =	shalt  }
0x62: {  	_ =	shalt  }
0x63: {  	_ =	shalt  }
0x64: {  	_ =	shalt  }
0x65: {  	_ =	shalt  }
0x66: {  	_ =	shalt  }
0x67: {  	_ =	shalt  }
0x68: {  	_ =	shalt  }
0x69: {  	_ =	shalt  }
0x6a: {  	_ =	shalt  }
0x6b: {  	_ =	shalt  }
0x6c: {  	_ =	shalt  }
0x6d: {  	_ =	shalt  }
0x6e: {  	_ =	shalt  }
0x6f: {  	_ =	shalt  }
0x70: {  	_ =	shalt  }
0x71: {  	_ =	shalt  }
0x72: {  	_ =	shalt  }
0x73: {  	_ =	shalt  }
0x74: {  	_ =	shalt  }
0x75: {  	_ =	shalt  }
0x76: {  	_ =	shalt  }
0x77: {  	_ =	shalt  }
0x78: {  	_ =	shalt  }
0x79: {  	_ =	shalt  }
0x7a: {  	_ =	shalt  }
0x7b: {  	_ =	shalt  }
0x7c: {  	_ =	shalt  }
0x7d: {  	_ =	shalt  }
0x7e: {  	_ =	shalt  }
0x7f: {  	_ =	shalt  }
0x80: {  	_ =	shalt  }
0x81: {  	_ =	shalt  }
0x82: {  	_ =	shalt  }
0x83: {  	_ =	shalt  }
0x84: {  	_ =	shalt  }
0x85: {  	_ =	shalt  }
0x86: {  	_ =	shalt  }
0x87: {  	_ =	shalt  }
.Lfunc_end0:
.L_simem_size_0:
called_computation_lowered:
.L_overlay_start_0:
0x88: {  	s2 =	sld [smem:$0x3FD9]  }
0x89: {  	s3 =	sld [smem:$0x3FFE];
	_ =	sdelay $0x1  }
0x8a: {  	s1 =	srdreg.scid  }
0x8b: {  	s0 =	sand.u32 $0x1, s1  }
0x8c: {  	s17 =	sshll.u32 s0, $0xA;
	s2 =	sadd.s32 s3, s2  }
0x8d: {  	s2 =	sadd.s32 s2, s17  }
0x8e: {  	[smem:$0x3FC5] =	sst s2  }
0x8f: {  	_ = 	snop  }
0x90: {  	s2 =	sld [smem:$0x3FD0];
	(tm) =	ssettm $0x1  }
0x91: {  	s18 =	sld [smem:$0x3FFB];
	_ =	sdelay $0x3  }
0x92: {  	_ =	strace s18  }
0x93: {  	s3 =	sld [smem:$0x3FFC];
	_ =	sdelay $0x3  }
0x94: {  	_ =	strace s3  }
0x95: {  	s3 =	sld [smem:$0x3FFD];
	_ =	sdelay $0x3  }
0x96: {  	_ =	strace s3  }
0x97: {  	_ =	strace $0x8FFFFFFF  }
0x98: {  	s19 =	sld [smem:$0x3FDB];
	_ =	sdelay $0x1  }
0x99: {  	s4 =	simm.s32 $_scs_section_size  }
0x9a: {  	s5 =	simm.s32 $_size__tile_overlayer_lowered;
	s6 =	simm.s32 $_tile_overlayer_lowered  }
0x9b: {  	s22 =	simm.s32 $0x1BFF;
	s21 =	sshll.u32 s6, $0x1;
	s3 =	sadd.s32 s4, s19  }
0x9c: {  	s7 =	simm.s32 $0x0;
	s20 =	sshll.u32 s5, $0x1;
	s5 =	sadd.s32 s21, s3  }
0x9d: {  	[timem:s7], [sflag:s22] =	dma.local [hbm:s5], s20  }
0x9e: {  	_ =	swait.ge [sflag:s22], s20  }
0x9f: {  	s4 =	ssub.s32 $0x0, s20;
	[sflag:s22] =	ssyncset.done $0x0  }
0xa0: {  	[sflag:s22] =	ssyncadd.s32 s4;
	_ =	sdelay $0x1  }
0xa1: {  	s23 =	simm.s32 $0x1B8B  }
0xa2: {  	_ =	swait.ge [sflag:s23], $0x1  }
0xa3: {  	[sflag:s23] =	ssyncset.done $0x0  }
0xa4: {  	s25 =	simm.s32 $0x1B8E;
	s24 =	sld [smem:$0x3FFE];
	[sflag:s23] =	ssyncadd.s32 $0xFFFFFFFF  }
0xa5: {  	s26 =	simm.s32 $execute0_lowered;
	[smem:$0x3FD2] =	sst s25  }
0xa6: {  	s5 =	sshll.u32 s26, $0x1;
	_ =	strace $0x80000046;
	[dreg:$0x1] =	wrdreg $0xFFFFFFFF  }
0xa7: {  	s28 =	simm.s32 $_size_execute0_lowered;
	s3 =	sadd.s32 s3, s5;
	[dreg:$0x0] =	wrdreg $0x0  }
0xa8: {  	s5 =	sshll.u32 s28, $0x1;
	[dreg:$0x2] =	wrdreg s3  }
0xa9: {  	[dreg:$0x3] =	wrdreg s5  }
0xaa: {  	[dreg:$0x4] =	wrdreg $0xC0  }
0xab: {  	_ =	task [dreg:s7], $0x5FFFF  }
0xac: {  	[dreg:$0x1] =	wrdreg $0xFFFFFFFF  }
0xad: {  	[dreg:$0x0] =	wrdreg $0x60  }
0xae: {  	[dreg:$0x2] =	wrdreg s24  }
0xaf: {  	[dreg:$0x3] =	wrdreg s2  }
0xb0: {  	[dreg:$0x4] =	wrdreg $0x9  }
0xb1: {  	_ =	task.clear_ibuf [dreg:s7], $0x5FFFF;
	_ =	strace $0x90000046  }
0xb2: {  	s29 =	simm.s32 $0x9;
	_ =	strace $0x80000048  }
0xb3: {  	_ =	swait.ge [sflag:s29], $0x1  }
0xb4: {  	[sflag:s29] =	ssyncadd.s32 $0xFFFFFFFF  }
0xb5: {  	_ =	strace $0x90000048  }
0xb6: {  	_ =	sfence  }
0xb7: {  	s30 =	sld [smem:$0x0];
	_ =	sdelay $0x2  }
0xb8: {  	s31 =	sshll.u32 s1, $0xD;
	s1 =	sshrl.u32 s1, $0x2  }
0xb9: {  	s3 =	sand.u32 $0x4000, s31;
	s1 =	sadd.s32 s1, s30  }
0xba: {  	s0 =	sor.u32 s3, s0;
	s1 =	sshll.u32 s1, $0x11  }
0xbb: {  	s0 =	sor.u32 s1, s0  }
0xbc: {  	s0 =	sadd.s32 $0x8F2B, s0  }
0xbd: {  	[sflag:s0] =	ssyncadd.remote.s32 $0x1  }
0xbe: {  	_ =	sfence.sel $0xFFFF  }
0xbf: {  	[dreg:$0x0] =	wrdreg $0xFFFFFFFF;
	(pc) =	sbr.abs _section_cstart, $3  }
0xc0: {  	[dreg:$0x1] =	wrdreg $0xFFFFFFFF  }
0xc1: {  	_ =	task.clear_ibuf [dreg:s7], $0x2FFFF;
	_ =	strace $0x9FFFFFFF  }
0xc2: {  	(tm) =	ssettm $0x7FFFFFFF  }
0xc3: {  	_ =	shalt  }
tec
execute0_lowered:
.L_overlay_start_1:
0x0: {  	(tag) =	ssettag $0x1  }
0x1: {  	s1 =	srdreg.scid;
	s4 =	rddreg [dreg:$0x0]  }
0x2: {  	s0 =	stileid.u32;
	s7 =	rddreg [dreg:$0x1];
	s2 =	simm.s32 $0x0  }
0x3: {  	s12 =	simm.s32 $0x2400;
	s13 =	simm.s32 $0x300;
	s14 =	simm.s32 $0x6700  }
0x4: {  	s15 =	simm.s32 $0x80;
	s16 =	simm.s32 $0x400;
	s17 =	simm.s32 $0xE700  }
0x5: {  	s18 =	simm.s32 $0x0;
	s3 =	sand.u32 $0x1, s1;
	s1 =	rddreg [dreg:$0x2]  }
0x6: {  	s26 =	sshll.u32 s0, $0x1;
	[smem:$0x7FF] =	sst s2;
	s11 =	sshll.u32 s0, $0x8  }
0x7: {  	s6 =	sor.u32 s3, s26;
	_ =	strace $0x80000047;
	s10 =	ssub.s32 $0x2, s3  }
0x8: {  	s3 =	sadd.s32 $0x1200, s4;
	s29 =	sand.u32 $0xC00, s11;
	s5 =	smul.u32 $0x60, s6  }
0x9: {  	v0 =	vimm.s32 $0x0;
	v1 =	vimm.s32 $0x1;
	s11 =	simm.s32 $0x2000;
	s8 =	smul.u32 $0xD80, s6;
	s9 =	sshll.u32 s6, $0xC  }
0xa: {  	v3 =	vimm.s32 $0x2;
	v2 =	vimm.s32 $0x3;
	v4 =	vimm.s32 $0x4;
	s28 =	sshrl.u32 s10, $0x1;
	s30 =	sshll.u32 s6, $0x4;
	s7 =	sadd.s32 s7, s29  }
0xb: {  	v5 =	vimm.s32 $0x5;
	v6 =	vimm.s32 $0x6;
	v7 =	vimm.s32 $0x7;
	s9 =	sadd.s32 s9, s4;
	s10 =	ssub.s32 s10, s28;
	s31 =	sand.u32 $0x70, s30  }
0xc: {  	v8 =	vimm.s32 $0x8;
	v9 =	vimm.s32 $0x9;
	v62 =	vimm.s32 $0xA;
	s5 =	sadd.s32 s5, s4;
	s8 =	sadd.s32 s8, s4;
	s6 =	sadd.s32 $0x92000, s9  }
0xd: {  	v10 =	vimm.s32 $0xB;
	v11 =	vimm.s32 $0xC;
	v12 =	vimm.s32 $0xD;
	s7 =	sadd.s32 s31, s7;
	s9 =	simm.s32 $0x1;
	s4 =	sadd.s32 $0x1400, s5  }
0xe: {  	v13 =	vimm.s32 $0xE;
	v14 =	vimm.s32 $0xF;
	v15 =	vimm.s32 $0xD;
	s5 =	sadd.s32 $0x2000, s8;
	s8 =	smax.u32 s10, $0x1;
	s10 =	simm.s32 $0x6300  }
.LBB2_1:
0xf: {  	[tilespmem:s2], [sflag:$0x1] =	stream.linear.gather [hbm4b:s4+s2], $0x300, $0x38;
	[tilespmem:$0xEB00] =	vst v63  }
0x10: {  	_ =	swait.ge [sflag:s9], $0x300  }
0x11: {  	[sflag:s9] =	ssyncset.done $0x0  }
0x12: {  	[sflag:s9] =	ssyncadd.s32 $0xFFFFFD00  }
0x13: {  	[tilespmem:s10], [sflag:$0x1] =	stream.linear.gather [hbm4b:s3+s2], $0x400, $0x38;
	[tilespmem:$0xEB00] =	vst v63  }
0x14: {  	_ =	swait.ge [sflag:s9], $0x400  }
0x15: {  	[sflag:s9] =	ssyncset.done $0x0  }
0x16: {  	[sflag:s9] =	ssyncadd.s32 $0xFFFFFC00  }
0x17: {  	[tilespmem:s13], [sflag:$0x1] =	stream.strided.gather [hbm4b:s5+s11], $0x6000, s12, s11, $0x38;
	[tilespmem:$0xEB00] =	vst v63  }
0x18: {  	_ =	swait.ge [sflag:s9], $0x6000  }
0x19: {  	[sflag:s9] =	ssyncset.done $0x0  }
0x1a: {  	s19 =	simm.s32 $0x0;
	[sflag:s9] =	ssyncadd.s32 $0xFFFFA000  }
.LBB2_2:
0x1b: {  	s23 =	simm.s32 $0x0  }
0x1c: {  	v29 =	vld [tilespmem:s23+$0x0]  }
0x1d: {  	v32 =	vld [tilespmem:s23+$0x10];
	_ =	sdelay $0x3  }
0x1e: {  	v17 =	vperm.xlane v29, v1;
	v19 =	vperm.xlane v29, v9  }
0x1f: {  	v21 =	vperm.xlane v29, v6;
	v23 =	vperm.xlane v32, v14  }
0x20: {  	v22 =	vperm.xlane v29, v3;
	v24 =	vperm.xlane v32, v13  }
0x21: {  	v25 =	vperm.xlane v29, v62;
	v26 =	vperm.xlane v29, v7  }
0x22: {  	v27 =	vperm.xlane v32, v11;
	v34 =	vperm.xlane v32, v62  }
0x23: {  	s22 =	simm.s32 $0x0;
	v30 =	vperm.xlane v29, v11;
	v31 =	vperm.xlane v29, v4  }
0x24: {  	s21 =	sshrl.u32 s19, $0x3;
	s20 =	sand.u32 $0x18, s22;
	v36 =	vperm.xlane v29, v2;
	v33 =	vperm.xlane v32, v4  }
0x25: {  	s20 =	sadd.s32 s21, s20;
	v37 =	vperm.xlane v32, v7;
	v38 =	vperm.xlane v32, v2  }
0x26: {  	s24 =	sshll.u32 s20, $0xA;
	s20 =	sshll.u32 s19, $0x4;
	v39 =	vperm.xlane v32, v5;
	v40 =	vperm.xlane v29, v8  }
0x27: {  	v16 =	vld [tilespmem:s20+$0x6300];
	v45 =	vperm.xlane v32, v3;
	v41 =	vperm.xlane v29, v0  }
0x28: {  	s31 =	sand.u32 $0x380, s22;
	s24 =	sand.u32 $0x3FFFFC00, s24;
	v46 =	vperm.xlane v29, v14;
	v42 =	vperm.xlane v29, v13  }
0x29: {  	v20 =	vimm.f32 $0.0e+00;
	s22 =	sand.u32 $0x70, s20;
	s23 =	sor.u32 s31, s24;
	v43 =	vperm.xlane v32, v6;
	v48 =	vperm.xlane v32, v9  }
0x2a: {  	s23 =	sor.u32 s22, s23;
	v55 =	vperm.xlane v32, v0;
	v56 =	vperm.xlane v32, v1;
	v13 =	vimm.s32 $0xB  }
0x2b: {  	v7 =	vimm.s32 $0x4;
	v9 =	vimm.s32 $0x6;
	v6 =	vimm.s32 $0x3;
	v18 =	vld [tilespmem:s23+$0x300]  }
0x2c: {  	vm0 =	vlt.s32 v17, v16;
	vm1 =	vlt.s32 v21, v16;
	v21 =	vperm.xlane v32, v12  }
0x2d: {  	vm2 =	vlt.s32 v22, v16;
	vm3 =	vlt.s32 v26, v16;
	vm4 =	vlt.s32 v19, v16  }
0x2e: {  	v22 =	vperm.xlane v32, v10;
	vm5 =	vlt.s32 v40, v16;
	vm15 =	vlt.s32 v33, v16  }
0x2f: {  	vm7 =	vlt.s32 v37, v16;
	vm9 =	vlt.s32 v48, v16;
	v40 =	vimm.f32 $0.0e+00  }
0x30: {  	v48 =	vimm.f32 $0.0e+00;
	v17 =	vadd.f32 v18, v20;
	v35 =	vsel vm0, $0x0, v18  }
0x31: {  	vm0 =	vlt.s32 v25, v16;
	v19 =	vsel vm1, $0x0, v18;
	v25 =	vsel vm3, $0x0, v18  }
0x32: {  	v28 =	vsel vm4, $0x0, v18;
	vm1 =	vlt.s32 v21, v16;
	vm3 =	vlt.s32 v30, v16  }
0x33: {  	vm4 =	vlt.s32 v27, v16;
	v30 =	vsel vm2, $0x0, v18;
	vm2 =	vlt.s32 v31, v16  }
0x34: {  	v27 =	vperm.xlane v29, v5;
	v53 =	vsel vm7, $0x0, v18;
	v57 =	vsel vm15, $0x0, v18  }
0x35: {  	v61 =	vsel vm9, $0x0, v18;
	v5 =	vimm.s32 $0xE;
	v26 =	vsel vm0, $0x0, v18  }
0x36: {  	vm0 =	vlt.s32 v24, v16;
	v25 =	vadd.f32 v25, v20;
	v24 =	vadd.f32 v28, v20  }
0x37: {  	v28 =	vperm.xlane v29, v12;
	v31 =	vsel vm3, $0x0, v18;
	v50 =	vsel vm4, $0x0, v18  }
0x38: {  	v30 =	vadd.f32 v30, v20;
	vm3 =	vlt.s32 v38, v16;
	vm4 =	vlt.s32 v39, v16  }
0x39: {  	v38 =	vperm.xlane v29, v10;
	v29 =	vperm.xlane v32, v8;
	v32 =	vadd.f32 v53, v20  }
0x3a: {  	v52 =	vadd.f32 v35, v20;
	v58 =	vsel vm2, $0x0, v18;
	v53 =	vimm.f32 $0.0e+00  }
0x3b: {  	v10 =	vimm.s32 $0x7;
	v12 =	vimm.s32 $0x9;
	v21 =	vadd.f32 v26, v20  }
0x3c: {  	v26 =	vsel vm1, $0x0, v18;
	vm1 =	vlt.s32 v23, v16;
	v23 =	vadd.f32 v19, v20  }
0x3d: {  	v47 =	vsel vm3, $0x0, v18;
	vm3 =	vlt.s32 v46, v16;
	v54 =	vsel vm4, $0x0, v18  }
0x3e: {  	vm4 =	vlt.s32 v42, v16;
	v63 =	vsel vm0, $0x0, v18;
	v46 =	vimm.f32 $0.0e+00  }
0x3f: {  	v42 =	vimm.f32 $0.0e+00;
	v19 =	vsel vm1, $0x0, v18;
	vm1 =	vlt.s32 v27, v16  }
0x40: {  	v27 =	vadd.f32 v31, v20;
	vm6 =	vlt.s32 v28, v16;
	v28 =	vsel vm5, $0x0, v18  }
0x41: {  	vm5 =	vlt.s32 v45, v16;
	vm8 =	vlt.s32 v29, v16;
	v29 =	vadd.f32 v47, v20  }
0x42: {  	v49 =	vsel vm3, $0x0, v18;
	vm3 =	vlt.s32 v41, v16;
	v60 =	vsel vm4, $0x0, v18  }
0x43: {  	vm4 =	vlt.s32 v34, v16;
	vm0 =	vlt.s32 v38, v16;
	v38 =	vadd.f32 v61, v20  }
0x44: {  	v35 =	vadd.f32 v63, v20;
	v45 =	vimm.f32 $0.0e+00;
	v19 =	vadd.f32 v19, v20  }
0x45: {  	v44 =	vsel vm6, $0x0, v18;
	v31 =	vadd.f32 v28, v20;
	v51 =	vsel vm1, $0x0, v18  }
0x46: {  	v33 =	vadd.f32 v49, v20;
	v39 =	vsel vm8, $0x0, v18;
	vm1 =	vlt.s32 v36, v16  }
0x47: {  	v59 =	vsel vm5, $0x0, v18;
	v41 =	vadd.f32 v60, v20;
	v34 =	vsel vm4, $0x0, v18  }
0x48: {  	v28 =	vadd.f32 v44, v20;
	v36 =	vadd.f32 v59, v20;
	v44 =	vsel vm1, $0x0, v18  }
0x49: {  	vm1 =	vlt.s32 v43, v16;
	v49 =	vadd.f32 v51, v20;
	v34 =	vadd.f32 v34, v20  }
0x4a: {  	v37 =	vadd.f32 v39, v20;
	v51 =	vimm.f32 $0.0e+00;
	v39 =	vimm.f32 $0.0e+00  }
0x4b: {  	s25 =	simm.s32 $0x1;
	s23 =	simm.s32 $0x80;
	v43 =	vimm.f32 $0.0e+00;
	v47 =	vadd.f32 v44, v20;
	v44 =	vimm.f32 $0.0e+00  }
.LBB2_3:
0x4c: {  	v59 =	vsel vm3, $0x0, v18;
	v20 =	vadd.f32 v58, v20;
	v58 =	vsel vm0, $0x0, v18;
	s24 =	smov.u32 s25  }
0x4d: {  	s26 =	sand.u32 $0x18, s25;
	s28 =	sshra.s32 s23, $0x2;
	v39 =	vadd.f32 v50, v39;
	vm0 =	vlt.s32 v55, v16;
	v43 =	vadd.f32 v57, v43;
	s24 =	sadd.s32 $0x1, s25  }
0x4e: {  	v40 =	vadd.f32 v26, v40;
	v45 =	vadd.f32 v54, v45;
	v8 =	vimm.s32 $0x1;
	v60 =	vld [tilespmem:s28+$0x0]  }
0x4f: {  	p0 =	sne.s32 s25, $0x17;
	v11 =	vimm.s32 $0xF;
	s26 =	sadd.s32 s21, s26;
	v51 =	vadd.f32 v58, v51;
	v58 =	vsel vm1, $0x0, v18  }
0x50: {  	v0 =	vimm.s32 $0xC;
	v2 =	vimm.s32 $0x5;
	v4 =	vimm.s32 $0x8;
	v61 =	vld [tilespmem:s28+$0x10]  }
0x51: {  	v53 =	vadd.f32 v59, v53;
	vm1 =	vlt.s32 v56, v16;
	v50 =	vsel vm0, $0x0, v18;
	s25 =	sshll.u32 s26, $0xA  }
0x52: {  	vm0 =	vlt.s32 v22, v16;
	s26 =	sand.u32 $0x380, s23;
	v55 =	vsel vm1, $0x0, v18;
	v48 =	vadd.f32 v50, v48;
	s25 =	sand.u32 $0x3FFFFC00, s25  }
0x53: {  	v22 =	vsel vm0, $0x0, v18;
	v46 =	vadd.f32 v55, v46;
	s25 =	sor.u32 s26, s25;
	v26 =	vperm.xlane v60, v8  }
0x54: {  	v44 =	vadd.f32 v58, v44;
	s25 =	sor.u32 s22, s25;
	v50 =	vperm.xlane v60, v12;
	v54 =	vperm.xlane v60, v9  }
0x55: {  	v42 =	vadd.f32 v22, v42;
	v18 =	vld [tilespmem:s25+$0x300];
	v22 =	vperm.xlane v60, v3;
	v55 =	vperm.xlane v61, v11  }
0x56: {  	v14 =	vimm.s32 $0x0;
	v56 =	vperm.xlane v61, v15;
	v57 =	vperm.xlane v61, v0  }
0x57: {  	v59 =	vperm.xlane v61, v62;
	vm0 =	vlt.s32 v26, v16;
	v26 =	vperm.xlane v61, v5  }
0x58: {  	v1 =	vperm.xlane v61, v6;
	vm1 =	vlt.s32 v54, v16;
	v54 =	vperm.xlane v60, v62  }
0x59: {  	vm2 =	vlt.s32 v22, v16;
	v22 =	vperm.xlane v60, v10;
	vm4 =	vlt.s32 v50, v16  }
0x5a: {  	v17 =	vadd.f32 v18, v17;
	v58 =	vsel vm0, $0x0, v18;
	vm0 =	vlt.s32 v54, v16  }
0x5b: {  	vm3 =	vlt.s32 v22, v16;
	v22 =	vperm.xlane v61, v13;
	v50 =	vsel vm1, $0x0, v18  }
0x5c: {  	v54 =	vsel vm3, $0x0, v18;
	v62 =	vsel vm4, $0x0, v18;
	vm1 =	vlt.s32 v56, v16  }
0x5d: {  	v56 =	vperm.xlane v60, v0;
	vm4 =	vlt.s32 v57, v16;
	v63 =	vsel vm0, $0x0, v18  }
0x5e: {  	v57 =	vperm.xlane v60, v6;
	vm0 =	vlt.s32 v26, v16;
	v21 =	vadd.f32 v63, v21  }
0x5f: {  	v26 =	vsel vm1, $0x0, v18;
	vm1 =	vlt.s32 v55, v16;
	v63 =	vperm.xlane v60, v7  }
0x60: {  	v0 =	vperm.xlane v61, v10;
	v23 =	vadd.f32 v50, v23;
	vm3 =	vlt.s32 v56, v16  }
0x61: {  	v55 =	vsel vm2, $0x0, v18;
	v25 =	vadd.f32 v54, v25;
	v24 =	vadd.f32 v62, v24  }
0x62: {  	v54 =	vperm.xlane v61, v7;
	v62 =	vperm.xlane v60, v2;
	v50 =	vsel vm1, $0x0, v18  }
0x63: {  	v56 =	vperm.xlane v60, v15;
	v19 =	vadd.f32 v50, v19;
	vm2 =	vlt.s32 v63, v16  }
0x64: {  	v2 =	vperm.xlane v61, v2;
	v30 =	vadd.f32 v55, v30;
	v63 =	vsel vm3, $0x0, v18  }
0x65: {  	vm7 =	vlt.s32 v0, v16;
	v50 =	vsel vm4, $0x0, v18;
	vm1 =	vlt.s32 v62, v16  }
0x66: {  	v62 =	vperm.xlane v60, v4;
	vm4 =	vlt.s32 v1, v16;
	v27 =	vadd.f32 v63, v27  }
0x67: {  	v1 =	vperm.xlane v60, v13;
	vm3 =	vlt.s32 v2, v16;
	vm6 =	vlt.s32 v56, v16  }
0x68: {  	v56 =	vperm.xlane v61, v3;
	v3 =	vperm.xlane v61, v12;
	vm5 =	vlt.s32 v62, v16  }
0x69: {  	v0 =	vsel vm1, $0x0, v18;
	v55 =	vsel vm6, $0x0, v18;
	v2 =	vsel vm5, $0x0, v18  }
0x6a: {  	v62 =	vperm.xlane v60, v14;
	v28 =	vadd.f32 v55, v28;
	v31 =	vadd.f32 v2, v31  }
0x6b: {  	v63 =	vsel vm4, $0x0, v18;
	vm5 =	vlt.s32 v56, v16;
	v2 =	vperm.xlane v60, v11  }
0x6c: {  	vm4 =	vlt.s32 v54, v16;
	v54 =	vperm.xlane v61, v4;
	v60 =	vperm.xlane v60, v5  }
0x6d: {  	vm1 =	vlt.s32 v57, v16;
	vm6 =	vlt.s32 v2, v16;
	v2 =	vperm.xlane v61, v9  }
0x6e: {  	v55 =	vperm.xlane v61, v14;
	v56 =	vperm.xlane v61, v8;
	vm8 =	vlt.s32 v54, v16  }
0x6f: {  	v29 =	vadd.f32 v63, v29;
	vm9 =	vlt.s32 v3, v16;
	v54 =	vsel vm3, $0x0, v18  }
0x70: {  	vm3 =	vlt.s32 v62, v16;
	v62 =	vsel vm1, $0x0, v18;
	v3 =	vsel vm6, $0x0, v18  }
0x71: {  	v61 =	vsel vm8, $0x0, v18;
	v33 =	vadd.f32 v3, v33;
	v3 =	vsel vm7, $0x0, v18  }
0x72: {  	v57 =	vsel vm4, $0x0, v18;
	v47 =	vadd.f32 v62, v47  }
0x73: {  	vm4 =	vlt.s32 v60, v16;
	v60 =	vsel vm5, $0x0, v18;
	v32 =	vadd.f32 v3, v32  }
0x74: {  	v36 =	vadd.f32 v60, v36;
	v60 =	vsel vm9, $0x0, v18;
	v3 =	vsel vm4, $0x0, v18  }
.Ltmp0:
0x75: {  	vm4 =	vlt.s32 v59, v16;
	v41 =	vadd.f32 v3, v41;
	v3 =	vimm.s32 $0x2;
	(pc) =	sbr.rel @p0 .LBB2_3-.Ltmp0, $4  }
0x76: {  	v62 =	vimm.s32 $0xA;
	vm1 =	vlt.s32 v2, v16;
	v2 =	vsel vm4, $0x0, v18  }
0x77: {  	v49 =	vadd.f32 v0, v49;
	v0 =	vsel vm0, $0x0, v18;
	v34 =	vadd.f32 v2, v34  }
0x78: {  	v52 =	vadd.f32 v58, v52;
	vm0 =	vlt.s32 v1, v16;
	v37 =	vadd.f32 v61, v37  }
0x79: {  	s23 =	sadd.s32 $0x80, s23;
	s25 =	smov.u32 s24;
	v58 =	vsel vm2, $0x0, v18;
	v35 =	vadd.f32 v0, v35;
	v38 =	vadd.f32 v60, v38  }
0x7a: {  	v0 =	vsel vm3, $0x0, v18;
	s21 =	sshll.u32 s21, $0xA  }
0x7b: {  	v0 =	vadd.f32 v0, v53;
	s21 =	sand.u32 $0x3FFFFC00, s21  }
0x7c: {  	s21 =	sor.u32 s22, s21  }
0x7d: {  	[tilespmem:s21+$0x6700] =	vst v0  }
0x7e: {  	[tilespmem:s21+$0x6780] =	vst v52  }
0x7f: {  	[tilespmem:s21+$0x6800] =	vst v30  }
0x80: {  	[tilespmem:s21+$0x6880] =	vst v47  }
0x81: {  	[tilespmem:s21+$0x6980] =	vst v49  }
0x82: {  	[tilespmem:s21+$0x6A00] =	vst v23  }
0x83: {  	[tilespmem:s21+$0x6A80] =	vst v25  }
0x84: {  	[tilespmem:s21+$0x8700] =	vst v31  }
0x85: {  	[tilespmem:s21+$0x8780] =	vst v24  }
0x86: {  	[tilespmem:s21+$0x8800] =	vst v21  }
0x87: {  	[tilespmem:s21+$0x8900] =	vst v27  }
0x88: {  	[tilespmem:s21+$0x8980] =	vst v28  }
0x89: {  	[tilespmem:s21+$0x8A00] =	vst v41  }
0x8a: {  	[tilespmem:s21+$0x8A80] =	vst v33  }
0x8b: {  	v2 =	vadd.f32 v54, v45;
	[tilespmem:s21+$0xA800] =	vst v36  }
0x8c: {  	[tilespmem:s21+$0xA880] =	vst v29  }
0x8d: {  	[tilespmem:s21+$0xA980] =	vst v2  }
0x8e: {  	[tilespmem:s21+$0xAA80] =	vst v32  }
0x8f: {  	v0 =	vadd.f32 v58, v20;
	[tilespmem:s21+$0xC700] =	vst v37  }
0x90: {  	[tilespmem:s21+$0xC780] =	vst v38  }
0x91: {  	vm2 =	vlt.s32 v56, v16;
	[tilespmem:s21+$0x6900] =	vst v0;
	v0 =	vsel vm0, $0x0, v18  }
0x92: {  	v1 =	vsel vm2, $0x0, v18;
	[tilespmem:s21+$0xC800] =	vst v34;
	v0 =	vadd.f32 v0, v51  }
0x93: {  	vm14 =	vlt.s32 v55, v16;
	v1 =	vadd.f32 v1, v46;
	[tilespmem:s21+$0xCA00] =	vst v35  }
0x94: {  	[tilespmem:s21+$0x8880] =	vst v0;
	v0 =	vsel vm14, $0x0, v18  }
0x95: {  	[tilespmem:s21+$0xA780] =	vst v1;
	v1 =	vsel vm1, $0x0, v18;
	v0 =	vadd.f32 v0, v48  }
0x96: {  	[tilespmem:s21+$0xCA80] =	vst v19;
	v1 =	vadd.f32 v1, v44  }
0x97: {  	vm15 =	vlt.s32 v22, v16;
	s19 =	sadd.s32 $0x1, s19;
	[tilespmem:s21+$0xA700] =	vst v0;
	v0 =	vadd.f32 v57, v43  }
0x98: {  	v4 =	vimm.s32 $0x4;
	v5 =	vimm.s32 $0x5;
	p0 =	sne.s32 s19, $0x40;
	v2 =	vadd.f32 v26, v40;
	[tilespmem:s21+$0xAA00] =	vst v1  }
.Ltmp1:
0x99: {  	v6 =	vimm.s32 $0x6;
	v1 =	vadd.f32 v50, v39;
	[tilespmem:s21+$0xA900] =	vst v0;
	v0 =	vsel vm15, $0x0, v18;
	(pc) =	sbr.rel @p0 .LBB2_2-.Ltmp1, $4  }
0x9a: {  	v7 =	vimm.s32 $0x7;
	v8 =	vimm.s32 $0x8;
	[tilespmem:s21+$0xC980] =	vst v2;
	v0 =	vadd.f32 v0, v42  }
0x9b: {  	v9 =	vimm.s32 $0x9;
	v10 =	vimm.s32 $0xB;
	v11 =	vimm.s32 $0xC;
	[tilespmem:s21+$0xC900] =	vst v1  }
0x9c: {  	v12 =	vimm.s32 $0xD;
	v13 =	vimm.s32 $0xE;
	v14 =	vimm.s32 $0xF;
	[tilespmem:s21+$0xC880] =	vst v0  }
0x9d: {  	v2 =	vimm.s32 $0x3;
	v1 =	vimm.s32 $0x1;
	v0 =	vimm.s32 $0x0;
	[tilespmem:s20+$0xE700] =	vst v17  }
0x9e: {  	[hbm4b:s6+s2] =	stream.linear.scatter [tilespmem:s14], [sflag:$0x1], $0x8000, $0x38;
	[tilespmem:$0xEB00] =	vst v63  }
0x9f: {  	s18 =	sadd.s32 $0x1, s18;
	_ =	swait.ge [sflag:s9], $0x8000  }
0xa0: {  	p0 =	sne.s32 s18, s8;
	[sflag:s9] =	ssyncset.done $0x0  }
.Ltmp2:
0xa1: {  	[sflag:s9] =	ssyncadd.s32 $0xFFFF8000;
	(pc) =	sbr.rel @p0 .LBB2_1-.Ltmp2, $4  }
0xa2: {  	[hbm4b:s7+s15] =	stream.strided.scatter [tilespmem:s17], [sflag:$0x1], $0x400, s16, s15, $0x38;
	[tilespmem:$0xEB00] =	vst v63  }
0xa3: {  	_ =	swait.ge [sflag:s9], $0x400  }
0xa4: {  	[sflag:s9] =	ssyncset.done $0x0  }
0xa5: {  	[sflag:s9] =	ssyncadd.s32 $0xFFFFFC00  }
0xa6: {  	_ =	sfence.sel $0x180000  }
0xa7: {  	[bflag:$0x0] =	sbarrier.arrive $0xFFFF  }
0xa8: {  	p0 =	sne.s32 s0, $0x0;
	_ =	strace $0x90000047  }
0xa9: {  	s0 =	sadd.s32 @!p0 $0x100000, s1;
	[bflag:$0x2] =	sbarrier.arrive $0xFFFF  }
0xaa: {  	[sflag:s0] =	ssyncadd.tile.s32 @!p0 $0x1;
	_ =	shalt  }
.Lfunc_end2:
_tile_overlayer_lowered:
.L_overlay_start_2:
0xab: {  	(tag) =	ssettag $0x2  }
0xac: {  	s0 =	rddreg [dreg:$0x0];
	s2 =	stileid.u32  }
0xad: {  	s1 =	rddreg [dreg:$0x1];
	p0 =	sne.s32 s2, $0x0  }
0xae: {  	s3 =	rddreg [dreg:$0x2];
	[bflag:$0x3] =	sbarrier.arrive $0xFFFF;
	s2 =	simm.s32 @!p0 $0x1C01  }
0xaf: {  	[timem:s3], [sflag:s2] =	dma.local @!p0 [hbm:s0], s1  }
0xb0: {  	s0 =	simm.s32 @!p0 $0x1  }
0xb1: {  	_ =	swait.ge @!p0 [sflag:s0], s1  }
0xb2: {  	s1 =	ssub.s32 @!p0 $0x0, s1;
	[sflag:s0] =	ssyncset.done @!p0 $0x0  }
0xb3: {  	[sflag:s0] =	ssyncadd.s32 @!p0 s1  }
0xb4: {  	[bflag:$0x3] =	sbarrier.arrive $0xFFFF  }
0xb5: {  	_ =	shalt  }

</sc_bundles>
